<compile_context>
chip_gen: v7x
topology: tpu7x:2x2x1
jax: 0.10.2.dev20260603
libtpu: 0.0.44.dev20260713+nightly
codegen_flags: <defaults>
</compile_context>

<pallas_src>
import functools

import jax
import jax.numpy as jnp
from jax import lax
from jax.experimental import pallas as pl
from jax.experimental.pallas import tpu as pltpu
from jax.experimental.pallas import tpu_sc as plsc

HIDDEN = 1024
NUM_WORKERS = 32
CHUNK = 16
NBUF = 7
IN_FLIGHT = NBUF - 1


def _make_lookup(b_total: int):
    b_per_w = b_total // NUM_WORKERS
    n_chunk = b_per_w // CHUNK

    mesh = plsc.VectorSubcoreMesh(core_axis_name="c", subcore_axis_name="s")

    @functools.partial(
        pl.kernel,
        mesh=mesh,
        out_type=jax.ShapeDtypeStruct((b_total, HIDDEN), jnp.float32),
        scratch_types=[
            pltpu.VMEM((n_chunk, CHUNK), jnp.int32),
            pltpu.VMEM((NBUF, CHUNK, HIDDEN), jnp.float32),
        ]
        + [pltpu.SemaphoreType.DMA] * (2 * NBUF),
    )
    def lookup(idx_hbm, table_hbm, out_hbm, idx_v, rows_v, *sems):
        wid = lax.axis_index("s") * 2 + lax.axis_index("c")
        base = wid * b_per_w
        gsem = sems[:NBUF]
        ssem = sems[NBUF:]
        pltpu.sync_copy(idx_hbm.at[wid], idx_v)

        def gather(c):
            return pltpu.async_copy(
                table_hbm.at[idx_v.at[c]], rows_v.at[c % NBUF],
                gsem[c % NBUF])

        def scatter(c):
            return pltpu.async_copy(
                rows_v.at[c % NBUF],
                out_hbm.at[pl.ds(base + c * CHUNK, CHUNK)],
                ssem[c % NBUF])

        gathers = [None] * n_chunk
        scatters = [None] * n_chunk
        for k in range(IN_FLIGHT):
            gathers[k] = gather(k)
        for c in range(n_chunk):
            nxt = c + IN_FLIGHT
            if nxt < n_chunk:
                if nxt >= NBUF:
                    scatters[nxt - NBUF].wait()
                gathers[nxt] = gather(nxt)
            gathers[c].wait()
            scatters[c] = scatter(c)
        for c in range(max(0, n_chunk - NBUF), n_chunk):
            scatters[c].wait()

    return lookup


def kernel(input_ids, embed_tokens_weight):
    b, s = input_ids.shape
    b_total = b * s
    ids = input_ids.astype(jnp.int32).reshape(
        NUM_WORKERS, b_total // (NUM_WORKERS * CHUNK), CHUNK)
    out = _make_lookup(b_total)(ids, embed_tokens_weight)
    return out.reshape(b, s, HIDDEN)

# --- scband reference (transcript-rebuilt; emitter-appended) ---
"""Pipeline reference for scband-trellis-model-49735721288059 (READ-ONLY COPY).

The authoritative reference and input builder live on the scoring server;
editing this copy changes nothing except your own understanding.
"""

import jax, jax.numpy as jnp
import numpy as np

VOCAB_SIZE = 100000
HIDDEN_SIZE = 1024
BATCH = 4
SEQ_LEN = 4096


def setup_inputs(seed: int = 0) -> dict:
    key = jax.random.key(seed)
    k_ids, k_emb = jax.random.split(key)
    input_ids = jax.random.randint(k_ids, (BATCH, SEQ_LEN), 0, VOCAB_SIZE, dtype=jnp.int64 if jax.config.jax_enable_x64 else jnp.int32)
    embed_tokens_weight = jax.random.normal(k_emb, (VOCAB_SIZE, HIDDEN_SIZE), dtype=jnp.float32)
    return {"input_ids": input_ids, "embed_tokens_weight": embed_tokens_weight}


def reference(input_ids, embed_tokens_weight):
    # TrellisModel.forward: hidden_states = self.embed_tokens(input_ids)
    hidden_states = jnp.take(embed_tokens_weight, input_ids, axis=0)
    return hidden_states

if __name__ == "__main__":
    import jax
    _d = setup_inputs()
    print(jax.jit(kernel)(*tuple(_d.values())))

</pallas_src>

<mosaic_0001>
#map = affine_map<(d0, d1) -> (0, 0, 0)>
#map1 = affine_map<(d0, d1) -> (0, 0)>
module attributes {stable_mosaic.version = 14 : i64} {
  func.func @lookup(%arg0: i32, %arg1: i32, %arg2: memref<32x32x16xi32, #tpu.memory_space<hbm>>, %arg3: memref<100000x1024xf32, #tpu.memory_space<hbm>>, %arg4: memref<16384x1024xf32, #tpu.memory_space<hbm>>, %arg5: memref<32x16xi32, #tpu.memory_space<vmem>>, %arg6: memref<7x16x1024xf32, #tpu.memory_space<vmem>>, %arg7: memref<!tpu.dma_semaphore, #tpu.memory_space<semaphore_mem>>, %arg8: memref<!tpu.dma_semaphore, #tpu.memory_space<semaphore_mem>>, %arg9: memref<!tpu.dma_semaphore, #tpu.memory_space<semaphore_mem>>, %arg10: memref<!tpu.dma_semaphore, #tpu.memory_space<semaphore_mem>>, %arg11: memref<!tpu.dma_semaphore, #tpu.memory_space<semaphore_mem>>, %arg12: memref<!tpu.dma_semaphore, #tpu.memory_space<semaphore_mem>>, %arg13: memref<!tpu.dma_semaphore, #tpu.memory_space<semaphore_mem>>, %arg14: memref<!tpu.dma_semaphore, #tpu.memory_space<semaphore_mem>>, %arg15: memref<!tpu.dma_semaphore, #tpu.memory_space<semaphore_mem>>, %arg16: memref<!tpu.dma_semaphore, #tpu.memory_space<semaphore_mem>>, %arg17: memref<!tpu.dma_semaphore, #tpu.memory_space<semaphore_mem>>, %arg18: memref<!tpu.dma_semaphore, #tpu.memory_space<semaphore_mem>>, %arg19: memref<!tpu.dma_semaphore, #tpu.memory_space<semaphore_mem>>, %arg20: memref<!tpu.dma_semaphore, #tpu.memory_space<semaphore_mem>>) attributes {dimension_semantics = [#tpu.dimension_semantics<core_parallel>, #tpu.dimension_semantics<subcore_parallel>], iteration_bounds = array<i64: 2, 16>, scalar_prefetch = 0 : i64, scratch_operands = 16 : i64, tpu.core_type = #tpu.core_type<sc_vector_subcore>, window_params = [{transform_indices = #map}, {transform_indices = #map1}, {transform_indices = #map1}]} {
    %mul3A = arith.constant 2 : i32
    %mul3A_0 = arith.muli %arg1, %mul3A : i32
    %add3A = arith.addi %mul3A_0, %arg0 : i32
    %mul3A_1 = arith.constant 512 : i32
    %mul3A_2 = arith.muli %add3A, %mul3A_1 : i32
    "tpu.region"() ({
      %run_scoped3A = tpu.sem_alloc : memref<!tpu.dma_semaphore, #tpu.memory_space<semaphore_mem>>
      %dma_start3A_1665 = arith.constant 0 : i32
      %dma_start3A_1666 = arith.constant 0 : i32
      %dma_start3A_1667 = tpu.memref_slice %arg2[%add3A, %dma_start3A_1665, %dma_start3A_1666] : memref<32x32x16xi32, #tpu.memory_space<hbm>> -> memref<1x32x16xi32, #tpu.memory_space<hbm>>
      %dma_start3A_1668 = tpu.memref_squeeze %dma_start3A_1667 : memref<1x32x16xi32, #tpu.memory_space<hbm>> -> memref<32x16xi32, #tpu.memory_space<hbm>>
      %dma_start3A_1669 = arith.constant 0 : i32
      %dma_start3A_1670 = arith.constant 0 : i32
      %dma_start3A_1671 = tpu.memref_slice %arg2[%add3A, %dma_start3A_1669, %dma_start3A_1670] : memref<32x32x16xi32, #tpu.memory_space<hbm>> -> memref<1x32x16xi32, #tpu.memory_space<hbm>>
      %dma_start3A_1672 = tpu.memref_squeeze %dma_start3A_1671 : memref<1x32x16xi32, #tpu.memory_space<hbm>> -> memref<32x16xi32, #tpu.memory_space<hbm>>
      tpu.enqueue_dma source(%dma_start3A_1672 : memref<32x16xi32, #tpu.memory_space<hbm>>) target(%arg5 : memref<32x16xi32, #tpu.memory_space<vmem>>) target_semaphore(%run_scoped3A : memref<!tpu.dma_semaphore, #tpu.memory_space<semaphore_mem>>)
      %dma_wait3A_1673 = arith.constant 0 : i32
      %dma_wait3A_1674 = arith.constant 0 : i32
      %dma_wait3A_1675 = tpu.memref_slice %arg2[%add3A, %dma_wait3A_1673, %dma_wait3A_1674] : memref<32x32x16xi32, #tpu.memory_space<hbm>> -> memref<1x32x16xi32, #tpu.memory_space<hbm>>
      %dma_wait3A_1676 = tpu.memref_squeeze %dma_wait3A_1675 : memref<1x32x16xi32, #tpu.memory_space<hbm>> -> memref<32x16xi32, #tpu.memory_space<hbm>>
      %dma_wait3A_1677 = arith.constant 0 : i32
      %dma_wait3A_1678 = arith.constant 0 : i32
      %dma_wait3A_1679 = tpu.memref_slice %arg2[%add3A, %dma_wait3A_1677, %dma_wait3A_1678] : memref<32x32x16xi32, #tpu.memory_space<hbm>> -> memref<1x32x16xi32, #tpu.memory_space<hbm>>
      %dma_wait3A_1680 = tpu.memref_squeeze %dma_wait3A_1679 : memref<1x32x16xi32, #tpu.memory_space<hbm>> -> memref<32x16xi32, #tpu.memory_space<hbm>>
      tpu.wait_dma2 semaphore(%run_scoped3A : memref<!tpu.dma_semaphore, #tpu.memory_space<semaphore_mem>>) src(%dma_wait3A_1680 : memref<32x16xi32, #tpu.memory_space<hbm>>) dst(%arg5 : memref<32x16xi32, #tpu.memory_space<vmem>>)
      tpu.yield
    }) : () -> ()
    %dma_start3A = arith.constant 0 : i32
    %dma_start3A_3 = arith.constant 0 : i32
    %dma_start3A_4 = arith.constant 0 : i32
    %dma_start3A_5 = arith.constant 0 : i32
    %dma_start3A_6 = tpu.memref_slice %arg6[%dma_start3A_3, %dma_start3A_4, %dma_start3A_5] : memref<7x16x1024xf32, #tpu.memory_space<vmem>> -> memref<1x16x1024xf32, #tpu.memory_space<vmem>>
    %dma_start3A_7 = tpu.memref_squeeze %dma_start3A_6 : memref<1x16x1024xf32, #tpu.memory_space<vmem>> -> memref<16x1024xf32, #tpu.memory_space<vmem>>
    %dma_start3A_8 = arith.constant 0 : i32
    %dma_start3A_9 = tpu.memref_slice %arg5[%dma_start3A, %dma_start3A_8] : memref<32x16xi32, #tpu.memory_space<vmem>> -> memref<1x16xi32, #tpu.memory_space<vmem>>
    %dma_start3A_10 = tpu.memref_squeeze %dma_start3A_9 : memref<1x16xi32, #tpu.memory_space<vmem>> -> memref<16xi32, #tpu.memory_space<vmem>>
    %dma_start3A_11 = arith.constant 0 : i32
    %dma_start3A_12 = arith.constant 0 : i32
    %dma_start3A_13 = tpu.memref_slice %arg3[%dma_start3A_11, %dma_start3A_12] : memref<100000x1024xf32, #tpu.memory_space<hbm>> -> memref<100000x1024xf32, #tpu.memory_space<hbm>>
    tpu.enqueue_indirect_dma source(%dma_start3A_13 : memref<100000x1024xf32, #tpu.memory_space<hbm>>) target(%dma_start3A_7 : memref<16x1024xf32, #tpu.memory_space<vmem>>) offsets(%dma_start3A_10 : memref<16xi32, #tpu.memory_space<vmem>>) semaphore(%arg7 : memref<!tpu.dma_semaphore, #tpu.memory_space<semaphore_mem>>)
    %dma_start3A_14 = arith.constant 1 : i32
    %dma_start3A_15 = arith.constant 1 : i32
    %dma_start3A_16 = arith.constant 0 : i32
    %dma_start3A_17 = arith.constant 0 : i32
    %dma_start3A_18 = tpu.memref_slice %arg6[%dma_start3A_15, %dma_start3A_16, %dma_start3A_17] : memref<7x16x1024xf32, #tpu.memory_space<vmem>> -> memref<1x16x1024xf32, #tpu.memory_space<vmem>>
    %dma_start3A_19 = tpu.memref_squeeze %dma_start3A_18 : memref<1x16x1024xf32, #tpu.memory_space<vmem>> -> memref<16x1024xf32, #tpu.memory_space<vmem>>
    %dma_start3A_20 = arith.constant 0 : i32
    %dma_start3A_21 = tpu.memref_slice %arg5[%dma_start3A_14, %dma_start3A_20] : memref<32x16xi32, #tpu.memory_space<vmem>> -> memref<1x16xi32, #tpu.memory_space<vmem>>
    %dma_start3A_22 = tpu.memref_squeeze %dma_start3A_21 : memref<1x16xi32, #tpu.memory_space<vmem>> -> memref<16xi32, #tpu.memory_space<vmem>>
    %dma_start3A_23 = arith.constant 0 : i32
    %dma_start3A_24 = arith.constant 0 : i32
    %dma_start3A_25 = tpu.memref_slice %arg3[%dma_start3A_23, %dma_start3A_24] : memref<100000x1024xf32, #tpu.memory_space<hbm>> -> memref<100000x1024xf32, #tpu.memory_space<hbm>>
    tpu.enqueue_indirect_dma source(%dma_start3A_25 : memref<100000x1024xf32, #tpu.memory_space<hbm>>) target(%dma_start3A_19 : memref<16x1024xf32, #tpu.memory_space<vmem>>) offsets(%dma_start3A_22 : memref<16xi32, #tpu.memory_space<vmem>>) semaphore(%arg8 : memref<!tpu.dma_semaphore, #tpu.memory_space<semaphore_mem>>)
    %dma_start3A_26 = arith.constant 2 : i32
    %dma_start3A_27 = arith.constant 2 : i32
    %dma_start3A_28 = arith.constant 0 : i32
    %dma_start3A_29 = arith.constant 0 : i32
    %dma_start3A_30 = tpu.memref_slice %arg6[%dma_start3A_27, %dma_start3A_28, %dma_start3A_29] : memref<7x16x1024xf32, #tpu.memory_space<vmem>> -> memref<1x16x1024xf32, #tpu.memory_space<vmem>>
    %dma_start3A_31 = tpu.memref_squeeze %dma_start3A_30 : memref<1x16x1024xf32, #tpu.memory_space<vmem>> -> memref<16x1024xf32, #tpu.memory_space<vmem>>
    %dma_start3A_32 = arith.constant 0 : i32
    %dma_start3A_33 = tpu.memref_slice %arg5[%dma_start3A_26, %dma_start3A_32] : memref<32x16xi32, #tpu.memory_space<vmem>> -> memref<1x16xi32, #tpu.memory_space<vmem>>
    %dma_start3A_34 = tpu.memref_squeeze %dma_start3A_33 : memref<1x16xi32, #tpu.memory_space<vmem>> -> memref<16xi32, #tpu.memory_space<vmem>>
    %dma_start3A_35 = arith.constant 0 : i32
    %dma_start3A_36 = arith.constant 0 : i32
    %dma_start3A_37 = tpu.memref_slice %arg3[%dma_start3A_35, %dma_start3A_36] : memref<100000x1024xf32, #tpu.memory_space<hbm>> -> memref<100000x1024xf32, #tpu.memory_space<hbm>>
    tpu.enqueue_indirect_dma source(%dma_start3A_37 : memref<100000x1024xf32, #tpu.memory_space<hbm>>) target(%dma_start3A_31 : memref<16x1024xf32, #tpu.memory_space<vmem>>) offsets(%dma_start3A_34 : memref<16xi32, #tpu.memory_space<vmem>>) semaphore(%arg9 : memref<!tpu.dma_semaphore, #tpu.memory_space<semaphore_mem>>)
    %dma_start3A_38 = arith.constant 3 : i32
    %dma_start3A_39 = arith.constant 3 : i32
    %dma_start3A_40 = arith.constant 0 : i32
    %dma_start3A_41 = arith.constant 0 : i32
    %dma_start3A_42 = tpu.memref_slice %arg6[%dma_start3A_39, %dma_start3A_40, %dma_start3A_41] : memref<7x16x1024xf32, #tpu.memory_space<vmem>> -> memref<1x16x1024xf32, #tpu.memory_space<vmem>>
    %dma_start3A_43 = tpu.memref_squeeze %dma_start3A_42 : memref<1x16x1024xf32, #tpu.memory_space<vmem>> -> memref<16x1024xf32, #tpu.memory_space<vmem>>
    %dma_start3A_44 = arith.constant 0 : i32
    %dma_start3A_45 = tpu.memref_slice %arg5[%dma_start3A_38, %dma_start3A_44] : memref<32x16xi32, #tpu.memory_space<vmem>> -> memref<1x16xi32, #tpu.memory_space<vmem>>
    %dma_start3A_46 = tpu.memref_squeeze %dma_start3A_45 : memref<1x16xi32, #tpu.memory_space<vmem>> -> memref<16xi32, #tpu.memory_space<vmem>>
    %dma_start3A_47 = arith.constant 0 : i32
    %dma_start3A_48 = arith.constant 0 : i32
    %dma_start3A_49 = tpu.memref_slice %arg3[%dma_start3A_47, %dma_start3A_48] : memref<100000x1024xf32, #tpu.memory_space<hbm>> -> memref<100000x1024xf32, #tpu.memory_space<hbm>>
    tpu.enqueue_indirect_dma source(%dma_start3A_49 : memref<100000x1024xf32, #tpu.memory_space<hbm>>) target(%dma_start3A_43 : memref<16x1024xf32, #tpu.memory_space<vmem>>) offsets(%dma_start3A_46 : memref<16xi32, #tpu.memory_space<vmem>>) semaphore(%arg10 : memref<!tpu.dma_semaphore, #tpu.memory_space<semaphore_mem>>)
    %dma_start3A_50 = arith.constant 4 : i32
    %dma_start3A_51 = arith.constant 4 : i32
    %dma_start3A_52 = arith.constant 0 : i32
    %dma_start3A_53 = arith.constant 0 : i32
    %dma_start3A_54 = tpu.memref_slice %arg6[%dma_start3A_51, %dma_start3A_52, %dma_start3A_53] : memref<7x16x1024xf32, #tpu.memory_space<vmem>> -> memref<1x16x1024xf32, #tpu.memory_space<vmem>>
    %dma_start3A_55 = tpu.memref_squeeze %dma_start3A_54 : memref<1x16x1024xf32, #tpu.memory_space<vmem>> -> memref<16x1024xf32, #tpu.memory_space<vmem>>
    %dma_start3A_56 = arith.constant 0 : i32
    %dma_start3A_57 = tpu.memref_slice %arg5[%dma_start3A_50, %dma_start3A_56] : memref<32x16xi32, #tpu.memory_space<vmem>> -> memref<1x16xi32, #tpu.memory_space<vmem>>
    %dma_start3A_58 = tpu.memref_squeeze %dma_start3A_57 : memref<1x16xi32, #tpu.memory_space<vmem>> -> memref<16xi32, #tpu.memory_space<vmem>>
    %dma_start3A_59 = arith.constant 0 : i32
    %dma_start3A_60 = arith.constant 0 : i32
    %dma_start3A_61 = tpu.memref_slice %arg3[%dma_start3A_59, %dma_start3A_60] : memref<100000x1024xf32, #tpu.memory_space<hbm>> -> memref<100000x1024xf32, #tpu.memory_space<hbm>>
    tpu.enqueue_indirect_dma source(%dma_start3A_61 : memref<100000x1024xf32, #tpu.memory_space<hbm>>) target(%dma_start3A_55 : memref<16x1024xf32, #tpu.memory_space<vmem>>) offsets(%dma_start3A_58 : memref<16xi32, #tpu.memory_space<vmem>>) semaphore(%arg11 : memref<!tpu.dma_semaphore, #tpu.memory_space<semaphore_mem>>)
    %dma_start3A_62 = arith.constant 5 : i32
    %dma_start3A_63 = arith.constant 5 : i32
    %dma_start3A_64 = arith.constant 0 : i32
    %dma_start3A_65 = arith.constant 0 : i32
    %dma_start3A_66 = tpu.memref_slice %arg6[%dma_start3A_63, %dma_start3A_64, %dma_start3A_65] : memref<7x16x1024xf32, #tpu.memory_space<vmem>> -> memref<1x16x1024xf32, #tpu.memory_space<vmem>>
    %dma_start3A_67 = tpu.memref_squeeze %dma_start3A_66 : memref<1x16x1024xf32, #tpu.memory_space<vmem>> -> memref<16x1024xf32, #tpu.memory_space<vmem>>
    %dma_start3A_68 = arith.constant 0 : i32
    %dma_start3A_69 = tpu.memref_slice %arg5[%dma_start3A_62, %dma_start3A_68] : memref<32x16xi32, #tpu.memory_space<vmem>> -> memref<1x16xi32, #tpu.memory_space<vmem>>
    %dma_start3A_70 = tpu.memref_squeeze %dma_start3A_69 : memref<1x16xi32, #tpu.memory_space<vmem>> -> memref<16xi32, #tpu.memory_space<vmem>>
    %dma_start3A_71 = arith.constant 0 : i32
    %dma_start3A_72 = arith.constant 0 : i32
    %dma_start3A_73 = tpu.memref_slice %arg3[%dma_start3A_71, %dma_start3A_72] : memref<100000x1024xf32, #tpu.memory_space<hbm>> -> memref<100000x1024xf32, #tpu.memory_space<hbm>>
    tpu.enqueue_indirect_dma source(%dma_start3A_73 : memref<100000x1024xf32, #tpu.memory_space<hbm>>) target(%dma_start3A_67 : memref<16x1024xf32, #tpu.memory_space<vmem>>) offsets(%dma_start3A_70 : memref<16xi32, #tpu.memory_space<vmem>>) semaphore(%arg12 : memref<!tpu.dma_semaphore, #tpu.memory_space<semaphore_mem>>)
    %dma_start3A_74 = arith.constant 6 : i32
    %dma_start3A_75 = arith.constant 6 : i32
    %dma_start3A_76 = arith.constant 0 : i32
    %dma_start3A_77 = arith.constant 0 : i32
    %dma_start3A_78 = tpu.memref_slice %arg6[%dma_start3A_75, %dma_start3A_76, %dma_start3A_77] : memref<7x16x1024xf32, #tpu.memory_space<vmem>> -> memref<1x16x1024xf32, #tpu.memory_space<vmem>>
    %dma_start3A_79 = tpu.memref_squeeze %dma_start3A_78 : memref<1x16x1024xf32, #tpu.memory_space<vmem>> -> memref<16x1024xf32, #tpu.memory_space<vmem>>
    %dma_start3A_80 = arith.constant 0 : i32
    %dma_start3A_81 = tpu.memref_slice %arg5[%dma_start3A_74, %dma_start3A_80] : memref<32x16xi32, #tpu.memory_space<vmem>> -> memref<1x16xi32, #tpu.memory_space<vmem>>
    %dma_start3A_82 = tpu.memref_squeeze %dma_start3A_81 : memref<1x16xi32, #tpu.memory_space<vmem>> -> memref<16xi32, #tpu.memory_space<vmem>>
    %dma_start3A_83 = arith.constant 0 : i32
    %dma_start3A_84 = arith.constant 0 : i32
    %dma_start3A_85 = tpu.memref_slice %arg3[%dma_start3A_83, %dma_start3A_84] : memref<100000x1024xf32, #tpu.memory_space<hbm>> -> memref<100000x1024xf32, #tpu.memory_space<hbm>>
    tpu.enqueue_indirect_dma source(%dma_start3A_85 : memref<100000x1024xf32, #tpu.memory_space<hbm>>) target(%dma_start3A_79 : memref<16x1024xf32, #tpu.memory_space<vmem>>) offsets(%dma_start3A_82 : memref<16xi32, #tpu.memory_space<vmem>>) semaphore(%arg13 : memref<!tpu.dma_semaphore, #tpu.memory_space<semaphore_mem>>)
    %dma_wait3A = arith.constant 0 : i32
    %dma_wait3A_86 = arith.constant 0 : i32
    %dma_wait3A_87 = arith.constant 0 : i32
    %dma_wait3A_88 = arith.constant 0 : i32
    %dma_wait3A_89 = tpu.memref_slice %arg6[%dma_wait3A_86, %dma_wait3A_87, %dma_wait3A_88] : memref<7x16x1024xf32, #tpu.memory_space<vmem>> -> memref<1x16x1024xf32, #tpu.memory_space<vmem>>
    %dma_wait3A_90 = tpu.memref_squeeze %dma_wait3A_89 : memref<1x16x1024xf32, #tpu.memory_space<vmem>> -> memref<16x1024xf32, #tpu.memory_space<vmem>>
    %dma_wait3A_91 = arith.constant 0 : i32
    %dma_wait3A_92 = tpu.memref_slice %arg5[%dma_wait3A, %dma_wait3A_91] : memref<32x16xi32, #tpu.memory_space<vmem>> -> memref<1x16xi32, #tpu.memory_space<vmem>>
    %dma_wait3A_93 = tpu.memref_squeeze %dma_wait3A_92 : memref<1x16xi32, #tpu.memory_space<vmem>> -> memref<16xi32, #tpu.memory_space<vmem>>
    %dma_wait3A_94 = arith.constant 0 : i32
    %dma_wait3A_95 = arith.constant 0 : i32
    %dma_wait3A_96 = tpu.memref_slice %arg3[%dma_wait3A_94, %dma_wait3A_95] : memref<100000x1024xf32, #tpu.memory_space<hbm>> -> memref<100000x1024xf32, #tpu.memory_space<hbm>>
    tpu.wait_indirect_dma semaphore(%arg7 : memref<!tpu.dma_semaphore, #tpu.memory_space<semaphore_mem>>) src(%dma_wait3A_96 : memref<100000x1024xf32, #tpu.memory_space<hbm>>) dst(%dma_wait3A_90 : memref<16x1024xf32, #tpu.memory_space<vmem>>)
    %add3A_97 = arith.constant 0 : i32
    %add3A_98 = arith.addi %mul3A_2, %add3A_97 : i32
    %dma_start3A_99 = arith.constant 0 : i32
    %dma_start3A_100 = arith.constant 0 : i32
    %dma_start3A_101 = arith.constant 0 : i32
    %dma_start3A_102 = tpu.memref_slice %arg6[%dma_start3A_99, %dma_start3A_100, %dma_start3A_101] : memref<7x16x1024xf32, #tpu.memory_space<vmem>> -> memref<1x16x1024xf32, #tpu.memory_space<vmem>>
    %dma_start3A_103 = tpu.memref_squeeze %dma_start3A_102 : memref<1x16x1024xf32, #tpu.memory_space<vmem>> -> memref<16x1024xf32, #tpu.memory_space<vmem>>
    %dma_start3A_104 = arith.constant 0 : i32
    %dma_start3A_105 = tpu.memref_slice %arg4[%add3A_98, %dma_start3A_104] : memref<16384x1024xf32, #tpu.memory_space<hbm>> -> memref<16x1024xf32, #tpu.memory_space<hbm>>
    %dma_start3A_106 = arith.constant 0 : i32
    %dma_start3A_107 = tpu.memref_slice %arg4[%add3A_98, %dma_start3A_106] : memref<16384x1024xf32, #tpu.memory_space<hbm>> -> memref<16x1024xf32, #tpu.memory_space<hbm>>
    %dma_start3A_108 = arith.constant 0 : i32
    %dma_start3A_109 = arith.constant 0 : i32
    %dma_start3A_110 = tpu.memref_slice %arg6[%dma_start3A_99, %dma_start3A_108, %dma_start3A_109] : memref<7x16x1024xf32, #tpu.memory_space<vmem>> -> memref<1x16x1024xf32, #tpu.memory_space<vmem>>
    %dma_start3A_111 = tpu.memref_squeeze %dma_start3A_110 : memref<1x16x1024xf32, #tpu.memory_space<vmem>> -> memref<16x1024xf32, #tpu.memory_space<vmem>>
    tpu.enqueue_dma source(%dma_start3A_111 : memref<16x1024xf32, #tpu.memory_space<vmem>>) target(%dma_start3A_107 : memref<16x1024xf32, #tpu.memory_space<hbm>>) target_semaphore(%arg14 : memref<!tpu.dma_semaphore, #tpu.memory_space<semaphore_mem>>)
    %dma_wait3A_112 = arith.constant 0 : i32
    %dma_wait3A_113 = arith.constant 0 : i32
    %dma_wait3A_114 = arith.constant 0 : i32
    %dma_wait3A_115 = tpu.memref_slice %arg6[%dma_wait3A_112, %dma_wait3A_113, %dma_wait3A_114] : memref<7x16x1024xf32, #tpu.memory_space<vmem>> -> memref<1x16x1024xf32, #tpu.memory_space<vmem>>
    %dma_wait3A_116 = tpu.memref_squeeze %dma_wait3A_115 : memref<1x16x1024xf32, #tpu.memory_space<vmem>> -> memref<16x1024xf32, #tpu.memory_space<vmem>>
    %dma_wait3A_117 = arith.constant 0 : i32
    %dma_wait3A_118 = tpu.memref_slice %arg4[%add3A_98, %dma_wait3A_117] : memref<16384x1024xf32, #tpu.memory_space<hbm>> -> memref<16x1024xf32, #tpu.memory_space<hbm>>
    %dma_wait3A_119 = arith.constant 0 : i32
    %dma_wait3A_120 = tpu.memref_slice %arg4[%add3A_98, %dma_wait3A_119] : memref<16384x1024xf32, #tpu.memory_space<hbm>> -> memref<16x1024xf32, #tpu.memory_space<hbm>>
    %dma_wait3A_121 = arith.constant 0 : i32
    %dma_wait3A_122 = arith.constant 0 : i32
    %dma_wait3A_123 = tpu.memref_slice %arg6[%dma_wait3A_112, %dma_wait3A_121, %dma_wait3A_122] : memref<7x16x1024xf32, #tpu.memory_space<vmem>> -> memref<1x16x1024xf32, #tpu.memory_space<vmem>>
    %dma_wait3A_124 = tpu.memref_squeeze %dma_wait3A_123 : memref<1x16x1024xf32, #tpu.memory_space<vmem>> -> memref<16x1024xf32, #tpu.memory_space<vmem>>
    tpu.wait_dma2 semaphore(%arg14 : memref<!tpu.dma_semaphore, #tpu.memory_space<semaphore_mem>>) src(%dma_wait3A_124 : memref<16x1024xf32, #tpu.memory_space<vmem>>) dst(%dma_wait3A_120 : memref<16x1024xf32, #tpu.memory_space<hbm>>)
    %dma_start3A_125 = arith.constant 7 : i32
    %dma_start3A_126 = arith.constant 0 : i32
    %dma_start3A_127 = arith.constant 0 : i32
    %dma_start3A_128 = arith.constant 0 : i32
    %dma_start3A_129 = tpu.memref_slice %arg6[%dma_start3A_126, %dma_start3A_127, %dma_start3A_128] : memref<7x16x1024xf32, #tpu.memory_space<vmem>> -> memref<1x16x1024xf32, #tpu.memory_space<vmem>>
    %dma_start3A_130 = tpu.memref_squeeze %dma_start3A_129 : memref<1x16x1024xf32, #tpu.memory_space<vmem>> -> memref<16x1024xf32, #tpu.memory_space<vmem>>
    %dma_start3A_131 = arith.constant 0 : i32
    %dma_start3A_132 = tpu.memref_slice %arg5[%dma_start3A_125, %dma_start3A_131] : memref<32x16xi32, #tpu.memory_space<vmem>> -> memref<1x16xi32, #tpu.memory_space<vmem>>
    %dma_start3A_133 = tpu.memref_squeeze %dma_start3A_132 : memref<1x16xi32, #tpu.memory_space<vmem>> -> memref<16xi32, #tpu.memory_space<vmem>>
    %dma_start3A_134 = arith.constant 0 : i32
    %dma_start3A_135 = arith.constant 0 : i32
    %dma_start3A_136 = tpu.memref_slice %arg3[%dma_start3A_134, %dma_start3A_135] : memref<100000x1024xf32, #tpu.memory_space<hbm>> -> memref<100000x1024xf32, #tpu.memory_space<hbm>>
    tpu.enqueue_indirect_dma source(%dma_start3A_136 : memref<100000x1024xf32, #tpu.memory_space<hbm>>) target(%dma_start3A_130 : memref<16x1024xf32, #tpu.memory_space<vmem>>) offsets(%dma_start3A_133 : memref<16xi32, #tpu.memory_space<vmem>>) semaphore(%arg7 : memref<!tpu.dma_semaphore, #tpu.memory_space<semaphore_mem>>)
    %dma_wait3A_137 = arith.constant 1 : i32
    %dma_wait3A_138 = arith.constant 1 : i32
    %dma_wait3A_139 = arith.constant 0 : i32
    %dma_wait3A_140 = arith.constant 0 : i32
    %dma_wait3A_141 = tpu.memref_slice %arg6[%dma_wait3A_138, %dma_wait3A_139, %dma_wait3A_140] : memref<7x16x1024xf32, #tpu.memory_space<vmem>> -> memref<1x16x1024xf32, #tpu.memory_space<vmem>>
    %dma_wait3A_142 = tpu.memref_squeeze %dma_wait3A_141 : memref<1x16x1024xf32, #tpu.memory_space<vmem>> -> memref<16x1024xf32, #tpu.memory_space<vmem>>
    %dma_wait3A_143 = arith.constant 0 : i32
    %dma_wait3A_144 = tpu.memref_slice %arg5[%dma_wait3A_137, %dma_wait3A_143] : memref<32x16xi32, #tpu.memory_space<vmem>> -> memref<1x16xi32, #tpu.memory_space<vmem>>
    %dma_wait3A_145 = tpu.memref_squeeze %dma_wait3A_144 : memref<1x16xi32, #tpu.memory_space<vmem>> -> memref<16xi32, #tpu.memory_space<vmem>>
    %dma_wait3A_146 = arith.constant 0 : i32
    %dma_wait3A_147 = arith.constant 0 : i32
    %dma_wait3A_148 = tpu.memref_slice %arg3[%dma_wait3A_146, %dma_wait3A_147] : memref<100000x1024xf32, #tpu.memory_space<hbm>> -> memref<100000x1024xf32, #tpu.memory_space<hbm>>
    tpu.wait_indirect_dma semaphore(%arg8 : memref<!tpu.dma_semaphore, #tpu.memory_space<semaphore_mem>>) src(%dma_wait3A_148 : memref<100000x1024xf32, #tpu.memory_space<hbm>>) dst(%dma_wait3A_142 : memref<16x1024xf32, #tpu.memory_space<vmem>>)
    %add3A_149 = arith.constant 16 : i32
    %add3A_150 = arith.addi %mul3A_2, %add3A_149 : i32
    %dma_start3A_151 = arith.constant 1 : i32
    %dma_start3A_152 = arith.constant 0 : i32
    %dma_start3A_153 = arith.constant 0 : i32
    %dma_start3A_154 = tpu.memref_slice %arg6[%dma_start3A_151, %dma_start3A_152, %dma_start3A_153] : memref<7x16x1024xf32, #tpu.memory_space<vmem>> -> memref<1x16x1024xf32, #tpu.memory_space<vmem>>
    %dma_start3A_155 = tpu.memref_squeeze %dma_start3A_154 : memref<1x16x1024xf32, #tpu.memory_space<vmem>> -> memref<16x1024xf32, #tpu.memory_space<vmem>>
    %dma_start3A_156 = arith.constant 0 : i32
    %dma_start3A_157 = tpu.memref_slice %arg4[%add3A_150, %dma_start3A_156] : memref<16384x1024xf32, #tpu.memory_space<hbm>> -> memref<16x1024xf32, #tpu.memory_space<hbm>>
    %dma_start3A_158 = arith.constant 0 : i32
    %dma_start3A_159 = tpu.memref_slice %arg4[%add3A_150, %dma_start3A_158] : memref<16384x1024xf32, #tpu.memory_space<hbm>> -> memref<16x1024xf32, #tpu.memory_space<hbm>>
    %dma_start3A_160 = arith.constant 0 : i32
    %dma_start3A_161 = arith.constant 0 : i32
    %dma_start3A_162 = tpu.memref_slice %arg6[%dma_start3A_151, %dma_start3A_160, %dma_start3A_161] : memref<7x16x1024xf32, #tpu.memory_space<vmem>> -> memref<1x16x1024xf32, #tpu.memory_space<vmem>>
    %dma_start3A_163 = tpu.memref_squeeze %dma_start3A_162 : memref<1x16x1024xf32, #tpu.memory_space<vmem>> -> memref<16x1024xf32, #tpu.memory_space<vmem>>
    tpu.enqueue_dma source(%dma_start3A_163 : memref<16x1024xf32, #tpu.memory_space<vmem>>) target(%dma_start3A_159 : memref<16x1024xf32, #tpu.memory_space<hbm>>) target_semaphore(%arg15 : memref<!tpu.dma_semaphore, #tpu.memory_space<semaphore_mem>>)
    %dma_wait3A_164 = arith.constant 1 : i32
    %dma_wait3A_165 = arith.constant 0 : i32
    %dma_wait3A_166 = arith.constant 0 : i32
    %dma_wait3A_167 = tpu.memref_slice %arg6[%dma_wait3A_164, %dma_wait3A_165, %dma_wait3A_166] : memref<7x16x1024xf32, #tpu.memory_space<vmem>> -> memref<1x16x1024xf32, #tpu.memory_space<vmem>>
    %dma_wait3A_168 = tpu.memref_squeeze %dma_wait3A_167 : memref<1x16x1024xf32, #tpu.memory_space<vmem>> -> memref<16x1024xf32, #tpu.memory_space<vmem>>
    %dma_wait3A_169 = arith.constant 0 : i32
    %dma_wait3A_170 = tpu.memref_slice %arg4[%add3A_150, %dma_wait3A_169] : memref<16384x1024xf32, #tpu.memory_space<hbm>> -> memref<16x1024xf32, #tpu.memory_space<hbm>>
    %dma_wait3A_171 = arith.constant 0 : i32
    %dma_wait3A_172 = tpu.memref_slice %arg4[%add3A_150, %dma_wait3A_171] : memref<16384x1024xf32, #tpu.memory_space<hbm>> -> memref<16x1024xf32, #tpu.memory_space<hbm>>
    %dma_wait3A_173 = arith.constant 0 : i32
    %dma_wait3A_174 = arith.constant 0 : i32
    %dma_wait3A_175 = tpu.memref_slice %arg6[%dma_wait3A_164, %dma_wait3A_173, %dma_wait3A_174] : memref<7x16x1024xf32, #tpu.memory_space<vmem>> -> memref<1x16x1024xf32, #tpu.memory_space<vmem>>
    %dma_wait3A_176 = tpu.memref_squeeze %dma_wait3A_175 : memref<1x16x1024xf32, #tpu.memory_space<vmem>> -> memref<16x1024xf32, #tpu.memory_space<vmem>>
    tpu.wait_dma2 semaphore(%arg15 : memref<!tpu.dma_semaphore, #tpu.memory_space<semaphore_mem>>) src(%dma_wait3A_176 : memref<16x1024xf32, #tpu.memory_space<vmem>>) dst(%dma_wait3A_172 : memref<16x1024xf32, #tpu.memory_space<hbm>>)
    %dma_start3A_177 = arith.constant 8 : i32
    %dma_start3A_178 = arith.constant 1 : i32
    %dma_start3A_179 = arith.constant 0 : i32
    %dma_start3A_180 = arith.constant 0 : i32
    %dma_start3A_181 = tpu.memref_slice %arg6[%dma_start3A_178, %dma_start3A_179, %dma_start3A_180] : memref<7x16x1024xf32, #tpu.memory_space<vmem>> -> memref<1x16x1024xf32, #tpu.memory_space<vmem>>
    %dma_start3A_182 = tpu.memref_squeeze %dma_start3A_181 : memref<1x16x1024xf32, #tpu.memory_space<vmem>> -> memref<16x1024xf32, #tpu.memory_space<vmem>>
    %dma_start3A_183 = arith.constant 0 : i32
    %dma_start3A_184 = tpu.memref_slice %arg5[%dma_start3A_177, %dma_start3A_183] : memref<32x16xi32, #tpu.memory_space<vmem>> -> memref<1x16xi32, #tpu.memory_space<vmem>>
    %dma_start3A_185 = tpu.memref_squeeze %dma_start3A_184 : memref<1x16xi32, #tpu.memory_space<vmem>> -> memref<16xi32, #tpu.memory_space<vmem>>
    %dma_start3A_186 = arith.constant 0 : i32
    %dma_start3A_187 = arith.constant 0 : i32
    %dma_start3A_188 = tpu.memref_slice %arg3[%dma_start3A_186, %dma_start3A_187] : memref<100000x1024xf32, #tpu.memory_space<hbm>> -> memref<100000x1024xf32, #tpu.memory_space<hbm>>
    tpu.enqueue_indirect_dma source(%dma_start3A_188 : memref<100000x1024xf32, #tpu.memory_space<hbm>>) target(%dma_start3A_182 : memref<16x1024xf32, #tpu.memory_space<vmem>>) offsets(%dma_start3A_185 : memref<16xi32, #tpu.memory_space<vmem>>) semaphore(%arg8 : memref<!tpu.dma_semaphore, #tpu.memory_space<semaphore_mem>>)
    %dma_wait3A_189 = arith.constant 2 : i32
    %dma_wait3A_190 = arith.constant 2 : i32
    %dma_wait3A_191 = arith.constant 0 : i32
    %dma_wait3A_192 = arith.constant 0 : i32
    %dma_wait3A_193 = tpu.memref_slice %arg6[%dma_wait3A_190, %dma_wait3A_191, %dma_wait3A_192] : memref<7x16x1024xf32, #tpu.memory_space<vmem>> -> memref<1x16x1024xf32, #tpu.memory_space<vmem>>
    %dma_wait3A_194 = tpu.memref_squeeze %dma_wait3A_193 : memref<1x16x1024xf32, #tpu.memory_space<vmem>> -> memref<16x1024xf32, #tpu.memory_space<vmem>>
    %dma_wait3A_195 = arith.constant 0 : i32
    %dma_wait3A_196 = tpu.memref_slice %arg5[%dma_wait3A_189, %dma_wait3A_195] : memref<32x16xi32, #tpu.memory_space<vmem>> -> memref<1x16xi32, #tpu.memory_space<vmem>>
    %dma_wait3A_197 = tpu.memref_squeeze %dma_wait3A_196 : memref<1x16xi32, #tpu.memory_space<vmem>> -> memref<16xi32, #tpu.memory_space<vmem>>
    %dma_wait3A_198 = arith.constant 0 : i32
    %dma_wait3A_199 = arith.constant 0 : i32
    %dma_wait3A_200 = tpu.memref_slice %arg3[%dma_wait3A_198, %dma_wait3A_199] : memref<100000x1024xf32, #tpu.memory_space<hbm>> -> memref<100000x1024xf32, #tpu.memory_space<hbm>>
    tpu.wait_indirect_dma semaphore(%arg9 : memref<!tpu.dma_semaphore, #tpu.memory_space<semaphore_mem>>) src(%dma_wait3A_200 : memref<100000x1024xf32, #tpu.memory_space<hbm>>) dst(%dma_wait3A_194 : memref<16x1024xf32, #tpu.memory_space<vmem>>)
    %add3A_201 = arith.constant 32 : i32
    %add3A_202 = arith.addi %mul3A_2, %add3A_201 : i32
    %dma_start3A_203 = arith.constant 2 : i32
    %dma_start3A_204 = arith.constant 0 : i32
    %dma_start3A_205 = arith.constant 0 : i32
    %dma_start3A_206 = tpu.memref_slice %arg6[%dma_start3A_203, %dma_start3A_204, %dma_start3A_205] : memref<7x16x1024xf32, #tpu.memory_space<vmem>> -> memref<1x16x1024xf32, #tpu.memory_space<vmem>>
    %dma_start3A_207 = tpu.memref_squeeze %dma_start3A_206 : memref<1x16x1024xf32, #tpu.memory_space<vmem>> -> memref<16x1024xf32, #tpu.memory_space<vmem>>
    %dma_start3A_208 = arith.constant 0 : i32
    %dma_start3A_209 = tpu.memref_slice %arg4[%add3A_202, %dma_start3A_208] : memref<16384x1024xf32, #tpu.memory_space<hbm>> -> memref<16x1024xf32, #tpu.memory_space<hbm>>
    %dma_start3A_210 = arith.constant 0 : i32
    %dma_start3A_211 = tpu.memref_slice %arg4[%add3A_202, %dma_start3A_210] : memref<16384x1024xf32, #tpu.memory_space<hbm>> -> memref<16x1024xf32, #tpu.memory_space<hbm>>
    %dma_start3A_212 = arith.constant 0 : i32
    %dma_start3A_213 = arith.constant 0 : i32
    %dma_start3A_214 = tpu.memref_slice %arg6[%dma_start3A_203, %dma_start3A_212, %dma_start3A_213] : memref<7x16x1024xf32, #tpu.memory_space<vmem>> -> memref<1x16x1024xf32, #tpu.memory_space<vmem>>
    %dma_start3A_215 = tpu.memref_squeeze %dma_start3A_214 : memref<1x16x1024xf32, #tpu.memory_space<vmem>> -> memref<16x1024xf32, #tpu.memory_space<vmem>>
    tpu.enqueue_dma source(%dma_start3A_215 : memref<16x1024xf32, #tpu.memory_space<vmem>>) target(%dma_start3A_211 : memref<16x1024xf32, #tpu.memory_space<hbm>>) target_semaphore(%arg16 : memref<!tpu.dma_semaphore, #tpu.memory_space<semaphore_mem>>)
    %dma_wait3A_216 = arith.constant 2 : i32
    %dma_wait3A_217 = arith.constant 0 : i32
    %dma_wait3A_218 = arith.constant 0 : i32
    %dma_wait3A_219 = tpu.memref_slice %arg6[%dma_wait3A_216, %dma_wait3A_217, %dma_wait3A_218] : memref<7x16x1024xf32, #tpu.memory_space<vmem>> -> memref<1x16x1024xf32, #tpu.memory_space<vmem>>
    %dma_wait3A_220 = tpu.memref_squeeze %dma_wait3A_219 : memref<1x16x1024xf32, #tpu.memory_space<vmem>> -> memref<16x1024xf32, #tpu.memory_space<vmem>>
    %dma_wait3A_221 = arith.constant 0 : i32
    %dma_wait3A_222 = tpu.memref_slice %arg4[%add3A_202, %dma_wait3A_221] : memref<16384x1024xf32, #tpu.memory_space<hbm>> -> memref<16x1024xf32, #tpu.memory_space<hbm>>
    %dma_wait3A_223 = arith.constant 0 : i32
    %dma_wait3A_224 = tpu.memref_slice %arg4[%add3A_202, %dma_wait3A_223] : memref<16384x1024xf32, #tpu.memory_space<hbm>> -> memref<16x1024xf32, #tpu.memory_space<hbm>>
    %dma_wait3A_225 = arith.constant 0 : i32
    %dma_wait3A_226 = arith.constant 0 : i32
    %dma_wait3A_227 = tpu.memref_slice %arg6[%dma_wait3A_216, %dma_wait3A_225, %dma_wait3A_226] : memref<7x16x1024xf32, #tpu.memory_space<vmem>> -> memref<1x16x1024xf32, #tpu.memory_space<vmem>>
    %dma_wait3A_228 = tpu.memref_squeeze %dma_wait3A_227 : memref<1x16x1024xf32, #tpu.memory_space<vmem>> -> memref<16x1024xf32, #tpu.memory_space<vmem>>
    tpu.wait_dma2 semaphore(%arg16 : memref<!tpu.dma_semaphore, #tpu.memory_space<semaphore_mem>>) src(%dma_wait3A_228 : memref<16x1024xf32, #tpu.memory_space<vmem>>) dst(%dma_wait3A_224 : memref<16x1024xf32, #tpu.memory_space<hbm>>)
    %dma_start3A_229 = arith.constant 9 : i32
    %dma_start3A_230 = arith.constant 2 : i32
    %dma_start3A_231 = arith.constant 0 : i32
    %dma_start3A_232 = arith.constant 0 : i32
    %dma_start3A_233 = tpu.memref_slice %arg6[%dma_start3A_230, %dma_start3A_231, %dma_start3A_232] : memref<7x16x1024xf32, #tpu.memory_space<vmem>> -> memref<1x16x1024xf32, #tpu.memory_space<vmem>>
    %dma_start3A_234 = tpu.memref_squeeze %dma_start3A_233 : memref<1x16x1024xf32, #tpu.memory_space<vmem>> -> memref<16x1024xf32, #tpu.memory_space<vmem>>
    %dma_start3A_235 = arith.constant 0 : i32
    %dma_start3A_236 = tpu.memref_slice %arg5[%dma_start3A_229, %dma_start3A_235] : memref<32x16xi32, #tpu.memory_space<vmem>> -> memref<1x16xi32, #tpu.memory_space<vmem>>
    %dma_start3A_237 = tpu.memref_squeeze %dma_start3A_236 : memref<1x16xi32, #tpu.memory_space<vmem>> -> memref<16xi32, #tpu.memory_space<vmem>>
    %dma_start3A_238 = arith.constant 0 : i32
    %dma_start3A_239 = arith.constant 0 : i32
    %dma_start3A_240 = tpu.memref_slice %arg3[%dma_start3A_238, %dma_start3A_239] : memref<100000x1024xf32, #tpu.memory_space<hbm>> -> memref<100000x1024xf32, #tpu.memory_space<hbm>>
    tpu.enqueue_indirect_dma source(%dma_start3A_240 : memref<100000x1024xf32, #tpu.memory_space<hbm>>) target(%dma_start3A_234 : memref<16x1024xf32, #tpu.memory_space<vmem>>) offsets(%dma_start3A_237 : memref<16xi32, #tpu.memory_space<vmem>>) semaphore(%arg9 : memref<!tpu.dma_semaphore, #tpu.memory_space<semaphore_mem>>)
    %dma_wait3A_241 = arith.constant 3 : i32
    %dma_wait3A_242 = arith.constant 3 : i32
    %dma_wait3A_243 = arith.constant 0 : i32
    %dma_wait3A_244 = arith.constant 0 : i32
    %dma_wait3A_245 = tpu.memref_slice %arg6[%dma_wait3A_242, %dma_wait3A_243, %dma_wait3A_244] : memref<7x16x1024xf32, #tpu.memory_space<vmem>> -> memref<1x16x1024xf32, #tpu.memory_space<vmem>>
    %dma_wait3A_246 = tpu.memref_squeeze %dma_wait3A_245 : memref<1x16x1024xf32, #tpu.memory_space<vmem>> -> memref<16x1024xf32, #tpu.memory_space<vmem>>
    %dma_wait3A_247 = arith.constant 0 : i32
    %dma_wait3A_248 = tpu.memref_slice %arg5[%dma_wait3A_241, %dma_wait3A_247] : memref<32x16xi32, #tpu.memory_space<vmem>> -> memref<1x16xi32, #tpu.memory_space<vmem>>
    %dma_wait3A_249 = tpu.memref_squeeze %dma_wait3A_248 : memref<1x16xi32, #tpu.memory_space<vmem>> -> memref<16xi32, #tpu.memory_space<vmem>>
    %dma_wait3A_250 = arith.constant 0 : i32
    %dma_wait3A_251 = arith.constant 0 : i32
    %dma_wait3A_252 = tpu.memref_slice %arg3[%dma_wait3A_250, %dma_wait3A_251] : memref<100000x1024xf32, #tpu.memory_space<hbm>> -> memref<100000x1024xf32, #tpu.memory_space<hbm>>
    tpu.wait_indirect_dma semaphore(%arg10 : memref<!tpu.dma_semaphore, #tpu.memory_space<semaphore_mem>>) src(%dma_wait3A_252 : memref<100000x1024xf32, #tpu.memory_space<hbm>>) dst(%dma_wait3A_246 : memref<16x1024xf32, #tpu.memory_space<vmem>>)
    %add3A_253 = arith.constant 48 : i32
    %add3A_254 = arith.addi %mul3A_2, %add3A_253 : i32
    %dma_start3A_255 = arith.constant 3 : i32
    %dma_start3A_256 = arith.constant 0 : i32
    %dma_start3A_257 = arith.constant 0 : i32
    %dma_start3A_258 = tpu.memref_slice %arg6[%dma_start3A_255, %dma_start3A_256, %dma_start3A_257] : memref<7x16x1024xf32, #tpu.memory_space<vmem>> -> memref<1x16x1024xf32, #tpu.memory_space<vmem>>
    %dma_start3A_259 = tpu.memref_squeeze %dma_start3A_258 : memref<1x16x1024xf32, #tpu.memory_space<vmem>> -> memref<16x1024xf32, #tpu.memory_space<vmem>>
    %dma_start3A_260 = arith.constant 0 : i32
    %dma_start3A_261 = tpu.memref_slice %arg4[%add3A_254, %dma_start3A_260] : memref<16384x1024xf32, #tpu.memory_space<hbm>> -> memref<16x1024xf32, #tpu.memory_space<hbm>>
    %dma_start3A_262 = arith.constant 0 : i32
    %dma_start3A_263 = tpu.memref_slice %arg4[%add3A_254, %dma_start3A_262] : memref<16384x1024xf32, #tpu.memory_space<hbm>> -> memref<16x1024xf32, #tpu.memory_space<hbm>>
    %dma_start3A_264 = arith.constant 0 : i32
    %dma_start3A_265 = arith.constant 0 : i32
    %dma_start3A_266 = tpu.memref_slice %arg6[%dma_start3A_255, %dma_start3A_264, %dma_start3A_265] : memref<7x16x1024xf32, #tpu.memory_space<vmem>> -> memref<1x16x1024xf32, #tpu.memory_space<vmem>>
    %dma_start3A_267 = tpu.memref_squeeze %dma_start3A_266 : memref<1x16x1024xf32, #tpu.memory_space<vmem>> -> memref<16x1024xf32, #tpu.memory_space<vmem>>
    tpu.enqueue_dma source(%dma_start3A_267 : memref<16x1024xf32, #tpu.memory_space<vmem>>) target(%dma_start3A_263 : memref<16x1024xf32, #tpu.memory_space<hbm>>) target_semaphore(%arg17 : memref<!tpu.dma_semaphore, #tpu.memory_space<semaphore_mem>>)
    %dma_wait3A_268 = arith.constant 3 : i32
    %dma_wait3A_269 = arith.constant 0 : i32
    %dma_wait3A_270 = arith.constant 0 : i32
    %dma_wait3A_271 = tpu.memref_slice %arg6[%dma_wait3A_268, %dma_wait3A_269, %dma_wait3A_270] : memref<7x16x1024xf32, #tpu.memory_space<vmem>> -> memref<1x16x1024xf32, #tpu.memory_space<vmem>>
    %dma_wait3A_272 = tpu.memref_squeeze %dma_wait3A_271 : memref<1x16x1024xf32, #tpu.memory_space<vmem>> -> memref<16x1024xf32, #tpu.memory_space<vmem>>
    %dma_wait3A_273 = arith.constant 0 : i32
    %dma_wait3A_274 = tpu.memref_slice %arg4[%add3A_254, %dma_wait3A_273] : memref<16384x1024xf32, #tpu.memory_space<hbm>> -> memref<16x1024xf32, #tpu.memory_space<hbm>>
    %dma_wait3A_275 = arith.constant 0 : i32
    %dma_wait3A_276 = tpu.memref_slice %arg4[%add3A_254, %dma_wait3A_275] : memref<16384x1024xf32, #tpu.memory_space<hbm>> -> memref<16x1024xf32, #tpu.memory_space<hbm>>
    %dma_wait3A_277 = arith.constant 0 : i32
    %dma_wait3A_278 = arith.constant 0 : i32
    %dma_wait3A_279 = tpu.memref_slice %arg6[%dma_wait3A_268, %dma_wait3A_277, %dma_wait3A_278] : memref<7x16x1024xf32, #tpu.memory_space<vmem>> -> memref<1x16x1024xf32, #tpu.memory_space<vmem>>
    %dma_wait3A_280 = tpu.memref_squeeze %dma_wait3A_279 : memref<1x16x1024xf32, #tpu.memory_space<vmem>> -> memref<16x1024xf32, #tpu.memory_space<vmem>>
    tpu.wait_dma2 semaphore(%arg17 : memref<!tpu.dma_semaphore, #tpu.memory_space<semaphore_mem>>) src(%dma_wait3A_280 : memref<16x1024xf32, #tpu.memory_space<vmem>>) dst(%dma_wait3A_276 : memref<16x1024xf32, #tpu.memory_space<hbm>>)
    %dma_start3A_281 = arith.constant 10 : i32
    %dma_start3A_282 = arith.constant 3 : i32
    %dma_start3A_283 = arith.constant 0 : i32
    %dma_start3A_284 = arith.constant 0 : i32
    %dma_start3A_285 = tpu.memref_slice %arg6[%dma_start3A_282, %dma_start3A_283, %dma_start3A_284] : memref<7x16x1024xf32, #tpu.memory_space<vmem>> -> memref<1x16x1024xf32, #tpu.memory_space<vmem>>
    %dma_start3A_286 = tpu.memref_squeeze %dma_start3A_285 : memref<1x16x1024xf32, #tpu.memory_space<vmem>> -> memref<16x1024xf32, #tpu.memory_space<vmem>>
    %dma_start3A_287 = arith.constant 0 : i32
    %dma_start3A_288 = tpu.memref_slice %arg5[%dma_start3A_281, %dma_start3A_287] : memref<32x16xi32, #tpu.memory_space<vmem>> -> memref<1x16xi32, #tpu.memory_space<vmem>>
    %dma_start3A_289 = tpu.memref_squeeze %dma_start3A_288 : memref<1x16xi32, #tpu.memory_space<vmem>> -> memref<16xi32, #tpu.memory_space<vmem>>
    %dma_start3A_290 = arith.constant 0 : i32
    %dma_start3A_291 = arith.constant 0 : i32
    %dma_start3A_292 = tpu.memref_slice %arg3[%dma_start3A_290, %dma_start3A_291] : memref<100000x1024xf32, #tpu.memory_space<hbm>> -> memref<100000x1024xf32, #tpu.memory_space<hbm>>
    tpu.enqueue_indirect_dma source(%dma_start3A_292 : memref<100000x1024xf32, #tpu.memory_space<hbm>>) target(%dma_start3A_286 : memref<16x1024xf32, #tpu.memory_space<vmem>>) offsets(%dma_start3A_289 : memref<16xi32, #tpu.memory_space<vmem>>) semaphore(%arg10 : memref<!tpu.dma_semaphore, #tpu.memory_space<semaphore_mem>>)
    %dma_wait3A_293 = arith.constant 4 : i32
    %dma_wait3A_294 = arith.constant 4 : i32
    %dma_wait3A_295 = arith.constant 0 : i32
    %dma_wait3A_296 = arith.constant 0 : i32
    %dma_wait3A_297 = tpu.memref_slice %arg6[%dma_wait3A_294, %dma_wait3A_295, %dma_wait3A_296] : memref<7x16x1024xf32, #tpu.memory_space<vmem>> -> memref<1x16x1024xf32, #tpu.memory_space<vmem>>
    %dma_wait3A_298 = tpu.memref_squeeze %dma_wait3A_297 : memref<1x16x1024xf32, #tpu.memory_space<vmem>> -> memref<16x1024xf32, #tpu.memory_space<vmem>>
    %dma_wait3A_299 = arith.constant 0 : i32
    %dma_wait3A_300 = tpu.memref_slice %arg5[%dma_wait3A_293, %dma_wait3A_299] : memref<32x16xi32, #tpu.memory_space<vmem>> -> memref<1x16xi32, #tpu.memory_space<vmem>>
    %dma_wait3A_301 = tpu.memref_squeeze %dma_wait3A_300 : memref<1x16xi32, #tpu.memory_space<vmem>> -> memref<16xi32, #tpu.memory_space<vmem>>
    %dma_wait3A_302 = arith.constant 0 : i32
    %dma_wait3A_303 = arith.constant 0 : i32
    %dma_wait3A_304 = tpu.memref_slice %arg3[%dma_wait3A_302, %dma_wait3A_303] : memref<100000x1024xf32, #tpu.memory_space<hbm>> -> memref<100000x1024xf32, #tpu.memory_space<hbm>>
    tpu.wait_indirect_dma semaphore(%arg11 : memref<!tpu.dma_semaphore, #tpu.memory_space<semaphore_mem>>) src(%dma_wait3A_304 : memref<100000x1024xf32, #tpu.memory_space<hbm>>) dst(%dma_wait3A_298 : memref<16x1024xf32, #tpu.memory_space<vmem>>)
    %add3A_305 = arith.constant 64 : i32
    %add3A_306 = arith.addi %mul3A_2, %add3A_305 : i32
    %dma_start3A_307 = arith.constant 4 : i32
    %dma_start3A_308 = arith.constant 0 : i32
    %dma_start3A_309 = arith.constant 0 : i32
    %dma_start3A_310 = tpu.memref_slice %arg6[%dma_start3A_307, %dma_start3A_308, %dma_start3A_309] : memref<7x16x1024xf32, #tpu.memory_space<vmem>> -> memref<1x16x1024xf32, #tpu.memory_space<vmem>>
    %dma_start3A_311 = tpu.memref_squeeze %dma_start3A_310 : memref<1x16x1024xf32, #tpu.memory_space<vmem>> -> memref<16x1024xf32, #tpu.memory_space<vmem>>
    %dma_start3A_312 = arith.constant 0 : i32
    %dma_start3A_313 = tpu.memref_slice %arg4[%add3A_306, %dma_start3A_312] : memref<16384x1024xf32, #tpu.memory_space<hbm>> -> memref<16x1024xf32, #tpu.memory_space<hbm>>
    %dma_start3A_314 = arith.constant 0 : i32
    %dma_start3A_315 = tpu.memref_slice %arg4[%add3A_306, %dma_start3A_314] : memref<16384x1024xf32, #tpu.memory_space<hbm>> -> memref<16x1024xf32, #tpu.memory_space<hbm>>
    %dma_start3A_316 = arith.constant 0 : i32
    %dma_start3A_317 = arith.constant 0 : i32
    %dma_start3A_318 = tpu.memref_slice %arg6[%dma_start3A_307, %dma_start3A_316, %dma_start3A_317] : memref<7x16x1024xf32, #tpu.memory_space<vmem>> -> memref<1x16x1024xf32, #tpu.memory_space<vmem>>
    %dma_start3A_319 = tpu.memref_squeeze %dma_start3A_318 : memref<1x16x1024xf32, #tpu.memory_space<vmem>> -> memref<16x1024xf32, #tpu.memory_space<vmem>>
    tpu.enqueue_dma source(%dma_start3A_319 : memref<16x1024xf32, #tpu.memory_space<vmem>>) target(%dma_start3A_315 : memref<16x1024xf32, #tpu.memory_space<hbm>>) target_semaphore(%arg18 : memref<!tpu.dma_semaphore, #tpu.memory_space<semaphore_mem>>)
    %dma_wait3A_320 = arith.constant 4 : i32
    %dma_wait3A_321 = arith.constant 0 : i32
    %dma_wait3A_322 = arith.constant 0 : i32
    %dma_wait3A_323 = tpu.memref_slice %arg6[%dma_wait3A_320, %dma_wait3A_321, %dma_wait3A_322] : memref<7x16x1024xf32, #tpu.memory_space<vmem>> -> memref<1x16x1024xf32, #tpu.memory_space<vmem>>
    %dma_wait3A_324 = tpu.memref_squeeze %dma_wait3A_323 : memref<1x16x1024xf32, #tpu.memory_space<vmem>> -> memref<16x1024xf32, #tpu.memory_space<vmem>>
    %dma_wait3A_325 = arith.constant 0 : i32
    %dma_wait3A_326 = tpu.memref_slice %arg4[%add3A_306, %dma_wait3A_325] : memref<16384x1024xf32, #tpu.memory_space<hbm>> -> memref<16x1024xf32, #tpu.memory_space<hbm>>
    %dma_wait3A_327 = arith.constant 0 : i32
    %dma_wait3A_328 = tpu.memref_slice %arg4[%add3A_306, %dma_wait3A_327] : memref<16384x1024xf32, #tpu.memory_space<hbm>> -> memref<16x1024xf32, #tpu.memory_space<hbm>>
    %dma_wait3A_329 = arith.constant 0 : i32
    %dma_wait3A_330 = arith.constant 0 : i32
    %dma_wait3A_331 = tpu.memref_slice %arg6[%dma_wait3A_320, %dma_wait3A_329, %dma_wait3A_330] : memref<7x16x1024xf32, #tpu.memory_space<vmem>> -> memref<1x16x1024xf32, #tpu.memory_space<vmem>>
    %dma_wait3A_332 = tpu.memref_squeeze %dma_wait3A_331 : memref<1x16x1024xf32, #tpu.memory_space<vmem>> -> memref<16x1024xf32, #tpu.memory_space<vmem>>
    tpu.wait_dma2 semaphore(%arg18 : memref<!tpu.dma_semaphore, #tpu.memory_space<semaphore_mem>>) src(%dma_wait3A_332 : memref<16x1024xf32, #tpu.memory_space<vmem>>) dst(%dma_wait3A_328 : memref<16x1024xf32, #tpu.memory_space<hbm>>)
    %dma_start3A_333 = arith.constant 11 : i32
    %dma_start3A_334 = arith.constant 4 : i32
    %dma_start3A_335 = arith.constant 0 : i32
    %dma_start3A_336 = arith.constant 0 : i32
    %dma_start3A_337 = tpu.memref_slice %arg6[%dma_start3A_334, %dma_start3A_335, %dma_start3A_336] : memref<7x16x1024xf32, #tpu.memory_space<vmem>> -> memref<1x16x1024xf32, #tpu.memory_space<vmem>>
    %dma_start3A_338 = tpu.memref_squeeze %dma_start3A_337 : memref<1x16x1024xf32, #tpu.memory_space<vmem>> -> memref<16x1024xf32, #tpu.memory_space<vmem>>
    %dma_start3A_339 = arith.constant 0 : i32
    %dma_start3A_340 = tpu.memref_slice %arg5[%dma_start3A_333, %dma_start3A_339] : memref<32x16xi32, #tpu.memory_space<vmem>> -> memref<1x16xi32, #tpu.memory_space<vmem>>
    %dma_start3A_341 = tpu.memref_squeeze %dma_start3A_340 : memref<1x16xi32, #tpu.memory_space<vmem>> -> memref<16xi32, #tpu.memory_space<vmem>>
    %dma_start3A_342 = arith.constant 0 : i32
    %dma_start3A_343 = arith.constant 0 : i32
    %dma_start3A_344 = tpu.memref_slice %arg3[%dma_start3A_342, %dma_start3A_343] : memref<100000x1024xf32, #tpu.memory_space<hbm>> -> memref<100000x1024xf32, #tpu.memory_space<hbm>>
    tpu.enqueue_indirect_dma source(%dma_start3A_344 : memref<100000x1024xf32, #tpu.memory_space<hbm>>) target(%dma_start3A_338 : memref<16x1024xf32, #tpu.memory_space<vmem>>) offsets(%dma_start3A_341 : memref<16xi32, #tpu.memory_space<vmem>>) semaphore(%arg11 : memref<!tpu.dma_semaphore, #tpu.memory_space<semaphore_mem>>)
    %dma_wait3A_345 = arith.constant 5 : i32
    %dma_wait3A_346 = arith.constant 5 : i32
    %dma_wait3A_347 = arith.constant 0 : i32
    %dma_wait3A_348 = arith.constant 0 : i32
    %dma_wait3A_349 = tpu.memref_slice %arg6[%dma_wait3A_346, %dma_wait3A_347, %dma_wait3A_348] : memref<7x16x1024xf32, #tpu.memory_space<vmem>> -> memref<1x16x1024xf32, #tpu.memory_space<vmem>>
    %dma_wait3A_350 = tpu.memref_squeeze %dma_wait3A_349 : memref<1x16x1024xf32, #tpu.memory_space<vmem>> -> memref<16x1024xf32, #tpu.memory_space<vmem>>
    %dma_wait3A_351 = arith.constant 0 : i32
    %dma_wait3A_352 = tpu.memref_slice %arg5[%dma_wait3A_345, %dma_wait3A_351] : memref<32x16xi32, #tpu.memory_space<vmem>> -> memref<1x16xi32, #tpu.memory_space<vmem>>
    %dma_wait3A_353 = tpu.memref_squeeze %dma_wait3A_352 : memref<1x16xi32, #tpu.memory_space<vmem>> -> memref<16xi32, #tpu.memory_space<vmem>>
    %dma_wait3A_354 = arith.constant 0 : i32
    %dma_wait3A_355 = arith.constant 0 : i32
    %dma_wait3A_356 = tpu.memref_slice %arg3[%dma_wait3A_354, %dma_wait3A_355] : memref<100000x1024xf32, #tpu.memory_space<hbm>> -> memref<100000x1024xf32, #tpu.memory_space<hbm>>
    tpu.wait_indirect_dma semaphore(%arg12 : memref<!tpu.dma_semaphore, #tpu.memory_space<semaphore_mem>>) src(%dma_wait3A_356 : memref<100000x1024xf32, #tpu.memory_space<hbm>>) dst(%dma_wait3A_350 : memref<16x1024xf32, #tpu.memory_space<vmem>>)
    %add3A_357 = arith.constant 80 : i32
    %add3A_358 = arith.addi %mul3A_2, %add3A_357 : i32
    %dma_start3A_359 = arith.constant 5 : i32
    %dma_start3A_360 = arith.constant 0 : i32
    %dma_start3A_361 = arith.constant 0 : i32
    %dma_start3A_362 = tpu.memref_slice %arg6[%dma_start3A_359, %dma_start3A_360, %dma_start3A_361] : memref<7x16x1024xf32, #tpu.memory_space<vmem>> -> memref<1x16x1024xf32, #tpu.memory_space<vmem>>
    %dma_start3A_363 = tpu.memref_squeeze %dma_start3A_362 : memref<1x16x1024xf32, #tpu.memory_space<vmem>> -> memref<16x1024xf32, #tpu.memory_space<vmem>>
    %dma_start3A_364 = arith.constant 0 : i32
    %dma_start3A_365 = tpu.memref_slice %arg4[%add3A_358, %dma_start3A_364] : memref<16384x1024xf32, #tpu.memory_space<hbm>> -> memref<16x1024xf32, #tpu.memory_space<hbm>>
    %dma_start3A_366 = arith.constant 0 : i32
    %dma_start3A_367 = tpu.memref_slice %arg4[%add3A_358, %dma_start3A_366] : memref<16384x1024xf32, #tpu.memory_space<hbm>> -> memref<16x1024xf32, #tpu.memory_space<hbm>>
    %dma_start3A_368 = arith.constant 0 : i32
    %dma_start3A_369 = arith.constant 0 : i32
    %dma_start3A_370 = tpu.memref_slice %arg6[%dma_start3A_359, %dma_start3A_368, %dma_start3A_369] : memref<7x16x1024xf32, #tpu.memory_space<vmem>> -> memref<1x16x1024xf32, #tpu.memory_space<vmem>>
    %dma_start3A_371 = tpu.memref_squeeze %dma_start3A_370 : memref<1x16x1024xf32, #tpu.memory_space<vmem>> -> memref<16x1024xf32, #tpu.memory_space<vmem>>
    tpu.enqueue_dma source(%dma_start3A_371 : memref<16x1024xf32, #tpu.memory_space<vmem>>) target(%dma_start3A_367 : memref<16x1024xf32, #tpu.memory_space<hbm>>) target_semaphore(%arg19 : memref<!tpu.dma_semaphore, #tpu.memory_space<semaphore_mem>>)
    %dma_wait3A_372 = arith.constant 5 : i32
    %dma_wait3A_373 = arith.constant 0 : i32
    %dma_wait3A_374 = arith.constant 0 : i32
    %dma_wait3A_375 = tpu.memref_slice %arg6[%dma_wait3A_372, %dma_wait3A_373, %dma_wait3A_374] : memref<7x16x1024xf32, #tpu.memory_space<vmem>> -> memref<1x16x1024xf32, #tpu.memory_space<vmem>>
    %dma_wait3A_376 = tpu.memref_squeeze %dma_wait3A_375 : memref<1x16x1024xf32, #tpu.memory_space<vmem>> -> memref<16x1024xf32, #tpu.memory_space<vmem>>
    %dma_wait3A_377 = arith.constant 0 : i32
    %dma_wait3A_378 = tpu.memref_slice %arg4[%add3A_358, %dma_wait3A_377] : memref<16384x1024xf32, #tpu.memory_space<hbm>> -> memref<16x1024xf32, #tpu.memory_space<hbm>>
    %dma_wait3A_379 = arith.constant 0 : i32
    %dma_wait3A_380 = tpu.memref_slice %arg4[%add3A_358, %dma_wait3A_379] : memref<16384x1024xf32, #tpu.memory_space<hbm>> -> memref<16x1024xf32, #tpu.memory_space<hbm>>
    %dma_wait3A_381 = arith.constant 0 : i32
    %dma_wait3A_382 = arith.constant 0 : i32
    %dma_wait3A_383 = tpu.memref_slice %arg6[%dma_wait3A_372, %dma_wait3A_381, %dma_wait3A_382] : memref<7x16x1024xf32, #tpu.memory_space<vmem>> -> memref<1x16x1024xf32, #tpu.memory_space<vmem>>
    %dma_wait3A_384 = tpu.memref_squeeze %dma_wait3A_383 : memref<1x16x1024xf32, #tpu.memory_space<vmem>> -> memref<16x1024xf32, #tpu.memory_space<vmem>>
    tpu.wait_dma2 semaphore(%arg19 : memref<!tpu.dma_semaphore, #tpu.memory_space<semaphore_mem>>) src(%dma_wait3A_384 : memref<16x1024xf32, #tpu.memory_space<vmem>>) dst(%dma_wait3A_380 : memref<16x1024xf32, #tpu.memory_space<hbm>>)
    %dma_start3A_385 = arith.constant 12 : i32
    %dma_start3A_386 = arith.constant 5 : i32
    %dma_start3A_387 = arith.constant 0 : i32
    %dma_start3A_388 = arith.constant 0 : i32
    %dma_start3A_389 = tpu.memref_slice %arg6[%dma_start3A_386, %dma_start3A_387, %dma_start3A_388] : memref<7x16x1024xf32, #tpu.memory_space<vmem>> -> memref<1x16x1024xf32, #tpu.memory_space<vmem>>
    %dma_start3A_390 = tpu.memref_squeeze %dma_start3A_389 : memref<1x16x1024xf32, #tpu.memory_space<vmem>> -> memref<16x1024xf32, #tpu.memory_space<vmem>>
    %dma_start3A_391 = arith.constant 0 : i32
    %dma_start3A_392 = tpu.memref_slice %arg5[%dma_start3A_385, %dma_start3A_391] : memref<32x16xi32, #tpu.memory_space<vmem>> -> memref<1x16xi32, #tpu.memory_space<vmem>>
    %dma_start3A_393 = tpu.memref_squeeze %dma_start3A_392 : memref<1x16xi32, #tpu.memory_space<vmem>> -> memref<16xi32, #tpu.memory_space<vmem>>
    %dma_start3A_394 = arith.constant 0 : i32
    %dma_start3A_395 = arith.constant 0 : i32
    %dma_start3A_396 = tpu.memref_slice %arg3[%dma_start3A_394, %dma_start3A_395] : memref<100000x1024xf32, #tpu.memory_space<hbm>> -> memref<100000x1024xf32, #tpu.memory_space<hbm>>
    tpu.enqueue_indirect_dma source(%dma_start3A_396 : memref<100000x1024xf32, #tpu.memory_space<hbm>>) target(%dma_start3A_390 : memref<16x1024xf32, #tpu.memory_space<vmem>>) offsets(%dma_start3A_393 : memref<16xi32, #tpu.memory_space<vmem>>) semaphore(%arg12 : memref<!tpu.dma_semaphore, #tpu.memory_space<semaphore_mem>>)
    %dma_wait3A_397 = arith.constant 6 : i32
    %dma_wait3A_398 = arith.constant 6 : i32
    %dma_wait3A_399 = arith.constant 0 : i32
    %dma_wait3A_400 = arith.constant 0 : i32
    %dma_wait3A_401 = tpu.memref_slice %arg6[%dma_wait3A_398, %dma_wait3A_399, %dma_wait3A_400] : memref<7x16x1024xf32, #tpu.memory_space<vmem>> -> memref<1x16x1024xf32, #tpu.memory_space<vmem>>
    %dma_wait3A_402 = tpu.memref_squeeze %dma_wait3A_401 : memref<1x16x1024xf32, #tpu.memory_space<vmem>> -> memref<16x1024xf32, #tpu.memory_space<vmem>>
    %dma_wait3A_403 = arith.constant 0 : i32
    %dma_wait3A_404 = tpu.memref_slice %arg5[%dma_wait3A_397, %dma_wait3A_403] : memref<32x16xi32, #tpu.memory_space<vmem>> -> memref<1x16xi32, #tpu.memory_space<vmem>>
    %dma_wait3A_405 = tpu.memref_squeeze %dma_wait3A_404 : memref<1x16xi32, #tpu.memory_space<vmem>> -> memref<16xi32, #tpu.memory_space<vmem>>
    %dma_wait3A_406 = arith.constant 0 : i32
    %dma_wait3A_407 = arith.constant 0 : i32
    %dma_wait3A_408 = tpu.memref_slice %arg3[%dma_wait3A_406, %dma_wait3A_407] : memref<100000x1024xf32, #tpu.memory_space<hbm>> -> memref<100000x1024xf32, #tpu.memory_space<hbm>>
    tpu.wait_indirect_dma semaphore(%arg13 : memref<!tpu.dma_semaphore, #tpu.memory_space<semaphore_mem>>) src(%dma_wait3A_408 : memref<100000x1024xf32, #tpu.memory_space<hbm>>) dst(%dma_wait3A_402 : memref<16x1024xf32, #tpu.memory_space<vmem>>)
    %add3A_409 = arith.constant 96 : i32
    %add3A_410 = arith.addi %mul3A_2, %add3A_409 : i32
    %dma_start3A_411 = arith.constant 6 : i32
    %dma_start3A_412 = arith.constant 0 : i32
    %dma_start3A_413 = arith.constant 0 : i32
    %dma_start3A_414 = tpu.memref_slice %arg6[%dma_start3A_411, %dma_start3A_412, %dma_start3A_413] : memref<7x16x1024xf32, #tpu.memory_space<vmem>> -> memref<1x16x1024xf32, #tpu.memory_space<vmem>>
    %dma_start3A_415 = tpu.memref_squeeze %dma_start3A_414 : memref<1x16x1024xf32, #tpu.memory_space<vmem>> -> memref<16x1024xf32, #tpu.memory_space<vmem>>
    %dma_start3A_416 = arith.constant 0 : i32
    %dma_start3A_417 = tpu.memref_slice %arg4[%add3A_410, %dma_start3A_416] : memref<16384x1024xf32, #tpu.memory_space<hbm>> -> memref<16x1024xf32, #tpu.memory_space<hbm>>
    %dma_start3A_418 = arith.constant 0 : i32
    %dma_start3A_419 = tpu.memref_slice %arg4[%add3A_410, %dma_start3A_418] : memref<16384x1024xf32, #tpu.memory_space<hbm>> -> memref<16x1024xf32, #tpu.memory_space<hbm>>
    %dma_start3A_420 = arith.constant 0 : i32
    %dma_start3A_421 = arith.constant 0 : i32
    %dma_start3A_422 = tpu.memref_slice %arg6[%dma_start3A_411, %dma_start3A_420, %dma_start3A_421] : memref<7x16x1024xf32, #tpu.memory_space<vmem>> -> memref<1x16x1024xf32, #tpu.memory_space<vmem>>
    %dma_start3A_423 = tpu.memref_squeeze %dma_start3A_422 : memref<1x16x1024xf32, #tpu.memory_space<vmem>> -> memref<16x1024xf32, #tpu.memory_space<vmem>>
    tpu.enqueue_dma source(%dma_start3A_423 : memref<16x1024xf32, #tpu.memory_space<vmem>>) target(%dma_start3A_419 : memref<16x1024xf32, #tpu.memory_space<hbm>>) target_semaphore(%arg20 : memref<!tpu.dma_semaphore, #tpu.memory_space<semaphore_mem>>)
    %dma_wait3A_424 = arith.constant 6 : i32
    %dma_wait3A_425 = arith.constant 0 : i32
    %dma_wait3A_426 = arith.constant 0 : i32
    %dma_wait3A_427 = tpu.memref_slice %arg6[%dma_wait3A_424, %dma_wait3A_425, %dma_wait3A_426] : memref<7x16x1024xf32, #tpu.memory_space<vmem>> -> memref<1x16x1024xf32, #tpu.memory_space<vmem>>
    %dma_wait3A_428 = tpu.memref_squeeze %dma_wait3A_427 : memref<1x16x1024xf32, #tpu.memory_space<vmem>> -> memref<16x1024xf32, #tpu.memory_space<vmem>>
    %dma_wait3A_429 = arith.constant 0 : i32
    %dma_wait3A_430 = tpu.memref_slice %arg4[%add3A_410, %dma_wait3A_429] : memref<16384x1024xf32, #tpu.memory_space<hbm>> -> memref<16x1024xf32, #tpu.memory_space<hbm>>
    %dma_wait3A_431 = arith.constant 0 : i32
    %dma_wait3A_432 = tpu.memref_slice %arg4[%add3A_410, %dma_wait3A_431] : memref<16384x1024xf32, #tpu.memory_space<hbm>> -> memref<16x1024xf32, #tpu.memory_space<hbm>>
    %dma_wait3A_433 = arith.constant 0 : i32
    %dma_wait3A_434 = arith.constant 0 : i32
    %dma_wait3A_435 = tpu.memref_slice %arg6[%dma_wait3A_424, %dma_wait3A_433, %dma_wait3A_434] : memref<7x16x1024xf32, #tpu.memory_space<vmem>> -> memref<1x16x1024xf32, #tpu.memory_space<vmem>>
    %dma_wait3A_436 = tpu.memref_squeeze %dma_wait3A_435 : memref<1x16x1024xf32, #tpu.memory_space<vmem>> -> memref<16x1024xf32, #tpu.memory_space<vmem>>
    tpu.wait_dma2 semaphore(%arg20 : memref<!tpu.dma_semaphore, #tpu.memory_space<semaphore_mem>>) src(%dma_wait3A_436 : memref<16x1024xf32, #tpu.memory_space<vmem>>) dst(%dma_wait3A_432 : memref<16x1024xf32, #tpu.memory_space<hbm>>)
    %dma_start3A_437 = arith.constant 13 : i32
    %dma_start3A_438 = arith.constant 6 : i32
    %dma_start3A_439 = arith.constant 0 : i32
    %dma_start3A_440 = arith.constant 0 : i32
    %dma_start3A_441 = tpu.memref_slice %arg6[%dma_start3A_438, %dma_start3A_439, %dma_start3A_440] : memref<7x16x1024xf32, #tpu.memory_space<vmem>> -> memref<1x16x1024xf32, #tpu.memory_space<vmem>>
    %dma_start3A_442 = tpu.memref_squeeze %dma_start3A_441 : memref<1x16x1024xf32, #tpu.memory_space<vmem>> -> memref<16x1024xf32, #tpu.memory_space<vmem>>
    %dma_start3A_443 = arith.constant 0 : i32
    %dma_start3A_444 = tpu.memref_slice %arg5[%dma_start3A_437, %dma_start3A_443] : memref<32x16xi32, #tpu.memory_space<vmem>> -> memref<1x16xi32, #tpu.memory_space<vmem>>
    %dma_start3A_445 = tpu.memref_squeeze %dma_start3A_444 : memref<1x16xi32, #tpu.memory_space<vmem>> -> memref<16xi32, #tpu.memory_space<vmem>>
    %dma_start3A_446 = arith.constant 0 : i32
    %dma_start3A_447 = arith.constant 0 : i32
    %dma_start3A_448 = tpu.memref_slice %arg3[%dma_start3A_446, %dma_start3A_447] : memref<100000x1024xf32, #tpu.memory_space<hbm>> -> memref<100000x1024xf32, #tpu.memory_space<hbm>>
    tpu.enqueue_indirect_dma source(%dma_start3A_448 : memref<100000x1024xf32, #tpu.memory_space<hbm>>) target(%dma_start3A_442 : memref<16x1024xf32, #tpu.memory_space<vmem>>) offsets(%dma_start3A_445 : memref<16xi32, #tpu.memory_space<vmem>>) semaphore(%arg13 : memref<!tpu.dma_semaphore, #tpu.memory_space<semaphore_mem>>)
    %dma_wait3A_449 = arith.constant 7 : i32
    %dma_wait3A_450 = arith.constant 0 : i32
    %dma_wait3A_451 = arith.constant 0 : i32
    %dma_wait3A_452 = arith.constant 0 : i32
    %dma_wait3A_453 = tpu.memref_slice %arg6[%dma_wait3A_450, %dma_wait3A_451, %dma_wait3A_452] : memref<7x16x1024xf32, #tpu.memory_space<vmem>> -> memref<1x16x1024xf32, #tpu.memory_space<vmem>>
    %dma_wait3A_454 = tpu.memref_squeeze %dma_wait3A_453 : memref<1x16x1024xf32, #tpu.memory_space<vmem>> -> memref<16x1024xf32, #tpu.memory_space<vmem>>
    %dma_wait3A_455 = arith.constant 0 : i32
    %dma_wait3A_456 = tpu.memref_slice %arg5[%dma_wait3A_449, %dma_wait3A_455] : memref<32x16xi32, #tpu.memory_space<vmem>> -> memref<1x16xi32, #tpu.memory_space<vmem>>
    %dma_wait3A_457 = tpu.memref_squeeze %dma_wait3A_456 : memref<1x16xi32, #tpu.memory_space<vmem>> -> memref<16xi32, #tpu.memory_space<vmem>>
    %dma_wait3A_458 = arith.constant 0 : i32
    %dma_wait3A_459 = arith.constant 0 : i32
    %dma_wait3A_460 = tpu.memref_slice %arg3[%dma_wait3A_458, %dma_wait3A_459] : memref<100000x1024xf32, #tpu.memory_space<hbm>> -> memref<100000x1024xf32, #tpu.memory_space<hbm>>
    tpu.wait_indirect_dma semaphore(%arg7 : memref<!tpu.dma_semaphore, #tpu.memory_space<semaphore_mem>>) src(%dma_wait3A_460 : memref<100000x1024xf32, #tpu.memory_space<hbm>>) dst(%dma_wait3A_454 : memref<16x1024xf32, #tpu.memory_space<vmem>>)
    %add3A_461 = arith.constant 112 : i32
    %add3A_462 = arith.addi %mul3A_2, %add3A_461 : i32
    %dma_start3A_463 = arith.constant 0 : i32
    %dma_start3A_464 = arith.constant 0 : i32
    %dma_start3A_465 = arith.constant 0 : i32
    %dma_start3A_466 = tpu.memref_slice %arg6[%dma_start3A_463, %dma_start3A_464, %dma_start3A_465] : memref<7x16x1024xf32, #tpu.memory_space<vmem>> -> memref<1x16x1024xf32, #tpu.memory_space<vmem>>
    %dma_start3A_467 = tpu.memref_squeeze %dma_start3A_466 : memref<1x16x1024xf32, #tpu.memory_space<vmem>> -> memref<16x1024xf32, #tpu.memory_space<vmem>>
    %dma_start3A_468 = arith.constant 0 : i32
    %dma_start3A_469 = tpu.memref_slice %arg4[%add3A_462, %dma_start3A_468] : memref<16384x1024xf32, #tpu.memory_space<hbm>> -> memref<16x1024xf32, #tpu.memory_space<hbm>>
    %dma_start3A_470 = arith.constant 0 : i32
    %dma_start3A_471 = tpu.memref_slice %arg4[%add3A_462, %dma_start3A_470] : memref<16384x1024xf32, #tpu.memory_space<hbm>> -> memref<16x1024xf32, #tpu.memory_space<hbm>>
    %dma_start3A_472 = arith.constant 0 : i32
    %dma_start3A_473 = arith.constant 0 : i32
    %dma_start3A_474 = tpu.memref_slice %arg6[%dma_start3A_463, %dma_start3A_472, %dma_start3A_473] : memref<7x16x1024xf32, #tpu.memory_space<vmem>> -> memref<1x16x1024xf32, #tpu.memory_space<vmem>>
    %dma_start3A_475 = tpu.memref_squeeze %dma_start3A_474 : memref<1x16x1024xf32, #tpu.memory_space<vmem>> -> memref<16x1024xf32, #tpu.memory_space<vmem>>
    tpu.enqueue_dma source(%dma_start3A_475 : memref<16x1024xf32, #tpu.memory_space<vmem>>) target(%dma_start3A_471 : memref<16x1024xf32, #tpu.memory_space<hbm>>) target_semaphore(%arg14 : memref<!tpu.dma_semaphore, #tpu.memory_space<semaphore_mem>>)
    %dma_wait3A_476 = arith.constant 0 : i32
    %dma_wait3A_477 = arith.constant 0 : i32
    %dma_wait3A_478 = arith.constant 0 : i32
    %dma_wait3A_479 = tpu.memref_slice %arg6[%dma_wait3A_476, %dma_wait3A_477, %dma_wait3A_478] : memref<7x16x1024xf32, #tpu.memory_space<vmem>> -> memref<1x16x1024xf32, #tpu.memory_space<vmem>>
    %dma_wait3A_480 = tpu.memref_squeeze %dma_wait3A_479 : memref<1x16x1024xf32, #tpu.memory_space<vmem>> -> memref<16x1024xf32, #tpu.memory_space<vmem>>
    %dma_wait3A_481 = arith.constant 0 : i32
    %dma_wait3A_482 = tpu.memref_slice %arg4[%add3A_462, %dma_wait3A_481] : memref<16384x1024xf32, #tpu.memory_space<hbm>> -> memref<16x1024xf32, #tpu.memory_space<hbm>>
    %dma_wait3A_483 = arith.constant 0 : i32
    %dma_wait3A_484 = tpu.memref_slice %arg4[%add3A_462, %dma_wait3A_483] : memref<16384x1024xf32, #tpu.memory_space<hbm>> -> memref<16x1024xf32, #tpu.memory_space<hbm>>
    %dma_wait3A_485 = arith.constant 0 : i32
    %dma_wait3A_486 = arith.constant 0 : i32
    %dma_wait3A_487 = tpu.memref_slice %arg6[%dma_wait3A_476, %dma_wait3A_485, %dma_wait3A_486] : memref<7x16x1024xf32, #tpu.memory_space<vmem>> -> memref<1x16x1024xf32, #tpu.memory_space<vmem>>
    %dma_wait3A_488 = tpu.memref_squeeze %dma_wait3A_487 : memref<1x16x1024xf32, #tpu.memory_space<vmem>> -> memref<16x1024xf32, #tpu.memory_space<vmem>>
    tpu.wait_dma2 semaphore(%arg14 : memref<!tpu.dma_semaphore, #tpu.memory_space<semaphore_mem>>) src(%dma_wait3A_488 : memref<16x1024xf32, #tpu.memory_space<vmem>>) dst(%dma_wait3A_484 : memref<16x1024xf32, #tpu.memory_space<hbm>>)
    %dma_start3A_489 = arith.constant 14 : i32
    %dma_start3A_490 = arith.constant 0 : i32
    %dma_start3A_491 = arith.constant 0 : i32
    %dma_start3A_492 = arith.constant 0 : i32
    %dma_start3A_493 = tpu.memref_slice %arg6[%dma_start3A_490, %dma_start3A_491, %dma_start3A_492] : memref<7x16x1024xf32, #tpu.memory_space<vmem>> -> memref<1x16x1024xf32, #tpu.memory_space<vmem>>
    %dma_start3A_494 = tpu.memref_squeeze %dma_start3A_493 : memref<1x16x1024xf32, #tpu.memory_space<vmem>> -> memref<16x1024xf32, #tpu.memory_space<vmem>>
    %dma_start3A_495 = arith.constant 0 : i32
    %dma_start3A_496 = tpu.memref_slice %arg5[%dma_start3A_489, %dma_start3A_495] : memref<32x16xi32, #tpu.memory_space<vmem>> -> memref<1x16xi32, #tpu.memory_space<vmem>>
    %dma_start3A_497 = tpu.memref_squeeze %dma_start3A_496 : memref<1x16xi32, #tpu.memory_space<vmem>> -> memref<16xi32, #tpu.memory_space<vmem>>
    %dma_start3A_498 = arith.constant 0 : i32
    %dma_start3A_499 = arith.constant 0 : i32
    %dma_start3A_500 = tpu.memref_slice %arg3[%dma_start3A_498, %dma_start3A_499] : memref<100000x1024xf32, #tpu.memory_space<hbm>> -> memref<100000x1024xf32, #tpu.memory_space<hbm>>
    tpu.enqueue_indirect_dma source(%dma_start3A_500 : memref<100000x1024xf32, #tpu.memory_space<hbm>>) target(%dma_start3A_494 : memref<16x1024xf32, #tpu.memory_space<vmem>>) offsets(%dma_start3A_497 : memref<16xi32, #tpu.memory_space<vmem>>) semaphore(%arg7 : memref<!tpu.dma_semaphore, #tpu.memory_space<semaphore_mem>>)
    %dma_wait3A_501 = arith.constant 8 : i32
    %dma_wait3A_502 = arith.constant 1 : i32
    %dma_wait3A_503 = arith.constant 0 : i32
    %dma_wait3A_504 = arith.constant 0 : i32
    %dma_wait3A_505 = tpu.memref_slice %arg6[%dma_wait3A_502, %dma_wait3A_503, %dma_wait3A_504] : memref<7x16x1024xf32, #tpu.memory_space<vmem>> -> memref<1x16x1024xf32, #tpu.memory_space<vmem>>
    %dma_wait3A_506 = tpu.memref_squeeze %dma_wait3A_505 : memref<1x16x1024xf32, #tpu.memory_space<vmem>> -> memref<16x1024xf32, #tpu.memory_space<vmem>>
    %dma_wait3A_507 = arith.constant 0 : i32
    %dma_wait3A_508 = tpu.memref_slice %arg5[%dma_wait3A_501, %dma_wait3A_507] : memref<32x16xi32, #tpu.memory_space<vmem>> -> memref<1x16xi32, #tpu.memory_space<vmem>>
    %dma_wait3A_509 = tpu.memref_squeeze %dma_wait3A_508 : memref<1x16xi32, #tpu.memory_space<vmem>> -> memref<16xi32, #tpu.memory_space<vmem>>
    %dma_wait3A_510 = arith.constant 0 : i32
    %dma_wait3A_511 = arith.constant 0 : i32
    %dma_wait3A_512 = tpu.memref_slice %arg3[%dma_wait3A_510, %dma_wait3A_511] : memref<100000x1024xf32, #tpu.memory_space<hbm>> -> memref<100000x1024xf32, #tpu.memory_space<hbm>>
    tpu.wait_indirect_dma semaphore(%arg8 : memref<!tpu.dma_semaphore, #tpu.memory_space<semaphore_mem>>) src(%dma_wait3A_512 : memref<100000x1024xf32, #tpu.memory_space<hbm>>) dst(%dma_wait3A_506 : memref<16x1024xf32, #tpu.memory_space<vmem>>)
    %add3A_513 = arith.constant 128 : i32
    %add3A_514 = arith.addi %mul3A_2, %add3A_513 : i32
    %dma_start3A_515 = arith.constant 1 : i32
    %dma_start3A_516 = arith.constant 0 : i32
    %dma_start3A_517 = arith.constant 0 : i32
    %dma_start3A_518 = tpu.memref_slice %arg6[%dma_start3A_515, %dma_start3A_516, %dma_start3A_517] : memref<7x16x1024xf32, #tpu.memory_space<vmem>> -> memref<1x16x1024xf32, #tpu.memory_space<vmem>>
    %dma_start3A_519 = tpu.memref_squeeze %dma_start3A_518 : memref<1x16x1024xf32, #tpu.memory_space<vmem>> -> memref<16x1024xf32, #tpu.memory_space<vmem>>
    %dma_start3A_520 = arith.constant 0 : i32
    %dma_start3A_521 = tpu.memref_slice %arg4[%add3A_514, %dma_start3A_520] : memref<16384x1024xf32, #tpu.memory_space<hbm>> -> memref<16x1024xf32, #tpu.memory_space<hbm>>
    %dma_start3A_522 = arith.constant 0 : i32
    %dma_start3A_523 = tpu.memref_slice %arg4[%add3A_514, %dma_start3A_522] : memref<16384x1024xf32, #tpu.memory_space<hbm>> -> memref<16x1024xf32, #tpu.memory_space<hbm>>
    %dma_start3A_524 = arith.constant 0 : i32
    %dma_start3A_525 = arith.constant 0 : i32
    %dma_start3A_526 = tpu.memref_slice %arg6[%dma_start3A_515, %dma_start3A_524, %dma_start3A_525] : memref<7x16x1024xf32, #tpu.memory_space<vmem>> -> memref<1x16x1024xf32, #tpu.memory_space<vmem>>
    %dma_start3A_527 = tpu.memref_squeeze %dma_start3A_526 : memref<1x16x1024xf32, #tpu.memory_space<vmem>> -> memref<16x1024xf32, #tpu.memory_space<vmem>>
    tpu.enqueue_dma source(%dma_start3A_527 : memref<16x1024xf32, #tpu.memory_space<vmem>>) target(%dma_start3A_523 : memref<16x1024xf32, #tpu.memory_space<hbm>>) target_semaphore(%arg15 : memref<!tpu.dma_semaphore, #tpu.memory_space<semaphore_mem>>)
    %dma_wait3A_528 = arith.constant 1 : i32
    %dma_wait3A_529 = arith.constant 0 : i32
    %dma_wait3A_530 = arith.constant 0 : i32
    %dma_wait3A_531 = tpu.memref_slice %arg6[%dma_wait3A_528, %dma_wait3A_529, %dma_wait3A_530] : memref<7x16x1024xf32, #tpu.memory_space<vmem>> -> memref<1x16x1024xf32, #tpu.memory_space<vmem>>
    %dma_wait3A_532 = tpu.memref_squeeze %dma_wait3A_531 : memref<1x16x1024xf32, #tpu.memory_space<vmem>> -> memref<16x1024xf32, #tpu.memory_space<vmem>>
    %dma_wait3A_533 = arith.constant 0 : i32
    %dma_wait3A_534 = tpu.memref_slice %arg4[%add3A_514, %dma_wait3A_533] : memref<16384x1024xf32, #tpu.memory_space<hbm>> -> memref<16x1024xf32, #tpu.memory_space<hbm>>
    %dma_wait3A_535 = arith.constant 0 : i32
    %dma_wait3A_536 = tpu.memref_slice %arg4[%add3A_514, %dma_wait3A_535] : memref<16384x1024xf32, #tpu.memory_space<hbm>> -> memref<16x1024xf32, #tpu.memory_space<hbm>>
    %dma_wait3A_537 = arith.constant 0 : i32
    %dma_wait3A_538 = arith.constant 0 : i32
    %dma_wait3A_539 = tpu.memref_slice %arg6[%dma_wait3A_528, %dma_wait3A_537, %dma_wait3A_538] : memref<7x16x1024xf32, #tpu.memory_space<vmem>> -> memref<1x16x1024xf32, #tpu.memory_space<vmem>>
    %dma_wait3A_540 = tpu.memref_squeeze %dma_wait3A_539 : memref<1x16x1024xf32, #tpu.memory_space<vmem>> -> memref<16x1024xf32, #tpu.memory_space<vmem>>
    tpu.wait_dma2 semaphore(%arg15 : memref<!tpu.dma_semaphore, #tpu.memory_space<semaphore_mem>>) src(%dma_wait3A_540 : memref<16x1024xf32, #tpu.memory_space<vmem>>) dst(%dma_wait3A_536 : memref<16x1024xf32, #tpu.memory_space<hbm>>)
    %dma_start3A_541 = arith.constant 15 : i32
    %dma_start3A_542 = arith.constant 1 : i32
    %dma_start3A_543 = arith.constant 0 : i32
    %dma_start3A_544 = arith.constant 0 : i32
    %dma_start3A_545 = tpu.memref_slice %arg6[%dma_start3A_542, %dma_start3A_543, %dma_start3A_544] : memref<7x16x1024xf32, #tpu.memory_space<vmem>> -> memref<1x16x1024xf32, #tpu.memory_space<vmem>>
    %dma_start3A_546 = tpu.memref_squeeze %dma_start3A_545 : memref<1x16x1024xf32, #tpu.memory_space<vmem>> -> memref<16x1024xf32, #tpu.memory_space<vmem>>
    %dma_start3A_547 = arith.constant 0 : i32
    %dma_start3A_548 = tpu.memref_slice %arg5[%dma_start3A_541, %dma_start3A_547] : memref<32x16xi32, #tpu.memory_space<vmem>> -> memref<1x16xi32, #tpu.memory_space<vmem>>
    %dma_start3A_549 = tpu.memref_squeeze %dma_start3A_548 : memref<1x16xi32, #tpu.memory_space<vmem>> -> memref<16xi32, #tpu.memory_space<vmem>>
    %dma_start3A_550 = arith.constant 0 : i32
    %dma_start3A_551 = arith.constant 0 : i32
    %dma_start3A_552 = tpu.memref_slice %arg3[%dma_start3A_550, %dma_start3A_551] : memref<100000x1024xf32, #tpu.memory_space<hbm>> -> memref<100000x1024xf32, #tpu.memory_space<hbm>>
    tpu.enqueue_indirect_dma source(%dma_start3A_552 : memref<100000x1024xf32, #tpu.memory_space<hbm>>) target(%dma_start3A_546 : memref<16x1024xf32, #tpu.memory_space<vmem>>) offsets(%dma_start3A_549 : memref<16xi32, #tpu.memory_space<vmem>>) semaphore(%arg8 : memref<!tpu.dma_semaphore, #tpu.memory_space<semaphore_mem>>)
    %dma_wait3A_553 = arith.constant 9 : i32
    %dma_wait3A_554 = arith.constant 2 : i32
    %dma_wait3A_555 = arith.constant 0 : i32
    %dma_wait3A_556 = arith.constant 0 : i32
    %dma_wait3A_557 = tpu.memref_slice %arg6[%dma_wait3A_554, %dma_wait3A_555, %dma_wait3A_556] : memref<7x16x1024xf32, #tpu.memory_space<vmem>> -> memref<1x16x1024xf32, #tpu.memory_space<vmem>>
    %dma_wait3A_558 = tpu.memref_squeeze %dma_wait3A_557 : memref<1x16x1024xf32, #tpu.memory_space<vmem>> -> memref<16x1024xf32, #tpu.memory_space<vmem>>
    %dma_wait3A_559 = arith.constant 0 : i32
    %dma_wait3A_560 = tpu.memref_slice %arg5[%dma_wait3A_553, %dma_wait3A_559] : memref<32x16xi32, #tpu.memory_space<vmem>> -> memref<1x16xi32, #tpu.memory_space<vmem>>
    %dma_wait3A_561 = tpu.memref_squeeze %dma_wait3A_560 : memref<1x16xi32, #tpu.memory_space<vmem>> -> memref<16xi32, #tpu.memory_space<vmem>>
    %dma_wait3A_562 = arith.constant 0 : i32
    %dma_wait3A_563 = arith.constant 0 : i32
    %dma_wait3A_564 = tpu.memref_slice %arg3[%dma_wait3A_562, %dma_wait3A_563] : memref<100000x1024xf32, #tpu.memory_space<hbm>> -> memref<100000x1024xf32, #tpu.memory_space<hbm>>
    tpu.wait_indirect_dma semaphore(%arg9 : memref<!tpu.dma_semaphore, #tpu.memory_space<semaphore_mem>>) src(%dma_wait3A_564 : memref<100000x1024xf32, #tpu.memory_space<hbm>>) dst(%dma_wait3A_558 : memref<16x1024xf32, #tpu.memory_space<vmem>>)
    %add3A_565 = arith.constant 144 : i32
    %add3A_566 = arith.addi %mul3A_2, %add3A_565 : i32
    %dma_start3A_567 = arith.constant 2 : i32
    %dma_start3A_568 = arith.constant 0 : i32
    %dma_start3A_569 = arith.constant 0 : i32
    %dma_start3A_570 = tpu.memref_slice %arg6[%dma_start3A_567, %dma_start3A_568, %dma_start3A_569] : memref<7x16x1024xf32, #tpu.memory_space<vmem>> -> memref<1x16x1024xf32, #tpu.memory_space<vmem>>
    %dma_start3A_571 = tpu.memref_squeeze %dma_start3A_570 : memref<1x16x1024xf32, #tpu.memory_space<vmem>> -> memref<16x1024xf32, #tpu.memory_space<vmem>>
    %dma_start3A_572 = arith.constant 0 : i32
    %dma_start3A_573 = tpu.memref_slice %arg4[%add3A_566, %dma_start3A_572] : memref<16384x1024xf32, #tpu.memory_space<hbm>> -> memref<16x1024xf32, #tpu.memory_space<hbm>>
    %dma_start3A_574 = arith.constant 0 : i32
    %dma_start3A_575 = tpu.memref_slice %arg4[%add3A_566, %dma_start3A_574] : memref<16384x1024xf32, #tpu.memory_space<hbm>> -> memref<16x1024xf32, #tpu.memory_space<hbm>>
    %dma_start3A_576 = arith.constant 0 : i32
    %dma_start3A_577 = arith.constant 0 : i32
    %dma_start3A_578 = tpu.memref_slice %arg6[%dma_start3A_567, %dma_start3A_576, %dma_start3A_577] : memref<7x16x1024xf32, #tpu.memory_space<vmem>> -> memref<1x16x1024xf32, #tpu.memory_space<vmem>>
    %dma_start3A_579 = tpu.memref_squeeze %dma_start3A_578 : memref<1x16x1024xf32, #tpu.memory_space<vmem>> -> memref<16x1024xf32, #tpu.memory_space<vmem>>
    tpu.enqueue_dma source(%dma_start3A_579 : memref<16x1024xf32, #tpu.memory_space<vmem>>) target(%dma_start3A_575 : memref<16x1024xf32, #tpu.memory_space<hbm>>) target_semaphore(%arg16 : memref<!tpu.dma_semaphore, #tpu.memory_space<semaphore_mem>>)
    %dma_wait3A_580 = arith.constant 2 : i32
    %dma_wait3A_581 = arith.constant 0 : i32
    %dma_wait3A_582 = arith.constant 0 : i32
    %dma_wait3A_583 = tpu.memref_slice %arg6[%dma_wait3A_580, %dma_wait3A_581, %dma_wait3A_582] : memref<7x16x1024xf32, #tpu.memory_space<vmem>> -> memref<1x16x1024xf32, #tpu.memory_space<vmem>>
    %dma_wait3A_584 = tpu.memref_squeeze %dma_wait3A_583 : memref<1x16x1024xf32, #tpu.memory_space<vmem>> -> memref<16x1024xf32, #tpu.memory_space<vmem>>
    %dma_wait3A_585 = arith.constant 0 : i32
    %dma_wait3A_586 = tpu.memref_slice %arg4[%add3A_566, %dma_wait3A_585] : memref<16384x1024xf32, #tpu.memory_space<hbm>> -> memref<16x1024xf32, #tpu.memory_space<hbm>>
    %dma_wait3A_587 = arith.constant 0 : i32
    %dma_wait3A_588 = tpu.memref_slice %arg4[%add3A_566, %dma_wait3A_587] : memref<16384x1024xf32, #tpu.memory_space<hbm>> -> memref<16x1024xf32, #tpu.memory_space<hbm>>
    %dma_wait3A_589 = arith.constant 0 : i32
    %dma_wait3A_590 = arith.constant 0 : i32
    %dma_wait3A_591 = tpu.memref_slice %arg6[%dma_wait3A_580, %dma_wait3A_589, %dma_wait3A_590] : memref<7x16x1024xf32, #tpu.memory_space<vmem>> -> memref<1x16x1024xf32, #tpu.memory_space<vmem>>
    %dma_wait3A_592 = tpu.memref_squeeze %dma_wait3A_591 : memref<1x16x1024xf32, #tpu.memory_space<vmem>> -> memref<16x1024xf32, #tpu.memory_space<vmem>>
    tpu.wait_dma2 semaphore(%arg16 : memref<!tpu.dma_semaphore, #tpu.memory_space<semaphore_mem>>) src(%dma_wait3A_592 : memref<16x1024xf32, #tpu.memory_space<vmem>>) dst(%dma_wait3A_588 : memref<16x1024xf32, #tpu.memory_space<hbm>>)
    %dma_start3A_593 = arith.constant 16 : i32
    %dma_start3A_594 = arith.constant 2 : i32
    %dma_start3A_595 = arith.constant 0 : i32
    %dma_start3A_596 = arith.constant 0 : i32
    %dma_start3A_597 = tpu.memref_slice %arg6[%dma_start3A_594, %dma_start3A_595, %dma_start3A_596] : memref<7x16x1024xf32, #tpu.memory_space<vmem>> -> memref<1x16x1024xf32, #tpu.memory_space<vmem>>
    %dma_start3A_598 = tpu.memref_squeeze %dma_start3A_597 : memref<1x16x1024xf32, #tpu.memory_space<vmem>> -> memref<16x1024xf32, #tpu.memory_space<vmem>>
    %dma_start3A_599 = arith.constant 0 : i32
    %dma_start3A_600 = tpu.memref_slice %arg5[%dma_start3A_593, %dma_start3A_599] : memref<32x16xi32, #tpu.memory_space<vmem>> -> memref<1x16xi32, #tpu.memory_space<vmem>>
    %dma_start3A_601 = tpu.memref_squeeze %dma_start3A_600 : memref<1x16xi32, #tpu.memory_space<vmem>> -> memref<16xi32, #tpu.memory_space<vmem>>
    %dma_start3A_602 = arith.constant 0 : i32
    %dma_start3A_603 = arith.constant 0 : i32
    %dma_start3A_604 = tpu.memref_slice %arg3[%dma_start3A_602, %dma_start3A_603] : memref<100000x1024xf32, #tpu.memory_space<hbm>> -> memref<100000x1024xf32, #tpu.memory_space<hbm>>
    tpu.enqueue_indirect_dma source(%dma_start3A_604 : memref<100000x1024xf32, #tpu.memory_space<hbm>>) target(%dma_start3A_598 : memref<16x1024xf32, #tpu.memory_space<vmem>>) offsets(%dma_start3A_601 : memref<16xi32, #tpu.memory_space<vmem>>) semaphore(%arg9 : memref<!tpu.dma_semaphore, #tpu.memory_space<semaphore_mem>>)
    %dma_wait3A_605 = arith.constant 10 : i32
    %dma_wait3A_606 = arith.constant 3 : i32
    %dma_wait3A_607 = arith.constant 0 : i32
    %dma_wait3A_608 = arith.constant 0 : i32
    %dma_wait3A_609 = tpu.memref_slice %arg6[%dma_wait3A_606, %dma_wait3A_607, %dma_wait3A_608] : memref<7x16x1024xf32, #tpu.memory_space<vmem>> -> memref<1x16x1024xf32, #tpu.memory_space<vmem>>
    %dma_wait3A_610 = tpu.memref_squeeze %dma_wait3A_609 : memref<1x16x1024xf32, #tpu.memory_space<vmem>> -> memref<16x1024xf32, #tpu.memory_space<vmem>>
    %dma_wait3A_611 = arith.constant 0 : i32
    %dma_wait3A_612 = tpu.memref_slice %arg5[%dma_wait3A_605, %dma_wait3A_611] : memref<32x16xi32, #tpu.memory_space<vmem>> -> memref<1x16xi32, #tpu.memory_space<vmem>>
    %dma_wait3A_613 = tpu.memref_squeeze %dma_wait3A_612 : memref<1x16xi32, #tpu.memory_space<vmem>> -> memref<16xi32, #tpu.memory_space<vmem>>
    %dma_wait3A_614 = arith.constant 0 : i32
    %dma_wait3A_615 = arith.constant 0 : i32
    %dma_wait3A_616 = tpu.memref_slice %arg3[%dma_wait3A_614, %dma_wait3A_615] : memref<100000x1024xf32, #tpu.memory_space<hbm>> -> memref<100000x1024xf32, #tpu.memory_space<hbm>>
    tpu.wait_indirect_dma semaphore(%arg10 : memref<!tpu.dma_semaphore, #tpu.memory_space<semaphore_mem>>) src(%dma_wait3A_616 : memref<100000x1024xf32, #tpu.memory_space<hbm>>) dst(%dma_wait3A_610 : memref<16x1024xf32, #tpu.memory_space<vmem>>)
    %add3A_617 = arith.constant 160 : i32
    %add3A_618 = arith.addi %mul3A_2, %add3A_617 : i32
    %dma_start3A_619 = arith.constant 3 : i32
    %dma_start3A_620 = arith.constant 0 : i32
    %dma_start3A_621 = arith.constant 0 : i32
    %dma_start3A_622 = tpu.memref_slice %arg6[%dma_start3A_619, %dma_start3A_620, %dma_start3A_621] : memref<7x16x1024xf32, #tpu.memory_space<vmem>> -> memref<1x16x1024xf32, #tpu.memory_space<vmem>>
    %dma_start3A_623 = tpu.memref_squeeze %dma_start3A_622 : memref<1x16x1024xf32, #tpu.memory_space<vmem>> -> memref<16x1024xf32, #tpu.memory_space<vmem>>
    %dma_start3A_624 = arith.constant 0 : i32
    %dma_start3A_625 = tpu.memref_slice %arg4[%add3A_618, %dma_start3A_624] : memref<16384x1024xf32, #tpu.memory_space<hbm>> -> memref<16x1024xf32, #tpu.memory_space<hbm>>
    %dma_start3A_626 = arith.constant 0 : i32
    %dma_start3A_627 = tpu.memref_slice %arg4[%add3A_618, %dma_start3A_626] : memref<16384x1024xf32, #tpu.memory_space<hbm>> -> memref<16x1024xf32, #tpu.memory_space<hbm>>
    %dma_start3A_628 = arith.constant 0 : i32
    %dma_start3A_629 = arith.constant 0 : i32
    %dma_start3A_630 = tpu.memref_slice %arg6[%dma_start3A_619, %dma_start3A_628, %dma_start3A_629] : memref<7x16x1024xf32, #tpu.memory_space<vmem>> -> memref<1x16x1024xf32, #tpu.memory_space<vmem>>
    %dma_start3A_631 = tpu.memref_squeeze %dma_start3A_630 : memref<1x16x1024xf32, #tpu.memory_space<vmem>> -> memref<16x1024xf32, #tpu.memory_space<vmem>>
    tpu.enqueue_dma source(%dma_start3A_631 : memref<16x1024xf32, #tpu.memory_space<vmem>>) target(%dma_start3A_627 : memref<16x1024xf32, #tpu.memory_space<hbm>>) target_semaphore(%arg17 : memref<!tpu.dma_semaphore, #tpu.memory_space<semaphore_mem>>)
    %dma_wait3A_632 = arith.constant 3 : i32
    %dma_wait3A_633 = arith.constant 0 : i32
    %dma_wait3A_634 = arith.constant 0 : i32
    %dma_wait3A_635 = tpu.memref_slice %arg6[%dma_wait3A_632, %dma_wait3A_633, %dma_wait3A_634] : memref<7x16x1024xf32, #tpu.memory_space<vmem>> -> memref<1x16x1024xf32, #tpu.memory_space<vmem>>
    %dma_wait3A_636 = tpu.memref_squeeze %dma_wait3A_635 : memref<1x16x1024xf32, #tpu.memory_space<vmem>> -> memref<16x1024xf32, #tpu.memory_space<vmem>>
    %dma_wait3A_637 = arith.constant 0 : i32
    %dma_wait3A_638 = tpu.memref_slice %arg4[%add3A_618, %dma_wait3A_637] : memref<16384x1024xf32, #tpu.memory_space<hbm>> -> memref<16x1024xf32, #tpu.memory_space<hbm>>
    %dma_wait3A_639 = arith.constant 0 : i32
    %dma_wait3A_640 = tpu.memref_slice %arg4[%add3A_618, %dma_wait3A_639] : memref<16384x1024xf32, #tpu.memory_space<hbm>> -> memref<16x1024xf32, #tpu.memory_space<hbm>>
    %dma_wait3A_641 = arith.constant 0 : i32
    %dma_wait3A_642 = arith.constant 0 : i32
    %dma_wait3A_643 = tpu.memref_slice %arg6[%dma_wait3A_632, %dma_wait3A_641, %dma_wait3A_642] : memref<7x16x1024xf32, #tpu.memory_space<vmem>> -> memref<1x16x1024xf32, #tpu.memory_space<vmem>>
    %dma_wait3A_644 = tpu.memref_squeeze %dma_wait3A_643 : memref<1x16x1024xf32, #tpu.memory_space<vmem>> -> memref<16x1024xf32, #tpu.memory_space<vmem>>
    tpu.wait_dma2 semaphore(%arg17 : memref<!tpu.dma_semaphore, #tpu.memory_space<semaphore_mem>>) src(%dma_wait3A_644 : memref<16x1024xf32, #tpu.memory_space<vmem>>) dst(%dma_wait3A_640 : memref<16x1024xf32, #tpu.memory_space<hbm>>)
    %dma_start3A_645 = arith.constant 17 : i32
    %dma_start3A_646 = arith.constant 3 : i32
    %dma_start3A_647 = arith.constant 0 : i32
    %dma_start3A_648 = arith.constant 0 : i32
    %dma_start3A_649 = tpu.memref_slice %arg6[%dma_start3A_646, %dma_start3A_647, %dma_start3A_648] : memref<7x16x1024xf32, #tpu.memory_space<vmem>> -> memref<1x16x1024xf32, #tpu.memory_space<vmem>>
    %dma_start3A_650 = tpu.memref_squeeze %dma_start3A_649 : memref<1x16x1024xf32, #tpu.memory_space<vmem>> -> memref<16x1024xf32, #tpu.memory_space<vmem>>
    %dma_start3A_651 = arith.constant 0 : i32
    %dma_start3A_652 = tpu.memref_slice %arg5[%dma_start3A_645, %dma_start3A_651] : memref<32x16xi32, #tpu.memory_space<vmem>> -> memref<1x16xi32, #tpu.memory_space<vmem>>
    %dma_start3A_653 = tpu.memref_squeeze %dma_start3A_652 : memref<1x16xi32, #tpu.memory_space<vmem>> -> memref<16xi32, #tpu.memory_space<vmem>>
    %dma_start3A_654 = arith.constant 0 : i32
    %dma_start3A_655 = arith.constant 0 : i32
    %dma_start3A_656 = tpu.memref_slice %arg3[%dma_start3A_654, %dma_start3A_655] : memref<100000x1024xf32, #tpu.memory_space<hbm>> -> memref<100000x1024xf32, #tpu.memory_space<hbm>>
    tpu.enqueue_indirect_dma source(%dma_start3A_656 : memref<100000x1024xf32, #tpu.memory_space<hbm>>) target(%dma_start3A_650 : memref<16x1024xf32, #tpu.memory_space<vmem>>) offsets(%dma_start3A_653 : memref<16xi32, #tpu.memory_space<vmem>>) semaphore(%arg10 : memref<!tpu.dma_semaphore, #tpu.memory_space<semaphore_mem>>)
    %dma_wait3A_657 = arith.constant 11 : i32
    %dma_wait3A_658 = arith.constant 4 : i32
    %dma_wait3A_659 = arith.constant 0 : i32
    %dma_wait3A_660 = arith.constant 0 : i32
    %dma_wait3A_661 = tpu.memref_slice %arg6[%dma_wait3A_658, %dma_wait3A_659, %dma_wait3A_660] : memref<7x16x1024xf32, #tpu.memory_space<vmem>> -> memref<1x16x1024xf32, #tpu.memory_space<vmem>>
    %dma_wait3A_662 = tpu.memref_squeeze %dma_wait3A_661 : memref<1x16x1024xf32, #tpu.memory_space<vmem>> -> memref<16x1024xf32, #tpu.memory_space<vmem>>
    %dma_wait3A_663 = arith.constant 0 : i32
    %dma_wait3A_664 = tpu.memref_slice %arg5[%dma_wait3A_657, %dma_wait3A_663] : memref<32x16xi32, #tpu.memory_space<vmem>> -> memref<1x16xi32, #tpu.memory_space<vmem>>
    %dma_wait3A_665 = tpu.memref_squeeze %dma_wait3A_664 : memref<1x16xi32, #tpu.memory_space<vmem>> -> memref<16xi32, #tpu.memory_space<vmem>>
    %dma_wait3A_666 = arith.constant 0 : i32
    %dma_wait3A_667 = arith.constant 0 : i32
    %dma_wait3A_668 = tpu.memref_slice %arg3[%dma_wait3A_666, %dma_wait3A_667] : memref<100000x1024xf32, #tpu.memory_space<hbm>> -> memref<100000x1024xf32, #tpu.memory_space<hbm>>
    tpu.wait_indirect_dma semaphore(%arg11 : memref<!tpu.dma_semaphore, #tpu.memory_space<semaphore_mem>>) src(%dma_wait3A_668 : memref<100000x1024xf32, #tpu.memory_space<hbm>>) dst(%dma_wait3A_662 : memref<16x1024xf32, #tpu.memory_space<vmem>>)
    %add3A_669 = arith.constant 176 : i32
    %add3A_670 = arith.addi %mul3A_2, %add3A_669 : i32
    %dma_start3A_671 = arith.constant 4 : i32
    %dma_start3A_672 = arith.constant 0 : i32
    %dma_start3A_673 = arith.constant 0 : i32
    %dma_start3A_674 = tpu.memref_slice %arg6[%dma_start3A_671, %dma_start3A_672, %dma_start3A_673] : memref<7x16x1024xf32, #tpu.memory_space<vmem>> -> memref<1x16x1024xf32, #tpu.memory_space<vmem>>
    %dma_start3A_675 = tpu.memref_squeeze %dma_start3A_674 : memref<1x16x1024xf32, #tpu.memory_space<vmem>> -> memref<16x1024xf32, #tpu.memory_space<vmem>>
    %dma_start3A_676 = arith.constant 0 : i32
    %dma_start3A_677 = tpu.memref_slice %arg4[%add3A_670, %dma_start3A_676] : memref<16384x1024xf32, #tpu.memory_space<hbm>> -> memref<16x1024xf32, #tpu.memory_space<hbm>>
    %dma_start3A_678 = arith.constant 0 : i32
    %dma_start3A_679 = tpu.memref_slice %arg4[%add3A_670, %dma_start3A_678] : memref<16384x1024xf32, #tpu.memory_space<hbm>> -> memref<16x1024xf32, #tpu.memory_space<hbm>>
    %dma_start3A_680 = arith.constant 0 : i32
    %dma_start3A_681 = arith.constant 0 : i32
    %dma_start3A_682 = tpu.memref_slice %arg6[%dma_start3A_671, %dma_start3A_680, %dma_start3A_681] : memref<7x16x1024xf32, #tpu.memory_space<vmem>> -> memref<1x16x1024xf32, #tpu.memory_space<vmem>>
    %dma_start3A_683 = tpu.memref_squeeze %dma_start3A_682 : memref<1x16x1024xf32, #tpu.memory_space<vmem>> -> memref<16x1024xf32, #tpu.memory_space<vmem>>
    tpu.enqueue_dma source(%dma_start3A_683 : memref<16x1024xf32, #tpu.memory_space<vmem>>) target(%dma_start3A_679 : memref<16x1024xf32, #tpu.memory_space<hbm>>) target_semaphore(%arg18 : memref<!tpu.dma_semaphore, #tpu.memory_space<semaphore_mem>>)
    %dma_wait3A_684 = arith.constant 4 : i32
    %dma_wait3A_685 = arith.constant 0 : i32
    %dma_wait3A_686 = arith.constant 0 : i32
    %dma_wait3A_687 = tpu.memref_slice %arg6[%dma_wait3A_684, %dma_wait3A_685, %dma_wait3A_686] : memref<7x16x1024xf32, #tpu.memory_space<vmem>> -> memref<1x16x1024xf32, #tpu.memory_space<vmem>>
    %dma_wait3A_688 = tpu.memref_squeeze %dma_wait3A_687 : memref<1x16x1024xf32, #tpu.memory_space<vmem>> -> memref<16x1024xf32, #tpu.memory_space<vmem>>
    %dma_wait3A_689 = arith.constant 0 : i32
    %dma_wait3A_690 = tpu.memref_slice %arg4[%add3A_670, %dma_wait3A_689] : memref<16384x1024xf32, #tpu.memory_space<hbm>> -> memref<16x1024xf32, #tpu.memory_space<hbm>>
    %dma_wait3A_691 = arith.constant 0 : i32
    %dma_wait3A_692 = tpu.memref_slice %arg4[%add3A_670, %dma_wait3A_691] : memref<16384x1024xf32, #tpu.memory_space<hbm>> -> memref<16x1024xf32, #tpu.memory_space<hbm>>
    %dma_wait3A_693 = arith.constant 0 : i32
    %dma_wait3A_694 = arith.constant 0 : i32
    %dma_wait3A_695 = tpu.memref_slice %arg6[%dma_wait3A_684, %dma_wait3A_693, %dma_wait3A_694] : memref<7x16x1024xf32, #tpu.memory_space<vmem>> -> memref<1x16x1024xf32, #tpu.memory_space<vmem>>
    %dma_wait3A_696 = tpu.memref_squeeze %dma_wait3A_695 : memref<1x16x1024xf32, #tpu.memory_space<vmem>> -> memref<16x1024xf32, #tpu.memory_space<vmem>>
    tpu.wait_dma2 semaphore(%arg18 : memref<!tpu.dma_semaphore, #tpu.memory_space<semaphore_mem>>) src(%dma_wait3A_696 : memref<16x1024xf32, #tpu.memory_space<vmem>>) dst(%dma_wait3A_692 : memref<16x1024xf32, #tpu.memory_space<hbm>>)
    %dma_start3A_697 = arith.constant 18 : i32
    %dma_start3A_698 = arith.constant 4 : i32
    %dma_start3A_699 = arith.constant 0 : i32
    %dma_start3A_700 = arith.constant 0 : i32
    %dma_start3A_701 = tpu.memref_slice %arg6[%dma_start3A_698, %dma_start3A_699, %dma_start3A_700] : memref<7x16x1024xf32, #tpu.memory_space<vmem>> -> memref<1x16x1024xf32, #tpu.memory_space<vmem>>
    %dma_start3A_702 = tpu.memref_squeeze %dma_start3A_701 : memref<1x16x1024xf32, #tpu.memory_space<vmem>> -> memref<16x1024xf32, #tpu.memory_space<vmem>>
    %dma_start3A_703 = arith.constant 0 : i32
    %dma_start3A_704 = tpu.memref_slice %arg5[%dma_start3A_697, %dma_start3A_703] : memref<32x16xi32, #tpu.memory_space<vmem>> -> memref<1x16xi32, #tpu.memory_space<vmem>>
    %dma_start3A_705 = tpu.memref_squeeze %dma_start3A_704 : memref<1x16xi32, #tpu.memory_space<vmem>> -> memref<16xi32, #tpu.memory_space<vmem>>
    %dma_start3A_706 = arith.constant 0 : i32
    %dma_start3A_707 = arith.constant 0 : i32
    %dma_start3A_708 = tpu.memref_slice %arg3[%dma_start3A_706, %dma_start3A_707] : memref<100000x1024xf32, #tpu.memory_space<hbm>> -> memref<100000x1024xf32, #tpu.memory_space<hbm>>
    tpu.enqueue_indirect_dma source(%dma_start3A_708 : memref<100000x1024xf32, #tpu.memory_space<hbm>>) target(%dma_start3A_702 : memref<16x1024xf32, #tpu.memory_space<vmem>>) offsets(%dma_start3A_705 : memref<16xi32, #tpu.memory_space<vmem>>) semaphore(%arg11 : memref<!tpu.dma_semaphore, #tpu.memory_space<semaphore_mem>>)
    %dma_wait3A_709 = arith.constant 12 : i32
    %dma_wait3A_710 = arith.constant 5 : i32
    %dma_wait3A_711 = arith.constant 0 : i32
    %dma_wait3A_712 = arith.constant 0 : i32
    %dma_wait3A_713 = tpu.memref_slice %arg6[%dma_wait3A_710, %dma_wait3A_711, %dma_wait3A_712] : memref<7x16x1024xf32, #tpu.memory_space<vmem>> -> memref<1x16x1024xf32, #tpu.memory_space<vmem>>
    %dma_wait3A_714 = tpu.memref_squeeze %dma_wait3A_713 : memref<1x16x1024xf32, #tpu.memory_space<vmem>> -> memref<16x1024xf32, #tpu.memory_space<vmem>>
    %dma_wait3A_715 = arith.constant 0 : i32
    %dma_wait3A_716 = tpu.memref_slice %arg5[%dma_wait3A_709, %dma_wait3A_715] : memref<32x16xi32, #tpu.memory_space<vmem>> -> memref<1x16xi32, #tpu.memory_space<vmem>>
    %dma_wait3A_717 = tpu.memref_squeeze %dma_wait3A_716 : memref<1x16xi32, #tpu.memory_space<vmem>> -> memref<16xi32, #tpu.memory_space<vmem>>
    %dma_wait3A_718 = arith.constant 0 : i32
    %dma_wait3A_719 = arith.constant 0 : i32
    %dma_wait3A_720 = tpu.memref_slice %arg3[%dma_wait3A_718, %dma_wait3A_719] : memref<100000x1024xf32, #tpu.memory_space<hbm>> -> memref<100000x1024xf32, #tpu.memory_space<hbm>>
    tpu.wait_indirect_dma semaphore(%arg12 : memref<!tpu.dma_semaphore, #tpu.memory_space<semaphore_mem>>) src(%dma_wait3A_720 : memref<100000x1024xf32, #tpu.memory_space<hbm>>) dst(%dma_wait3A_714 : memref<16x1024xf32, #tpu.memory_space<vmem>>)
    %add3A_721 = arith.constant 192 : i32
    %add3A_722 = arith.addi %mul3A_2, %add3A_721 : i32
    %dma_start3A_723 = arith.constant 5 : i32
    %dma_start3A_724 = arith.constant 0 : i32
    %dma_start3A_725 = arith.constant 0 : i32
    %dma_start3A_726 = tpu.memref_slice %arg6[%dma_start3A_723, %dma_start3A_724, %dma_start3A_725] : memref<7x16x1024xf32, #tpu.memory_space<vmem>> -> memref<1x16x1024xf32, #tpu.memory_space<vmem>>
    %dma_start3A_727 = tpu.memref_squeeze %dma_start3A_726 : memref<1x16x1024xf32, #tpu.memory_space<vmem>> -> memref<16x1024xf32, #tpu.memory_space<vmem>>
    %dma_start3A_728 = arith.constant 0 : i32
    %dma_start3A_729 = tpu.memref_slice %arg4[%add3A_722, %dma_start3A_728] : memref<16384x1024xf32, #tpu.memory_space<hbm>> -> memref<16x1024xf32, #tpu.memory_space<hbm>>
    %dma_start3A_730 = arith.constant 0 : i32
    %dma_start3A_731 = tpu.memref_slice %arg4[%add3A_722, %dma_start3A_730] : memref<16384x1024xf32, #tpu.memory_space<hbm>> -> memref<16x1024xf32, #tpu.memory_space<hbm>>
    %dma_start3A_732 = arith.constant 0 : i32
    %dma_start3A_733 = arith.constant 0 : i32
    %dma_start3A_734 = tpu.memref_slice %arg6[%dma_start3A_723, %dma_start3A_732, %dma_start3A_733] : memref<7x16x1024xf32, #tpu.memory_space<vmem>> -> memref<1x16x1024xf32, #tpu.memory_space<vmem>>
    %dma_start3A_735 = tpu.memref_squeeze %dma_start3A_734 : memref<1x16x1024xf32, #tpu.memory_space<vmem>> -> memref<16x1024xf32, #tpu.memory_space<vmem>>
    tpu.enqueue_dma source(%dma_start3A_735 : memref<16x1024xf32, #tpu.memory_space<vmem>>) target(%dma_start3A_731 : memref<16x1024xf32, #tpu.memory_space<hbm>>) target_semaphore(%arg19 : memref<!tpu.dma_semaphore, #tpu.memory_space<semaphore_mem>>)
    %dma_wait3A_736 = arith.constant 5 : i32
    %dma_wait3A_737 = arith.constant 0 : i32
    %dma_wait3A_738 = arith.constant 0 : i32
    %dma_wait3A_739 = tpu.memref_slice %arg6[%dma_wait3A_736, %dma_wait3A_737, %dma_wait3A_738] : memref<7x16x1024xf32, #tpu.memory_space<vmem>> -> memref<1x16x1024xf32, #tpu.memory_space<vmem>>
    %dma_wait3A_740 = tpu.memref_squeeze %dma_wait3A_739 : memref<1x16x1024xf32, #tpu.memory_space<vmem>> -> memref<16x1024xf32, #tpu.memory_space<vmem>>
    %dma_wait3A_741 = arith.constant 0 : i32
    %dma_wait3A_742 = tpu.memref_slice %arg4[%add3A_722, %dma_wait3A_741] : memref<16384x1024xf32, #tpu.memory_space<hbm>> -> memref<16x1024xf32, #tpu.memory_space<hbm>>
    %dma_wait3A_743 = arith.constant 0 : i32
    %dma_wait3A_744 = tpu.memref_slice %arg4[%add3A_722, %dma_wait3A_743] : memref<16384x1024xf32, #tpu.memory_space<hbm>> -> memref<16x1024xf32, #tpu.memory_space<hbm>>
    %dma_wait3A_745 = arith.constant 0 : i32
    %dma_wait3A_746 = arith.constant 0 : i32
    %dma_wait3A_747 = tpu.memref_slice %arg6[%dma_wait3A_736, %dma_wait3A_745, %dma_wait3A_746] : memref<7x16x1024xf32, #tpu.memory_space<vmem>> -> memref<1x16x1024xf32, #tpu.memory_space<vmem>>
    %dma_wait3A_748 = tpu.memref_squeeze %dma_wait3A_747 : memref<1x16x1024xf32, #tpu.memory_space<vmem>> -> memref<16x1024xf32, #tpu.memory_space<vmem>>
    tpu.wait_dma2 semaphore(%arg19 : memref<!tpu.dma_semaphore, #tpu.memory_space<semaphore_mem>>) src(%dma_wait3A_748 : memref<16x1024xf32, #tpu.memory_space<vmem>>) dst(%dma_wait3A_744 : memref<16x1024xf32, #tpu.memory_space<hbm>>)
    %dma_start3A_749 = arith.constant 19 : i32
    %dma_start3A_750 = arith.constant 5 : i32
    %dma_start3A_751 = arith.constant 0 : i32
    %dma_start3A_752 = arith.constant 0 : i32
    %dma_start3A_753 = tpu.memref_slice %arg6[%dma_start3A_750, %dma_start3A_751, %dma_start3A_752] : memref<7x16x1024xf32, #tpu.memory_space<vmem>> -> memref<1x16x1024xf32, #tpu.memory_space<vmem>>
    %dma_start3A_754 = tpu.memref_squeeze %dma_start3A_753 : memref<1x16x1024xf32, #tpu.memory_space<vmem>> -> memref<16x1024xf32, #tpu.memory_space<vmem>>
    %dma_start3A_755 = arith.constant 0 : i32
    %dma_start3A_756 = tpu.memref_slice %arg5[%dma_start3A_749, %dma_start3A_755] : memref<32x16xi32, #tpu.memory_space<vmem>> -> memref<1x16xi32, #tpu.memory_space<vmem>>
    %dma_start3A_757 = tpu.memref_squeeze %dma_start3A_756 : memref<1x16xi32, #tpu.memory_space<vmem>> -> memref<16xi32, #tpu.memory_space<vmem>>
    %dma_start3A_758 = arith.constant 0 : i32
    %dma_start3A_759 = arith.constant 0 : i32
    %dma_start3A_760 = tpu.memref_slice %arg3[%dma_start3A_758, %dma_start3A_759] : memref<100000x1024xf32, #tpu.memory_space<hbm>> -> memref<100000x1024xf32, #tpu.memory_space<hbm>>
    tpu.enqueue_indirect_dma source(%dma_start3A_760 : memref<100000x1024xf32, #tpu.memory_space<hbm>>) target(%dma_start3A_754 : memref<16x1024xf32, #tpu.memory_space<vmem>>) offsets(%dma_start3A_757 : memref<16xi32, #tpu.memory_space<vmem>>) semaphore(%arg12 : memref<!tpu.dma_semaphore, #tpu.memory_space<semaphore_mem>>)
    %dma_wait3A_761 = arith.constant 13 : i32
    %dma_wait3A_762 = arith.constant 6 : i32
    %dma_wait3A_763 = arith.constant 0 : i32
    %dma_wait3A_764 = arith.constant 0 : i32
    %dma_wait3A_765 = tpu.memref_slice %arg6[%dma_wait3A_762, %dma_wait3A_763, %dma_wait3A_764] : memref<7x16x1024xf32, #tpu.memory_space<vmem>> -> memref<1x16x1024xf32, #tpu.memory_space<vmem>>
    %dma_wait3A_766 = tpu.memref_squeeze %dma_wait3A_765 : memref<1x16x1024xf32, #tpu.memory_space<vmem>> -> memref<16x1024xf32, #tpu.memory_space<vmem>>
    %dma_wait3A_767 = arith.constant 0 : i32
    %dma_wait3A_768 = tpu.memref_slice %arg5[%dma_wait3A_761, %dma_wait3A_767] : memref<32x16xi32, #tpu.memory_space<vmem>> -> memref<1x16xi32, #tpu.memory_space<vmem>>
    %dma_wait3A_769 = tpu.memref_squeeze %dma_wait3A_768 : memref<1x16xi32, #tpu.memory_space<vmem>> -> memref<16xi32, #tpu.memory_space<vmem>>
    %dma_wait3A_770 = arith.constant 0 : i32
    %dma_wait3A_771 = arith.constant 0 : i32
    %dma_wait3A_772 = tpu.memref_slice %arg3[%dma_wait3A_770, %dma_wait3A_771] : memref<100000x1024xf32, #tpu.memory_space<hbm>> -> memref<100000x1024xf32, #tpu.memory_space<hbm>>
    tpu.wait_indirect_dma semaphore(%arg13 : memref<!tpu.dma_semaphore, #tpu.memory_space<semaphore_mem>>) src(%dma_wait3A_772 : memref<100000x1024xf32, #tpu.memory_space<hbm>>) dst(%dma_wait3A_766 : memref<16x1024xf32, #tpu.memory_space<vmem>>)
    %add3A_773 = arith.constant 208 : i32
    %add3A_774 = arith.addi %mul3A_2, %add3A_773 : i32
    %dma_start3A_775 = arith.constant 6 : i32
    %dma_start3A_776 = arith.constant 0 : i32
    %dma_start3A_777 = arith.constant 0 : i32
    %dma_start3A_778 = tpu.memref_slice %arg6[%dma_start3A_775, %dma_start3A_776, %dma_start3A_777] : memref<7x16x1024xf32, #tpu.memory_space<vmem>> -> memref<1x16x1024xf32, #tpu.memory_space<vmem>>
    %dma_start3A_779 = tpu.memref_squeeze %dma_start3A_778 : memref<1x16x1024xf32, #tpu.memory_space<vmem>> -> memref<16x1024xf32, #tpu.memory_space<vmem>>
    %dma_start3A_780 = arith.constant 0 : i32
    %dma_start3A_781 = tpu.memref_slice %arg4[%add3A_774, %dma_start3A_780] : memref<16384x1024xf32, #tpu.memory_space<hbm>> -> memref<16x1024xf32, #tpu.memory_space<hbm>>
    %dma_start3A_782 = arith.constant 0 : i32
    %dma_start3A_783 = tpu.memref_slice %arg4[%add3A_774, %dma_start3A_782] : memref<16384x1024xf32, #tpu.memory_space<hbm>> -> memref<16x1024xf32, #tpu.memory_space<hbm>>
    %dma_start3A_784 = arith.constant 0 : i32
    %dma_start3A_785 = arith.constant 0 : i32
    %dma_start3A_786 = tpu.memref_slice %arg6[%dma_start3A_775, %dma_start3A_784, %dma_start3A_785] : memref<7x16x1024xf32, #tpu.memory_space<vmem>> -> memref<1x16x1024xf32, #tpu.memory_space<vmem>>
    %dma_start3A_787 = tpu.memref_squeeze %dma_start3A_786 : memref<1x16x1024xf32, #tpu.memory_space<vmem>> -> memref<16x1024xf32, #tpu.memory_space<vmem>>
    tpu.enqueue_dma source(%dma_start3A_787 : memref<16x1024xf32, #tpu.memory_space<vmem>>) target(%dma_start3A_783 : memref<16x1024xf32, #tpu.memory_space<hbm>>) target_semaphore(%arg20 : memref<!tpu.dma_semaphore, #tpu.memory_space<semaphore_mem>>)
    %dma_wait3A_788 = arith.constant 6 : i32
    %dma_wait3A_789 = arith.constant 0 : i32
    %dma_wait3A_790 = arith.constant 0 : i32
    %dma_wait3A_791 = tpu.memref_slice %arg6[%dma_wait3A_788, %dma_wait3A_789, %dma_wait3A_790] : memref<7x16x1024xf32, #tpu.memory_space<vmem>> -> memref<1x16x1024xf32, #tpu.memory_space<vmem>>
    %dma_wait3A_792 = tpu.memref_squeeze %dma_wait3A_791 : memref<1x16x1024xf32, #tpu.memory_space<vmem>> -> memref<16x1024xf32, #tpu.memory_space<vmem>>
    %dma_wait3A_793 = arith.constant 0 : i32
    %dma_wait3A_794 = tpu.memref_slice %arg4[%add3A_774, %dma_wait3A_793] : memref<16384x1024xf32, #tpu.memory_space<hbm>> -> memref<16x1024xf32, #tpu.memory_space<hbm>>
    %dma_wait3A_795 = arith.constant 0 : i32
    %dma_wait3A_796 = tpu.memref_slice %arg4[%add3A_774, %dma_wait3A_795] : memref<16384x1024xf32, #tpu.memory_space<hbm>> -> memref<16x1024xf32, #tpu.memory_space<hbm>>
    %dma_wait3A_797 = arith.constant 0 : i32
    %dma_wait3A_798 = arith.constant 0 : i32
    %dma_wait3A_799 = tpu.memref_slice %arg6[%dma_wait3A_788, %dma_wait3A_797, %dma_wait3A_798] : memref<7x16x1024xf32, #tpu.memory_space<vmem>> -> memref<1x16x1024xf32, #tpu.memory_space<vmem>>
    %dma_wait3A_800 = tpu.memref_squeeze %dma_wait3A_799 : memref<1x16x1024xf32, #tpu.memory_space<vmem>> -> memref<16x1024xf32, #tpu.memory_space<vmem>>
    tpu.wait_dma2 semaphore(%arg20 : memref<!tpu.dma_semaphore, #tpu.memory_space<semaphore_mem>>) src(%dma_wait3A_800 : memref<16x1024xf32, #tpu.memory_space<vmem>>) dst(%dma_wait3A_796 : memref<16x1024xf32, #tpu.memory_space<hbm>>)
    %dma_start3A_801 = arith.constant 20 : i32
    %dma_start3A_802 = arith.constant 6 : i32
    %dma_start3A_803 = arith.constant 0 : i32
    %dma_start3A_804 = arith.constant 0 : i32
    %dma_start3A_805 = tpu.memref_slice %arg6[%dma_start3A_802, %dma_start3A_803, %dma_start3A_804] : memref<7x16x1024xf32, #tpu.memory_space<vmem>> -> memref<1x16x1024xf32, #tpu.memory_space<vmem>>
    %dma_start3A_806 = tpu.memref_squeeze %dma_start3A_805 : memref<1x16x1024xf32, #tpu.memory_space<vmem>> -> memref<16x1024xf32, #tpu.memory_space<vmem>>
    %dma_start3A_807 = arith.constant 0 : i32
    %dma_start3A_808 = tpu.memref_slice %arg5[%dma_start3A_801, %dma_start3A_807] : memref<32x16xi32, #tpu.memory_space<vmem>> -> memref<1x16xi32, #tpu.memory_space<vmem>>
    %dma_start3A_809 = tpu.memref_squeeze %dma_start3A_808 : memref<1x16xi32, #tpu.memory_space<vmem>> -> memref<16xi32, #tpu.memory_space<vmem>>
    %dma_start3A_810 = arith.constant 0 : i32
    %dma_start3A_811 = arith.constant 0 : i32
    %dma_start3A_812 = tpu.memref_slice %arg3[%dma_start3A_810, %dma_start3A_811] : memref<100000x1024xf32, #tpu.memory_space<hbm>> -> memref<100000x1024xf32, #tpu.memory_space<hbm>>
    tpu.enqueue_indirect_dma source(%dma_start3A_812 : memref<100000x1024xf32, #tpu.memory_space<hbm>>) target(%dma_start3A_806 : memref<16x1024xf32, #tpu.memory_space<vmem>>) offsets(%dma_start3A_809 : memref<16xi32, #tpu.memory_space<vmem>>) semaphore(%arg13 : memref<!tpu.dma_semaphore, #tpu.memory_space<semaphore_mem>>)
    %dma_wait3A_813 = arith.constant 14 : i32
    %dma_wait3A_814 = arith.constant 0 : i32
    %dma_wait3A_815 = arith.constant 0 : i32
    %dma_wait3A_816 = arith.constant 0 : i32
    %dma_wait3A_817 = tpu.memref_slice %arg6[%dma_wait3A_814, %dma_wait3A_815, %dma_wait3A_816] : memref<7x16x1024xf32, #tpu.memory_space<vmem>> -> memref<1x16x1024xf32, #tpu.memory_space<vmem>>
    %dma_wait3A_818 = tpu.memref_squeeze %dma_wait3A_817 : memref<1x16x1024xf32, #tpu.memory_space<vmem>> -> memref<16x1024xf32, #tpu.memory_space<vmem>>
    %dma_wait3A_819 = arith.constant 0 : i32
    %dma_wait3A_820 = tpu.memref_slice %arg5[%dma_wait3A_813, %dma_wait3A_819] : memref<32x16xi32, #tpu.memory_space<vmem>> -> memref<1x16xi32, #tpu.memory_space<vmem>>
    %dma_wait3A_821 = tpu.memref_squeeze %dma_wait3A_820 : memref<1x16xi32, #tpu.memory_space<vmem>> -> memref<16xi32, #tpu.memory_space<vmem>>
    %dma_wait3A_822 = arith.constant 0 : i32
    %dma_wait3A_823 = arith.constant 0 : i32
    %dma_wait3A_824 = tpu.memref_slice %arg3[%dma_wait3A_822, %dma_wait3A_823] : memref<100000x1024xf32, #tpu.memory_space<hbm>> -> memref<100000x1024xf32, #tpu.memory_space<hbm>>
    tpu.wait_indirect_dma semaphore(%arg7 : memref<!tpu.dma_semaphore, #tpu.memory_space<semaphore_mem>>) src(%dma_wait3A_824 : memref<100000x1024xf32, #tpu.memory_space<hbm>>) dst(%dma_wait3A_818 : memref<16x1024xf32, #tpu.memory_space<vmem>>)
    %add3A_825 = arith.constant 224 : i32
    %add3A_826 = arith.addi %mul3A_2, %add3A_825 : i32
    %dma_start3A_827 = arith.constant 0 : i32
    %dma_start3A_828 = arith.constant 0 : i32
    %dma_start3A_829 = arith.constant 0 : i32
    %dma_start3A_830 = tpu.memref_slice %arg6[%dma_start3A_827, %dma_start3A_828, %dma_start3A_829] : memref<7x16x1024xf32, #tpu.memory_space<vmem>> -> memref<1x16x1024xf32, #tpu.memory_space<vmem>>
    %dma_start3A_831 = tpu.memref_squeeze %dma_start3A_830 : memref<1x16x1024xf32, #tpu.memory_space<vmem>> -> memref<16x1024xf32, #tpu.memory_space<vmem>>
    %dma_start3A_832 = arith.constant 0 : i32
    %dma_start3A_833 = tpu.memref_slice %arg4[%add3A_826, %dma_start3A_832] : memref<16384x1024xf32, #tpu.memory_space<hbm>> -> memref<16x1024xf32, #tpu.memory_space<hbm>>
    %dma_start3A_834 = arith.constant 0 : i32
    %dma_start3A_835 = tpu.memref_slice %arg4[%add3A_826, %dma_start3A_834] : memref<16384x1024xf32, #tpu.memory_space<hbm>> -> memref<16x1024xf32, #tpu.memory_space<hbm>>
    %dma_start3A_836 = arith.constant 0 : i32
    %dma_start3A_837 = arith.constant 0 : i32
    %dma_start3A_838 = tpu.memref_slice %arg6[%dma_start3A_827, %dma_start3A_836, %dma_start3A_837] : memref<7x16x1024xf32, #tpu.memory_space<vmem>> -> memref<1x16x1024xf32, #tpu.memory_space<vmem>>
    %dma_start3A_839 = tpu.memref_squeeze %dma_start3A_838 : memref<1x16x1024xf32, #tpu.memory_space<vmem>> -> memref<16x1024xf32, #tpu.memory_space<vmem>>
    tpu.enqueue_dma source(%dma_start3A_839 : memref<16x1024xf32, #tpu.memory_space<vmem>>) target(%dma_start3A_835 : memref<16x1024xf32, #tpu.memory_space<hbm>>) target_semaphore(%arg14 : memref<!tpu.dma_semaphore, #tpu.memory_space<semaphore_mem>>)
    %dma_wait3A_840 = arith.constant 0 : i32
    %dma_wait3A_841 = arith.constant 0 : i32
    %dma_wait3A_842 = arith.constant 0 : i32
    %dma_wait3A_843 = tpu.memref_slice %arg6[%dma_wait3A_840, %dma_wait3A_841, %dma_wait3A_842] : memref<7x16x1024xf32, #tpu.memory_space<vmem>> -> memref<1x16x1024xf32, #tpu.memory_space<vmem>>
    %dma_wait3A_844 = tpu.memref_squeeze %dma_wait3A_843 : memref<1x16x1024xf32, #tpu.memory_space<vmem>> -> memref<16x1024xf32, #tpu.memory_space<vmem>>
    %dma_wait3A_845 = arith.constant 0 : i32
    %dma_wait3A_846 = tpu.memref_slice %arg4[%add3A_826, %dma_wait3A_845] : memref<16384x1024xf32, #tpu.memory_space<hbm>> -> memref<16x1024xf32, #tpu.memory_space<hbm>>
    %dma_wait3A_847 = arith.constant 0 : i32
    %dma_wait3A_848 = tpu.memref_slice %arg4[%add3A_826, %dma_wait3A_847] : memref<16384x1024xf32, #tpu.memory_space<hbm>> -> memref<16x1024xf32, #tpu.memory_space<hbm>>
    %dma_wait3A_849 = arith.constant 0 : i32
    %dma_wait3A_850 = arith.constant 0 : i32
    %dma_wait3A_851 = tpu.memref_slice %arg6[%dma_wait3A_840, %dma_wait3A_849, %dma_wait3A_850] : memref<7x16x1024xf32, #tpu.memory_space<vmem>> -> memref<1x16x1024xf32, #tpu.memory_space<vmem>>
    %dma_wait3A_852 = tpu.memref_squeeze %dma_wait3A_851 : memref<1x16x1024xf32, #tpu.memory_space<vmem>> -> memref<16x1024xf32, #tpu.memory_space<vmem>>
    tpu.wait_dma2 semaphore(%arg14 : memref<!tpu.dma_semaphore, #tpu.memory_space<semaphore_mem>>) src(%dma_wait3A_852 : memref<16x1024xf32, #tpu.memory_space<vmem>>) dst(%dma_wait3A_848 : memref<16x1024xf32, #tpu.memory_space<hbm>>)
    %dma_start3A_853 = arith.constant 21 : i32
    %dma_start3A_854 = arith.constant 0 : i32
    %dma_start3A_855 = arith.constant 0 : i32
    %dma_start3A_856 = arith.constant 0 : i32
    %dma_start3A_857 = tpu.memref_slice %arg6[%dma_start3A_854, %dma_start3A_855, %dma_start3A_856] : memref<7x16x1024xf32, #tpu.memory_space<vmem>> -> memref<1x16x1024xf32, #tpu.memory_space<vmem>>
    %dma_start3A_858 = tpu.memref_squeeze %dma_start3A_857 : memref<1x16x1024xf32, #tpu.memory_space<vmem>> -> memref<16x1024xf32, #tpu.memory_space<vmem>>
    %dma_start3A_859 = arith.constant 0 : i32
    %dma_start3A_860 = tpu.memref_slice %arg5[%dma_start3A_853, %dma_start3A_859] : memref<32x16xi32, #tpu.memory_space<vmem>> -> memref<1x16xi32, #tpu.memory_space<vmem>>
    %dma_start3A_861 = tpu.memref_squeeze %dma_start3A_860 : memref<1x16xi32, #tpu.memory_space<vmem>> -> memref<16xi32, #tpu.memory_space<vmem>>
    %dma_start3A_862 = arith.constant 0 : i32
    %dma_start3A_863 = arith.constant 0 : i32
    %dma_start3A_864 = tpu.memref_slice %arg3[%dma_start3A_862, %dma_start3A_863] : memref<100000x1024xf32, #tpu.memory_space<hbm>> -> memref<100000x1024xf32, #tpu.memory_space<hbm>>
    tpu.enqueue_indirect_dma source(%dma_start3A_864 : memref<100000x1024xf32, #tpu.memory_space<hbm>>) target(%dma_start3A_858 : memref<16x1024xf32, #tpu.memory_space<vmem>>) offsets(%dma_start3A_861 : memref<16xi32, #tpu.memory_space<vmem>>) semaphore(%arg7 : memref<!tpu.dma_semaphore, #tpu.memory_space<semaphore_mem>>)
    %dma_wait3A_865 = arith.constant 15 : i32
    %dma_wait3A_866 = arith.constant 1 : i32
    %dma_wait3A_867 = arith.constant 0 : i32
    %dma_wait3A_868 = arith.constant 0 : i32
    %dma_wait3A_869 = tpu.memref_slice %arg6[%dma_wait3A_866, %dma_wait3A_867, %dma_wait3A_868] : memref<7x16x1024xf32, #tpu.memory_space<vmem>> -> memref<1x16x1024xf32, #tpu.memory_space<vmem>>
    %dma_wait3A_870 = tpu.memref_squeeze %dma_wait3A_869 : memref<1x16x1024xf32, #tpu.memory_space<vmem>> -> memref<16x1024xf32, #tpu.memory_space<vmem>>
    %dma_wait3A_871 = arith.constant 0 : i32
    %dma_wait3A_872 = tpu.memref_slice %arg5[%dma_wait3A_865, %dma_wait3A_871] : memref<32x16xi32, #tpu.memory_space<vmem>> -> memref<1x16xi32, #tpu.memory_space<vmem>>
    %dma_wait3A_873 = tpu.memref_squeeze %dma_wait3A_872 : memref<1x16xi32, #tpu.memory_space<vmem>> -> memref<16xi32, #tpu.memory_space<vmem>>
    %dma_wait3A_874 = arith.constant 0 : i32
    %dma_wait3A_875 = arith.constant 0 : i32
    %dma_wait3A_876 = tpu.memref_slice %arg3[%dma_wait3A_874, %dma_wait3A_875] : memref<100000x1024xf32, #tpu.memory_space<hbm>> -> memref<100000x1024xf32, #tpu.memory_space<hbm>>
    tpu.wait_indirect_dma semaphore(%arg8 : memref<!tpu.dma_semaphore, #tpu.memory_space<semaphore_mem>>) src(%dma_wait3A_876 : memref<100000x1024xf32, #tpu.memory_space<hbm>>) dst(%dma_wait3A_870 : memref<16x1024xf32, #tpu.memory_space<vmem>>)
    %add3A_877 = arith.constant 240 : i32
    %add3A_878 = arith.addi %mul3A_2, %add3A_877 : i32
    %dma_start3A_879 = arith.constant 1 : i32
    %dma_start3A_880 = arith.constant 0 : i32
    %dma_start3A_881 = arith.constant 0 : i32
    %dma_start3A_882 = tpu.memref_slice %arg6[%dma_start3A_879, %dma_start3A_880, %dma_start3A_881] : memref<7x16x1024xf32, #tpu.memory_space<vmem>> -> memref<1x16x1024xf32, #tpu.memory_space<vmem>>
    %dma_start3A_883 = tpu.memref_squeeze %dma_start3A_882 : memref<1x16x1024xf32, #tpu.memory_space<vmem>> -> memref<16x1024xf32, #tpu.memory_space<vmem>>
    %dma_start3A_884 = arith.constant 0 : i32
    %dma_start3A_885 = tpu.memref_slice %arg4[%add3A_878, %dma_start3A_884] : memref<16384x1024xf32, #tpu.memory_space<hbm>> -> memref<16x1024xf32, #tpu.memory_space<hbm>>
    %dma_start3A_886 = arith.constant 0 : i32
    %dma_start3A_887 = tpu.memref_slice %arg4[%add3A_878, %dma_start3A_886] : memref<16384x1024xf32, #tpu.memory_space<hbm>> -> memref<16x1024xf32, #tpu.memory_space<hbm>>
    %dma_start3A_888 = arith.constant 0 : i32
    %dma_start3A_889 = arith.constant 0 : i32
    %dma_start3A_890 = tpu.memref_slice %arg6[%dma_start3A_879, %dma_start3A_888, %dma_start3A_889] : memref<7x16x1024xf32, #tpu.memory_space<vmem>> -> memref<1x16x1024xf32, #tpu.memory_space<vmem>>
    %dma_start3A_891 = tpu.memref_squeeze %dma_start3A_890 : memref<1x16x1024xf32, #tpu.memory_space<vmem>> -> memref<16x1024xf32, #tpu.memory_space<vmem>>
    tpu.enqueue_dma source(%dma_start3A_891 : memref<16x1024xf32, #tpu.memory_space<vmem>>) target(%dma_start3A_887 : memref<16x1024xf32, #tpu.memory_space<hbm>>) target_semaphore(%arg15 : memref<!tpu.dma_semaphore, #tpu.memory_space<semaphore_mem>>)
    %dma_wait3A_892 = arith.constant 1 : i32
    %dma_wait3A_893 = arith.constant 0 : i32
    %dma_wait3A_894 = arith.constant 0 : i32
    %dma_wait3A_895 = tpu.memref_slice %arg6[%dma_wait3A_892, %dma_wait3A_893, %dma_wait3A_894] : memref<7x16x1024xf32, #tpu.memory_space<vmem>> -> memref<1x16x1024xf32, #tpu.memory_space<vmem>>
    %dma_wait3A_896 = tpu.memref_squeeze %dma_wait3A_895 : memref<1x16x1024xf32, #tpu.memory_space<vmem>> -> memref<16x1024xf32, #tpu.memory_space<vmem>>
    %dma_wait3A_897 = arith.constant 0 : i32
    %dma_wait3A_898 = tpu.memref_slice %arg4[%add3A_878, %dma_wait3A_897] : memref<16384x1024xf32, #tpu.memory_space<hbm>> -> memref<16x1024xf32, #tpu.memory_space<hbm>>
    %dma_wait3A_899 = arith.constant 0 : i32
    %dma_wait3A_900 = tpu.memref_slice %arg4[%add3A_878, %dma_wait3A_899] : memref<16384x1024xf32, #tpu.memory_space<hbm>> -> memref<16x1024xf32, #tpu.memory_space<hbm>>
    %dma_wait3A_901 = arith.constant 0 : i32
    %dma_wait3A_902 = arith.constant 0 : i32
    %dma_wait3A_903 = tpu.memref_slice %arg6[%dma_wait3A_892, %dma_wait3A_901, %dma_wait3A_902] : memref<7x16x1024xf32, #tpu.memory_space<vmem>> -> memref<1x16x1024xf32, #tpu.memory_space<vmem>>
    %dma_wait3A_904 = tpu.memref_squeeze %dma_wait3A_903 : memref<1x16x1024xf32, #tpu.memory_space<vmem>> -> memref<16x1024xf32, #tpu.memory_space<vmem>>
    tpu.wait_dma2 semaphore(%arg15 : memref<!tpu.dma_semaphore, #tpu.memory_space<semaphore_mem>>) src(%dma_wait3A_904 : memref<16x1024xf32, #tpu.memory_space<vmem>>) dst(%dma_wait3A_900 : memref<16x1024xf32, #tpu.memory_space<hbm>>)
    %dma_start3A_905 = arith.constant 22 : i32
    %dma_start3A_906 = arith.constant 1 : i32
    %dma_start3A_907 = arith.constant 0 : i32
    %dma_start3A_908 = arith.constant 0 : i32
    %dma_start3A_909 = tpu.memref_slice %arg6[%dma_start3A_906, %dma_start3A_907, %dma_start3A_908] : memref<7x16x1024xf32, #tpu.memory_space<vmem>> -> memref<1x16x1024xf32, #tpu.memory_space<vmem>>
    %dma_start3A_910 = tpu.memref_squeeze %dma_start3A_909 : memref<1x16x1024xf32, #tpu.memory_space<vmem>> -> memref<16x1024xf32, #tpu.memory_space<vmem>>
    %dma_start3A_911 = arith.constant 0 : i32
    %dma_start3A_912 = tpu.memref_slice %arg5[%dma_start3A_905, %dma_start3A_911] : memref<32x16xi32, #tpu.memory_space<vmem>> -> memref<1x16xi32, #tpu.memory_space<vmem>>
    %dma_start3A_913 = tpu.memref_squeeze %dma_start3A_912 : memref<1x16xi32, #tpu.memory_space<vmem>> -> memref<16xi32, #tpu.memory_space<vmem>>
    %dma_start3A_914 = arith.constant 0 : i32
    %dma_start3A_915 = arith.constant 0 : i32
    %dma_start3A_916 = tpu.memref_slice %arg3[%dma_start3A_914, %dma_start3A_915] : memref<100000x1024xf32, #tpu.memory_space<hbm>> -> memref<100000x1024xf32, #tpu.memory_space<hbm>>
    tpu.enqueue_indirect_dma source(%dma_start3A_916 : memref<100000x1024xf32, #tpu.memory_space<hbm>>) target(%dma_start3A_910 : memref<16x1024xf32, #tpu.memory_space<vmem>>) offsets(%dma_start3A_913 : memref<16xi32, #tpu.memory_space<vmem>>) semaphore(%arg8 : memref<!tpu.dma_semaphore, #tpu.memory_space<semaphore_mem>>)
    %dma_wait3A_917 = arith.constant 16 : i32
    %dma_wait3A_918 = arith.constant 2 : i32
    %dma_wait3A_919 = arith.constant 0 : i32
    %dma_wait3A_920 = arith.constant 0 : i32
    %dma_wait3A_921 = tpu.memref_slice %arg6[%dma_wait3A_918, %dma_wait3A_919, %dma_wait3A_920] : memref<7x16x1024xf32, #tpu.memory_space<vmem>> -> memref<1x16x1024xf32, #tpu.memory_space<vmem>>
    %dma_wait3A_922 = tpu.memref_squeeze %dma_wait3A_921 : memref<1x16x1024xf32, #tpu.memory_space<vmem>> -> memref<16x1024xf32, #tpu.memory_space<vmem>>
    %dma_wait3A_923 = arith.constant 0 : i32
    %dma_wait3A_924 = tpu.memref_slice %arg5[%dma_wait3A_917, %dma_wait3A_923] : memref<32x16xi32, #tpu.memory_space<vmem>> -> memref<1x16xi32, #tpu.memory_space<vmem>>
    %dma_wait3A_925 = tpu.memref_squeeze %dma_wait3A_924 : memref<1x16xi32, #tpu.memory_space<vmem>> -> memref<16xi32, #tpu.memory_space<vmem>>
    %dma_wait3A_926 = arith.constant 0 : i32
    %dma_wait3A_927 = arith.constant 0 : i32
    %dma_wait3A_928 = tpu.memref_slice %arg3[%dma_wait3A_926, %dma_wait3A_927] : memref<100000x1024xf32, #tpu.memory_space<hbm>> -> memref<100000x1024xf32, #tpu.memory_space<hbm>>
    tpu.wait_indirect_dma semaphore(%arg9 : memref<!tpu.dma_semaphore, #tpu.memory_space<semaphore_mem>>) src(%dma_wait3A_928 : memref<100000x1024xf32, #tpu.memory_space<hbm>>) dst(%dma_wait3A_922 : memref<16x1024xf32, #tpu.memory_space<vmem>>)
    %add3A_929 = arith.constant 256 : i32
    %add3A_930 = arith.addi %mul3A_2, %add3A_929 : i32
    %dma_start3A_931 = arith.constant 2 : i32
    %dma_start3A_932 = arith.constant 0 : i32
    %dma_start3A_933 = arith.constant 0 : i32
    %dma_start3A_934 = tpu.memref_slice %arg6[%dma_start3A_931, %dma_start3A_932, %dma_start3A_933] : memref<7x16x1024xf32, #tpu.memory_space<vmem>> -> memref<1x16x1024xf32, #tpu.memory_space<vmem>>
    %dma_start3A_935 = tpu.memref_squeeze %dma_start3A_934 : memref<1x16x1024xf32, #tpu.memory_space<vmem>> -> memref<16x1024xf32, #tpu.memory_space<vmem>>
    %dma_start3A_936 = arith.constant 0 : i32
    %dma_start3A_937 = tpu.memref_slice %arg4[%add3A_930, %dma_start3A_936] : memref<16384x1024xf32, #tpu.memory_space<hbm>> -> memref<16x1024xf32, #tpu.memory_space<hbm>>
    %dma_start3A_938 = arith.constant 0 : i32
    %dma_start3A_939 = tpu.memref_slice %arg4[%add3A_930, %dma_start3A_938] : memref<16384x1024xf32, #tpu.memory_space<hbm>> -> memref<16x1024xf32, #tpu.memory_space<hbm>>
    %dma_start3A_940 = arith.constant 0 : i32
    %dma_start3A_941 = arith.constant 0 : i32
    %dma_start3A_942 = tpu.memref_slice %arg6[%dma_start3A_931, %dma_start3A_940, %dma_start3A_941] : memref<7x16x1024xf32, #tpu.memory_space<vmem>> -> memref<1x16x1024xf32, #tpu.memory_space<vmem>>
    %dma_start3A_943 = tpu.memref_squeeze %dma_start3A_942 : memref<1x16x1024xf32, #tpu.memory_space<vmem>> -> memref<16x1024xf32, #tpu.memory_space<vmem>>
    tpu.enqueue_dma source(%dma_start3A_943 : memref<16x1024xf32, #tpu.memory_space<vmem>>) target(%dma_start3A_939 : memref<16x1024xf32, #tpu.memory_space<hbm>>) target_semaphore(%arg16 : memref<!tpu.dma_semaphore, #tpu.memory_space<semaphore_mem>>)
    %dma_wait3A_944 = arith.constant 2 : i32
    %dma_wait3A_945 = arith.constant 0 : i32
    %dma_wait3A_946 = arith.constant 0 : i32
    %dma_wait3A_947 = tpu.memref_slice %arg6[%dma_wait3A_944, %dma_wait3A_945, %dma_wait3A_946] : memref<7x16x1024xf32, #tpu.memory_space<vmem>> -> memref<1x16x1024xf32, #tpu.memory_space<vmem>>
    %dma_wait3A_948 = tpu.memref_squeeze %dma_wait3A_947 : memref<1x16x1024xf32, #tpu.memory_space<vmem>> -> memref<16x1024xf32, #tpu.memory_space<vmem>>
    %dma_wait3A_949 = arith.constant 0 : i32
    %dma_wait3A_950 = tpu.memref_slice %arg4[%add3A_930, %dma_wait3A_949] : memref<16384x1024xf32, #tpu.memory_space<hbm>> -> memref<16x1024xf32, #tpu.memory_space<hbm>>
    %dma_wait3A_951 = arith.constant 0 : i32
    %dma_wait3A_952 = tpu.memref_slice %arg4[%add3A_930, %dma_wait3A_951] : memref<16384x1024xf32, #tpu.memory_space<hbm>> -> memref<16x1024xf32, #tpu.memory_space<hbm>>
    %dma_wait3A_953 = arith.constant 0 : i32
    %dma_wait3A_954 = arith.constant 0 : i32
    %dma_wait3A_955 = tpu.memref_slice %arg6[%dma_wait3A_944, %dma_wait3A_953, %dma_wait3A_954] : memref<7x16x1024xf32, #tpu.memory_space<vmem>> -> memref<1x16x1024xf32, #tpu.memory_space<vmem>>
    %dma_wait3A_956 = tpu.memref_squeeze %dma_wait3A_955 : memref<1x16x1024xf32, #tpu.memory_space<vmem>> -> memref<16x1024xf32, #tpu.memory_space<vmem>>
    tpu.wait_dma2 semaphore(%arg16 : memref<!tpu.dma_semaphore, #tpu.memory_space<semaphore_mem>>) src(%dma_wait3A_956 : memref<16x1024xf32, #tpu.memory_space<vmem>>) dst(%dma_wait3A_952 : memref<16x1024xf32, #tpu.memory_space<hbm>>)
    %dma_start3A_957 = arith.constant 23 : i32
    %dma_start3A_958 = arith.constant 2 : i32
    %dma_start3A_959 = arith.constant 0 : i32
    %dma_start3A_960 = arith.constant 0 : i32
    %dma_start3A_961 = tpu.memref_slice %arg6[%dma_start3A_958, %dma_start3A_959, %dma_start3A_960] : memref<7x16x1024xf32, #tpu.memory_space<vmem>> -> memref<1x16x1024xf32, #tpu.memory_space<vmem>>
    %dma_start3A_962 = tpu.memref_squeeze %dma_start3A_961 : memref<1x16x1024xf32, #tpu.memory_space<vmem>> -> memref<16x1024xf32, #tpu.memory_space<vmem>>
    %dma_start3A_963 = arith.constant 0 : i32
    %dma_start3A_964 = tpu.memref_slice %arg5[%dma_start3A_957, %dma_start3A_963] : memref<32x16xi32, #tpu.memory_space<vmem>> -> memref<1x16xi32, #tpu.memory_space<vmem>>
    %dma_start3A_965 = tpu.memref_squeeze %dma_start3A_964 : memref<1x16xi32, #tpu.memory_space<vmem>> -> memref<16xi32, #tpu.memory_space<vmem>>
    %dma_start3A_966 = arith.constant 0 : i32
    %dma_start3A_967 = arith.constant 0 : i32
    %dma_start3A_968 = tpu.memref_slice %arg3[%dma_start3A_966, %dma_start3A_967] : memref<100000x1024xf32, #tpu.memory_space<hbm>> -> memref<100000x1024xf32, #tpu.memory_space<hbm>>
    tpu.enqueue_indirect_dma source(%dma_start3A_968 : memref<100000x1024xf32, #tpu.memory_space<hbm>>) target(%dma_start3A_962 : memref<16x1024xf32, #tpu.memory_space<vmem>>) offsets(%dma_start3A_965 : memref<16xi32, #tpu.memory_space<vmem>>) semaphore(%arg9 : memref<!tpu.dma_semaphore, #tpu.memory_space<semaphore_mem>>)
    %dma_wait3A_969 = arith.constant 17 : i32
    %dma_wait3A_970 = arith.constant 3 : i32
    %dma_wait3A_971 = arith.constant 0 : i32
    %dma_wait3A_972 = arith.constant 0 : i32
    %dma_wait3A_973 = tpu.memref_slice %arg6[%dma_wait3A_970, %dma_wait3A_971, %dma_wait3A_972] : memref<7x16x1024xf32, #tpu.memory_space<vmem>> -> memref<1x16x1024xf32, #tpu.memory_space<vmem>>
    %dma_wait3A_974 = tpu.memref_squeeze %dma_wait3A_973 : memref<1x16x1024xf32, #tpu.memory_space<vmem>> -> memref<16x1024xf32, #tpu.memory_space<vmem>>
    %dma_wait3A_975 = arith.constant 0 : i32
    %dma_wait3A_976 = tpu.memref_slice %arg5[%dma_wait3A_969, %dma_wait3A_975] : memref<32x16xi32, #tpu.memory_space<vmem>> -> memref<1x16xi32, #tpu.memory_space<vmem>>
    %dma_wait3A_977 = tpu.memref_squeeze %dma_wait3A_976 : memref<1x16xi32, #tpu.memory_space<vmem>> -> memref<16xi32, #tpu.memory_space<vmem>>
    %dma_wait3A_978 = arith.constant 0 : i32
    %dma_wait3A_979 = arith.constant 0 : i32
    %dma_wait3A_980 = tpu.memref_slice %arg3[%dma_wait3A_978, %dma_wait3A_979] : memref<100000x1024xf32, #tpu.memory_space<hbm>> -> memref<100000x1024xf32, #tpu.memory_space<hbm>>
    tpu.wait_indirect_dma semaphore(%arg10 : memref<!tpu.dma_semaphore, #tpu.memory_space<semaphore_mem>>) src(%dma_wait3A_980 : memref<100000x1024xf32, #tpu.memory_space<hbm>>) dst(%dma_wait3A_974 : memref<16x1024xf32, #tpu.memory_space<vmem>>)
    %add3A_981 = arith.constant 272 : i32
    %add3A_982 = arith.addi %mul3A_2, %add3A_981 : i32
    %dma_start3A_983 = arith.constant 3 : i32
    %dma_start3A_984 = arith.constant 0 : i32
    %dma_start3A_985 = arith.constant 0 : i32
    %dma_start3A_986 = tpu.memref_slice %arg6[%dma_start3A_983, %dma_start3A_984, %dma_start3A_985] : memref<7x16x1024xf32, #tpu.memory_space<vmem>> -> memref<1x16x1024xf32, #tpu.memory_space<vmem>>
    %dma_start3A_987 = tpu.memref_squeeze %dma_start3A_986 : memref<1x16x1024xf32, #tpu.memory_space<vmem>> -> memref<16x1024xf32, #tpu.memory_space<vmem>>
    %dma_start3A_988 = arith.constant 0 : i32
    %dma_start3A_989 = tpu.memref_slice %arg4[%add3A_982, %dma_start3A_988] : memref<16384x1024xf32, #tpu.memory_space<hbm>> -> memref<16x1024xf32, #tpu.memory_space<hbm>>
    %dma_start3A_990 = arith.constant 0 : i32
    %dma_start3A_991 = tpu.memref_slice %arg4[%add3A_982, %dma_start3A_990] : memref<16384x1024xf32, #tpu.memory_space<hbm>> -> memref<16x1024xf32, #tpu.memory_space<hbm>>
    %dma_start3A_992 = arith.constant 0 : i32
    %dma_start3A_993 = arith.constant 0 : i32
    %dma_start3A_994 = tpu.memref_slice %arg6[%dma_start3A_983, %dma_start3A_992, %dma_start3A_993] : memref<7x16x1024xf32, #tpu.memory_space<vmem>> -> memref<1x16x1024xf32, #tpu.memory_space<vmem>>
    %dma_start3A_995 = tpu.memref_squeeze %dma_start3A_994 : memref<1x16x1024xf32, #tpu.memory_space<vmem>> -> memref<16x1024xf32, #tpu.memory_space<vmem>>
    tpu.enqueue_dma source(%dma_start3A_995 : memref<16x1024xf32, #tpu.memory_space<vmem>>) target(%dma_start3A_991 : memref<16x1024xf32, #tpu.memory_space<hbm>>) target_semaphore(%arg17 : memref<!tpu.dma_semaphore, #tpu.memory_space<semaphore_mem>>)
    %dma_wait3A_996 = arith.constant 3 : i32
    %dma_wait3A_997 = arith.constant 0 : i32
    %dma_wait3A_998 = arith.constant 0 : i32
    %dma_wait3A_999 = tpu.memref_slice %arg6[%dma_wait3A_996, %dma_wait3A_997, %dma_wait3A_998] : memref<7x16x1024xf32, #tpu.memory_space<vmem>> -> memref<1x16x1024xf32, #tpu.memory_space<vmem>>
    %dma_wait3A_1000 = tpu.memref_squeeze %dma_wait3A_999 : memref<1x16x1024xf32, #tpu.memory_space<vmem>> -> memref<16x1024xf32, #tpu.memory_space<vmem>>
    %dma_wait3A_1001 = arith.constant 0 : i32
    %dma_wait3A_1002 = tpu.memref_slice %arg4[%add3A_982, %dma_wait3A_1001] : memref<16384x1024xf32, #tpu.memory_space<hbm>> -> memref<16x1024xf32, #tpu.memory_space<hbm>>
    %dma_wait3A_1003 = arith.constant 0 : i32
    %dma_wait3A_1004 = tpu.memref_slice %arg4[%add3A_982, %dma_wait3A_1003] : memref<16384x1024xf32, #tpu.memory_space<hbm>> -> memref<16x1024xf32, #tpu.memory_space<hbm>>
    %dma_wait3A_1005 = arith.constant 0 : i32
    %dma_wait3A_1006 = arith.constant 0 : i32
    %dma_wait3A_1007 = tpu.memref_slice %arg6[%dma_wait3A_996, %dma_wait3A_1005, %dma_wait3A_1006] : memref<7x16x1024xf32, #tpu.memory_space<vmem>> -> memref<1x16x1024xf32, #tpu.memory_space<vmem>>
    %dma_wait3A_1008 = tpu.memref_squeeze %dma_wait3A_1007 : memref<1x16x1024xf32, #tpu.memory_space<vmem>> -> memref<16x1024xf32, #tpu.memory_space<vmem>>
    tpu.wait_dma2 semaphore(%arg17 : memref<!tpu.dma_semaphore, #tpu.memory_space<semaphore_mem>>) src(%dma_wait3A_1008 : memref<16x1024xf32, #tpu.memory_space<vmem>>) dst(%dma_wait3A_1004 : memref<16x1024xf32, #tpu.memory_space<hbm>>)
    %dma_start3A_1009 = arith.constant 24 : i32
    %dma_start3A_1010 = arith.constant 3 : i32
    %dma_start3A_1011 = arith.constant 0 : i32
    %dma_start3A_1012 = arith.constant 0 : i32
    %dma_start3A_1013 = tpu.memref_slice %arg6[%dma_start3A_1010, %dma_start3A_1011, %dma_start3A_1012] : memref<7x16x1024xf32, #tpu.memory_space<vmem>> -> memref<1x16x1024xf32, #tpu.memory_space<vmem>>
    %dma_start3A_1014 = tpu.memref_squeeze %dma_start3A_1013 : memref<1x16x1024xf32, #tpu.memory_space<vmem>> -> memref<16x1024xf32, #tpu.memory_space<vmem>>
    %dma_start3A_1015 = arith.constant 0 : i32
    %dma_start3A_1016 = tpu.memref_slice %arg5[%dma_start3A_1009, %dma_start3A_1015] : memref<32x16xi32, #tpu.memory_space<vmem>> -> memref<1x16xi32, #tpu.memory_space<vmem>>
    %dma_start3A_1017 = tpu.memref_squeeze %dma_start3A_1016 : memref<1x16xi32, #tpu.memory_space<vmem>> -> memref<16xi32, #tpu.memory_space<vmem>>
    %dma_start3A_1018 = arith.constant 0 : i32
    %dma_start3A_1019 = arith.constant 0 : i32
    %dma_start3A_1020 = tpu.memref_slice %arg3[%dma_start3A_1018, %dma_start3A_1019] : memref<100000x1024xf32, #tpu.memory_space<hbm>> -> memref<100000x1024xf32, #tpu.memory_space<hbm>>
    tpu.enqueue_indirect_dma source(%dma_start3A_1020 : memref<100000x1024xf32, #tpu.memory_space<hbm>>) target(%dma_start3A_1014 : memref<16x1024xf32, #tpu.memory_space<vmem>>) offsets(%dma_start3A_1017 : memref<16xi32, #tpu.memory_space<vmem>>) semaphore(%arg10 : memref<!tpu.dma_semaphore, #tpu.memory_space<semaphore_mem>>)
    %dma_wait3A_1021 = arith.constant 18 : i32
    %dma_wait3A_1022 = arith.constant 4 : i32
    %dma_wait3A_1023 = arith.constant 0 : i32
    %dma_wait3A_1024 = arith.constant 0 : i32
    %dma_wait3A_1025 = tpu.memref_slice %arg6[%dma_wait3A_1022, %dma_wait3A_1023, %dma_wait3A_1024] : memref<7x16x1024xf32, #tpu.memory_space<vmem>> -> memref<1x16x1024xf32, #tpu.memory_space<vmem>>
    %dma_wait3A_1026 = tpu.memref_squeeze %dma_wait3A_1025 : memref<1x16x1024xf32, #tpu.memory_space<vmem>> -> memref<16x1024xf32, #tpu.memory_space<vmem>>
    %dma_wait3A_1027 = arith.constant 0 : i32
    %dma_wait3A_1028 = tpu.memref_slice %arg5[%dma_wait3A_1021, %dma_wait3A_1027] : memref<32x16xi32, #tpu.memory_space<vmem>> -> memref<1x16xi32, #tpu.memory_space<vmem>>
    %dma_wait3A_1029 = tpu.memref_squeeze %dma_wait3A_1028 : memref<1x16xi32, #tpu.memory_space<vmem>> -> memref<16xi32, #tpu.memory_space<vmem>>
    %dma_wait3A_1030 = arith.constant 0 : i32
    %dma_wait3A_1031 = arith.constant 0 : i32
    %dma_wait3A_1032 = tpu.memref_slice %arg3[%dma_wait3A_1030, %dma_wait3A_1031] : memref<100000x1024xf32, #tpu.memory_space<hbm>> -> memref<100000x1024xf32, #tpu.memory_space<hbm>>
    tpu.wait_indirect_dma semaphore(%arg11 : memref<!tpu.dma_semaphore, #tpu.memory_space<semaphore_mem>>) src(%dma_wait3A_1032 : memref<100000x1024xf32, #tpu.memory_space<hbm>>) dst(%dma_wait3A_1026 : memref<16x1024xf32, #tpu.memory_space<vmem>>)
    %add3A_1033 = arith.constant 288 : i32
    %add3A_1034 = arith.addi %mul3A_2, %add3A_1033 : i32
    %dma_start3A_1035 = arith.constant 4 : i32
    %dma_start3A_1036 = arith.constant 0 : i32
    %dma_start3A_1037 = arith.constant 0 : i32
    %dma_start3A_1038 = tpu.memref_slice %arg6[%dma_start3A_1035, %dma_start3A_1036, %dma_start3A_1037] : memref<7x16x1024xf32, #tpu.memory_space<vmem>> -> memref<1x16x1024xf32, #tpu.memory_space<vmem>>
    %dma_start3A_1039 = tpu.memref_squeeze %dma_start3A_1038 : memref<1x16x1024xf32, #tpu.memory_space<vmem>> -> memref<16x1024xf32, #tpu.memory_space<vmem>>
    %dma_start3A_1040 = arith.constant 0 : i32
    %dma_start3A_1041 = tpu.memref_slice %arg4[%add3A_1034, %dma_start3A_1040] : memref<16384x1024xf32, #tpu.memory_space<hbm>> -> memref<16x1024xf32, #tpu.memory_space<hbm>>
    %dma_start3A_1042 = arith.constant 0 : i32
    %dma_start3A_1043 = tpu.memref_slice %arg4[%add3A_1034, %dma_start3A_1042] : memref<16384x1024xf32, #tpu.memory_space<hbm>> -> memref<16x1024xf32, #tpu.memory_space<hbm>>
    %dma_start3A_1044 = arith.constant 0 : i32
    %dma_start3A_1045 = arith.constant 0 : i32
    %dma_start3A_1046 = tpu.memref_slice %arg6[%dma_start3A_1035, %dma_start3A_1044, %dma_start3A_1045] : memref<7x16x1024xf32, #tpu.memory_space<vmem>> -> memref<1x16x1024xf32, #tpu.memory_space<vmem>>
    %dma_start3A_1047 = tpu.memref_squeeze %dma_start3A_1046 : memref<1x16x1024xf32, #tpu.memory_space<vmem>> -> memref<16x1024xf32, #tpu.memory_space<vmem>>
    tpu.enqueue_dma source(%dma_start3A_1047 : memref<16x1024xf32, #tpu.memory_space<vmem>>) target(%dma_start3A_1043 : memref<16x1024xf32, #tpu.memory_space<hbm>>) target_semaphore(%arg18 : memref<!tpu.dma_semaphore, #tpu.memory_space<semaphore_mem>>)
    %dma_wait3A_1048 = arith.constant 4 : i32
    %dma_wait3A_1049 = arith.constant 0 : i32
    %dma_wait3A_1050 = arith.constant 0 : i32
    %dma_wait3A_1051 = tpu.memref_slice %arg6[%dma_wait3A_1048, %dma_wait3A_1049, %dma_wait3A_1050] : memref<7x16x1024xf32, #tpu.memory_space<vmem>> -> memref<1x16x1024xf32, #tpu.memory_space<vmem>>
    %dma_wait3A_1052 = tpu.memref_squeeze %dma_wait3A_1051 : memref<1x16x1024xf32, #tpu.memory_space<vmem>> -> memref<16x1024xf32, #tpu.memory_space<vmem>>
    %dma_wait3A_1053 = arith.constant 0 : i32
    %dma_wait3A_1054 = tpu.memref_slice %arg4[%add3A_1034, %dma_wait3A_1053] : memref<16384x1024xf32, #tpu.memory_space<hbm>> -> memref<16x1024xf32, #tpu.memory_space<hbm>>
    %dma_wait3A_1055 = arith.constant 0 : i32
    %dma_wait3A_1056 = tpu.memref_slice %arg4[%add3A_1034, %dma_wait3A_1055] : memref<16384x1024xf32, #tpu.memory_space<hbm>> -> memref<16x1024xf32, #tpu.memory_space<hbm>>
    %dma_wait3A_1057 = arith.constant 0 : i32
    %dma_wait3A_1058 = arith.constant 0 : i32
    %dma_wait3A_1059 = tpu.memref_slice %arg6[%dma_wait3A_1048, %dma_wait3A_1057, %dma_wait3A_1058] : memref<7x16x1024xf32, #tpu.memory_space<vmem>> -> memref<1x16x1024xf32, #tpu.memory_space<vmem>>
    %dma_wait3A_1060 = tpu.memref_squeeze %dma_wait3A_1059 : memref<1x16x1024xf32, #tpu.memory_space<vmem>> -> memref<16x1024xf32, #tpu.memory_space<vmem>>
    tpu.wait_dma2 semaphore(%arg18 : memref<!tpu.dma_semaphore, #tpu.memory_space<semaphore_mem>>) src(%dma_wait3A_1060 : memref<16x1024xf32, #tpu.memory_space<vmem>>) dst(%dma_wait3A_1056 : memref<16x1024xf32, #tpu.memory_space<hbm>>)
    %dma_start3A_1061 = arith.constant 25 : i32
    %dma_start3A_1062 = arith.constant 4 : i32
    %dma_start3A_1063 = arith.constant 0 : i32
    %dma_start3A_1064 = arith.constant 0 : i32
    %dma_start3A_1065 = tpu.memref_slice %arg6[%dma_start3A_1062, %dma_start3A_1063, %dma_start3A_1064] : memref<7x16x1024xf32, #tpu.memory_space<vmem>> -> memref<1x16x1024xf32, #tpu.memory_space<vmem>>
    %dma_start3A_1066 = tpu.memref_squeeze %dma_start3A_1065 : memref<1x16x1024xf32, #tpu.memory_space<vmem>> -> memref<16x1024xf32, #tpu.memory_space<vmem>>
    %dma_start3A_1067 = arith.constant 0 : i32
    %dma_start3A_1068 = tpu.memref_slice %arg5[%dma_start3A_1061, %dma_start3A_1067] : memref<32x16xi32, #tpu.memory_space<vmem>> -> memref<1x16xi32, #tpu.memory_space<vmem>>
    %dma_start3A_1069 = tpu.memref_squeeze %dma_start3A_1068 : memref<1x16xi32, #tpu.memory_space<vmem>> -> memref<16xi32, #tpu.memory_space<vmem>>
    %dma_start3A_1070 = arith.constant 0 : i32
    %dma_start3A_1071 = arith.constant 0 : i32
    %dma_start3A_1072 = tpu.memref_slice %arg3[%dma_start3A_1070, %dma_start3A_1071] : memref<100000x1024xf32, #tpu.memory_space<hbm>> -> memref<100000x1024xf32, #tpu.memory_space<hbm>>
    tpu.enqueue_indirect_dma source(%dma_start3A_1072 : memref<100000x1024xf32, #tpu.memory_space<hbm>>) target(%dma_start3A_1066 : memref<16x1024xf32, #tpu.memory_space<vmem>>) offsets(%dma_start3A_1069 : memref<16xi32, #tpu.memory_space<vmem>>) semaphore(%arg11 : memref<!tpu.dma_semaphore, #tpu.memory_space<semaphore_mem>>)
    %dma_wait3A_1073 = arith.constant 19 : i32
    %dma_wait3A_1074 = arith.constant 5 : i32
    %dma_wait3A_1075 = arith.constant 0 : i32
    %dma_wait3A_1076 = arith.constant 0 : i32
    %dma_wait3A_1077 = tpu.memref_slice %arg6[%dma_wait3A_1074, %dma_wait3A_1075, %dma_wait3A_1076] : memref<7x16x1024xf32, #tpu.memory_space<vmem>> -> memref<1x16x1024xf32, #tpu.memory_space<vmem>>
    %dma_wait3A_1078 = tpu.memref_squeeze %dma_wait3A_1077 : memref<1x16x1024xf32, #tpu.memory_space<vmem>> -> memref<16x1024xf32, #tpu.memory_space<vmem>>
    %dma_wait3A_1079 = arith.constant 0 : i32
    %dma_wait3A_1080 = tpu.memref_slice %arg5[%dma_wait3A_1073, %dma_wait3A_1079] : memref<32x16xi32, #tpu.memory_space<vmem>> -> memref<1x16xi32, #tpu.memory_space<vmem>>
    %dma_wait3A_1081 = tpu.memref_squeeze %dma_wait3A_1080 : memref<1x16xi32, #tpu.memory_space<vmem>> -> memref<16xi32, #tpu.memory_space<vmem>>
    %dma_wait3A_1082 = arith.constant 0 : i32
    %dma_wait3A_1083 = arith.constant 0 : i32
    %dma_wait3A_1084 = tpu.memref_slice %arg3[%dma_wait3A_1082, %dma_wait3A_1083] : memref<100000x1024xf32, #tpu.memory_space<hbm>> -> memref<100000x1024xf32, #tpu.memory_space<hbm>>
    tpu.wait_indirect_dma semaphore(%arg12 : memref<!tpu.dma_semaphore, #tpu.memory_space<semaphore_mem>>) src(%dma_wait3A_1084 : memref<100000x1024xf32, #tpu.memory_space<hbm>>) dst(%dma_wait3A_1078 : memref<16x1024xf32, #tpu.memory_space<vmem>>)
    %add3A_1085 = arith.constant 304 : i32
    %add3A_1086 = arith.addi %mul3A_2, %add3A_1085 : i32
    %dma_start3A_1087 = arith.constant 5 : i32
    %dma_start3A_1088 = arith.constant 0 : i32
    %dma_start3A_1089 = arith.constant 0 : i32
    %dma_start3A_1090 = tpu.memref_slice %arg6[%dma_start3A_1087, %dma_start3A_1088, %dma_start3A_1089] : memref<7x16x1024xf32, #tpu.memory_space<vmem>> -> memref<1x16x1024xf32, #tpu.memory_space<vmem>>
    %dma_start3A_1091 = tpu.memref_squeeze %dma_start3A_1090 : memref<1x16x1024xf32, #tpu.memory_space<vmem>> -> memref<16x1024xf32, #tpu.memory_space<vmem>>
    %dma_start3A_1092 = arith.constant 0 : i32
    %dma_start3A_1093 = tpu.memref_slice %arg4[%add3A_1086, %dma_start3A_1092] : memref<16384x1024xf32, #tpu.memory_space<hbm>> -> memref<16x1024xf32, #tpu.memory_space<hbm>>
    %dma_start3A_1094 = arith.constant 0 : i32
    %dma_start3A_1095 = tpu.memref_slice %arg4[%add3A_1086, %dma_start3A_1094] : memref<16384x1024xf32, #tpu.memory_space<hbm>> -> memref<16x1024xf32, #tpu.memory_space<hbm>>
    %dma_start3A_1096 = arith.constant 0 : i32
    %dma_start3A_1097 = arith.constant 0 : i32
    %dma_start3A_1098 = tpu.memref_slice %arg6[%dma_start3A_1087, %dma_start3A_1096, %dma_start3A_1097] : memref<7x16x1024xf32, #tpu.memory_space<vmem>> -> memref<1x16x1024xf32, #tpu.memory_space<vmem>>
    %dma_start3A_1099 = tpu.memref_squeeze %dma_start3A_1098 : memref<1x16x1024xf32, #tpu.memory_space<vmem>> -> memref<16x1024xf32, #tpu.memory_space<vmem>>
    tpu.enqueue_dma source(%dma_start3A_1099 : memref<16x1024xf32, #tpu.memory_space<vmem>>) target(%dma_start3A_1095 : memref<16x1024xf32, #tpu.memory_space<hbm>>) target_semaphore(%arg19 : memref<!tpu.dma_semaphore, #tpu.memory_space<semaphore_mem>>)
    %dma_wait3A_1100 = arith.constant 5 : i32
    %dma_wait3A_1101 = arith.constant 0 : i32
    %dma_wait3A_1102 = arith.constant 0 : i32
    %dma_wait3A_1103 = tpu.memref_slice %arg6[%dma_wait3A_1100, %dma_wait3A_1101, %dma_wait3A_1102] : memref<7x16x1024xf32, #tpu.memory_space<vmem>> -> memref<1x16x1024xf32, #tpu.memory_space<vmem>>
    %dma_wait3A_1104 = tpu.memref_squeeze %dma_wait3A_1103 : memref<1x16x1024xf32, #tpu.memory_space<vmem>> -> memref<16x1024xf32, #tpu.memory_space<vmem>>
    %dma_wait3A_1105 = arith.constant 0 : i32
    %dma_wait3A_1106 = tpu.memref_slice %arg4[%add3A_1086, %dma_wait3A_1105] : memref<16384x1024xf32, #tpu.memory_space<hbm>> -> memref<16x1024xf32, #tpu.memory_space<hbm>>
    %dma_wait3A_1107 = arith.constant 0 : i32
    %dma_wait3A_1108 = tpu.memref_slice %arg4[%add3A_1086, %dma_wait3A_1107] : memref<16384x1024xf32, #tpu.memory_space<hbm>> -> memref<16x1024xf32, #tpu.memory_space<hbm>>
    %dma_wait3A_1109 = arith.constant 0 : i32
    %dma_wait3A_1110 = arith.constant 0 : i32
    %dma_wait3A_1111 = tpu.memref_slice %arg6[%dma_wait3A_1100, %dma_wait3A_1109, %dma_wait3A_1110] : memref<7x16x1024xf32, #tpu.memory_space<vmem>> -> memref<1x16x1024xf32, #tpu.memory_space<vmem>>
    %dma_wait3A_1112 = tpu.memref_squeeze %dma_wait3A_1111 : memref<1x16x1024xf32, #tpu.memory_space<vmem>> -> memref<16x1024xf32, #tpu.memory_space<vmem>>
    tpu.wait_dma2 semaphore(%arg19 : memref<!tpu.dma_semaphore, #tpu.memory_space<semaphore_mem>>) src(%dma_wait3A_1112 : memref<16x1024xf32, #tpu.memory_space<vmem>>) dst(%dma_wait3A_1108 : memref<16x1024xf32, #tpu.memory_space<hbm>>)
    %dma_start3A_1113 = arith.constant 26 : i32
    %dma_start3A_1114 = arith.constant 5 : i32
    %dma_start3A_1115 = arith.constant 0 : i32
    %dma_start3A_1116 = arith.constant 0 : i32
    %dma_start3A_1117 = tpu.memref_slice %arg6[%dma_start3A_1114, %dma_start3A_1115, %dma_start3A_1116] : memref<7x16x1024xf32, #tpu.memory_space<vmem>> -> memref<1x16x1024xf32, #tpu.memory_space<vmem>>
    %dma_start3A_1118 = tpu.memref_squeeze %dma_start3A_1117 : memref<1x16x1024xf32, #tpu.memory_space<vmem>> -> memref<16x1024xf32, #tpu.memory_space<vmem>>
    %dma_start3A_1119 = arith.constant 0 : i32
    %dma_start3A_1120 = tpu.memref_slice %arg5[%dma_start3A_1113, %dma_start3A_1119] : memref<32x16xi32, #tpu.memory_space<vmem>> -> memref<1x16xi32, #tpu.memory_space<vmem>>
    %dma_start3A_1121 = tpu.memref_squeeze %dma_start3A_1120 : memref<1x16xi32, #tpu.memory_space<vmem>> -> memref<16xi32, #tpu.memory_space<vmem>>
    %dma_start3A_1122 = arith.constant 0 : i32
    %dma_start3A_1123 = arith.constant 0 : i32
    %dma_start3A_1124 = tpu.memref_slice %arg3[%dma_start3A_1122, %dma_start3A_1123] : memref<100000x1024xf32, #tpu.memory_space<hbm>> -> memref<100000x1024xf32, #tpu.memory_space<hbm>>
    tpu.enqueue_indirect_dma source(%dma_start3A_1124 : memref<100000x1024xf32, #tpu.memory_space<hbm>>) target(%dma_start3A_1118 : memref<16x1024xf32, #tpu.memory_space<vmem>>) offsets(%dma_start3A_1121 : memref<16xi32, #tpu.memory_space<vmem>>) semaphore(%arg12 : memref<!tpu.dma_semaphore, #tpu.memory_space<semaphore_mem>>)
    %dma_wait3A_1125 = arith.constant 20 : i32
    %dma_wait3A_1126 = arith.constant 6 : i32
    %dma_wait3A_1127 = arith.constant 0 : i32
    %dma_wait3A_1128 = arith.constant 0 : i32
    %dma_wait3A_1129 = tpu.memref_slice %arg6[%dma_wait3A_1126, %dma_wait3A_1127, %dma_wait3A_1128] : memref<7x16x1024xf32, #tpu.memory_space<vmem>> -> memref<1x16x1024xf32, #tpu.memory_space<vmem>>
    %dma_wait3A_1130 = tpu.memref_squeeze %dma_wait3A_1129 : memref<1x16x1024xf32, #tpu.memory_space<vmem>> -> memref<16x1024xf32, #tpu.memory_space<vmem>>
    %dma_wait3A_1131 = arith.constant 0 : i32
    %dma_wait3A_1132 = tpu.memref_slice %arg5[%dma_wait3A_1125, %dma_wait3A_1131] : memref<32x16xi32, #tpu.memory_space<vmem>> -> memref<1x16xi32, #tpu.memory_space<vmem>>
    %dma_wait3A_1133 = tpu.memref_squeeze %dma_wait3A_1132 : memref<1x16xi32, #tpu.memory_space<vmem>> -> memref<16xi32, #tpu.memory_space<vmem>>
    %dma_wait3A_1134 = arith.constant 0 : i32
    %dma_wait3A_1135 = arith.constant 0 : i32
    %dma_wait3A_1136 = tpu.memref_slice %arg3[%dma_wait3A_1134, %dma_wait3A_1135] : memref<100000x1024xf32, #tpu.memory_space<hbm>> -> memref<100000x1024xf32, #tpu.memory_space<hbm>>
    tpu.wait_indirect_dma semaphore(%arg13 : memref<!tpu.dma_semaphore, #tpu.memory_space<semaphore_mem>>) src(%dma_wait3A_1136 : memref<100000x1024xf32, #tpu.memory_space<hbm>>) dst(%dma_wait3A_1130 : memref<16x1024xf32, #tpu.memory_space<vmem>>)
    %add3A_1137 = arith.constant 320 : i32
    %add3A_1138 = arith.addi %mul3A_2, %add3A_1137 : i32
    %dma_start3A_1139 = arith.constant 6 : i32
    %dma_start3A_1140 = arith.constant 0 : i32
    %dma_start3A_1141 = arith.constant 0 : i32
    %dma_start3A_1142 = tpu.memref_slice %arg6[%dma_start3A_1139, %dma_start3A_1140, %dma_start3A_1141] : memref<7x16x1024xf32, #tpu.memory_space<vmem>> -> memref<1x16x1024xf32, #tpu.memory_space<vmem>>
    %dma_start3A_1143 = tpu.memref_squeeze %dma_start3A_1142 : memref<1x16x1024xf32, #tpu.memory_space<vmem>> -> memref<16x1024xf32, #tpu.memory_space<vmem>>
    %dma_start3A_1144 = arith.constant 0 : i32
    %dma_start3A_1145 = tpu.memref_slice %arg4[%add3A_1138, %dma_start3A_1144] : memref<16384x1024xf32, #tpu.memory_space<hbm>> -> memref<16x1024xf32, #tpu.memory_space<hbm>>
    %dma_start3A_1146 = arith.constant 0 : i32
    %dma_start3A_1147 = tpu.memref_slice %arg4[%add3A_1138, %dma_start3A_1146] : memref<16384x1024xf32, #tpu.memory_space<hbm>> -> memref<16x1024xf32, #tpu.memory_space<hbm>>
    %dma_start3A_1148 = arith.constant 0 : i32
    %dma_start3A_1149 = arith.constant 0 : i32
    %dma_start3A_1150 = tpu.memref_slice %arg6[%dma_start3A_1139, %dma_start3A_1148, %dma_start3A_1149] : memref<7x16x1024xf32, #tpu.memory_space<vmem>> -> memref<1x16x1024xf32, #tpu.memory_space<vmem>>
    %dma_start3A_1151 = tpu.memref_squeeze %dma_start3A_1150 : memref<1x16x1024xf32, #tpu.memory_space<vmem>> -> memref<16x1024xf32, #tpu.memory_space<vmem>>
    tpu.enqueue_dma source(%dma_start3A_1151 : memref<16x1024xf32, #tpu.memory_space<vmem>>) target(%dma_start3A_1147 : memref<16x1024xf32, #tpu.memory_space<hbm>>) target_semaphore(%arg20 : memref<!tpu.dma_semaphore, #tpu.memory_space<semaphore_mem>>)
    %dma_wait3A_1152 = arith.constant 6 : i32
    %dma_wait3A_1153 = arith.constant 0 : i32
    %dma_wait3A_1154 = arith.constant 0 : i32
    %dma_wait3A_1155 = tpu.memref_slice %arg6[%dma_wait3A_1152, %dma_wait3A_1153, %dma_wait3A_1154] : memref<7x16x1024xf32, #tpu.memory_space<vmem>> -> memref<1x16x1024xf32, #tpu.memory_space<vmem>>
    %dma_wait3A_1156 = tpu.memref_squeeze %dma_wait3A_1155 : memref<1x16x1024xf32, #tpu.memory_space<vmem>> -> memref<16x1024xf32, #tpu.memory_space<vmem>>
    %dma_wait3A_1157 = arith.constant 0 : i32
    %dma_wait3A_1158 = tpu.memref_slice %arg4[%add3A_1138, %dma_wait3A_1157] : memref<16384x1024xf32, #tpu.memory_space<hbm>> -> memref<16x1024xf32, #tpu.memory_space<hbm>>
    %dma_wait3A_1159 = arith.constant 0 : i32
    %dma_wait3A_1160 = tpu.memref_slice %arg4[%add3A_1138, %dma_wait3A_1159] : memref<16384x1024xf32, #tpu.memory_space<hbm>> -> memref<16x1024xf32, #tpu.memory_space<hbm>>
    %dma_wait3A_1161 = arith.constant 0 : i32
    %dma_wait3A_1162 = arith.constant 0 : i32
    %dma_wait3A_1163 = tpu.memref_slice %arg6[%dma_wait3A_1152, %dma_wait3A_1161, %dma_wait3A_1162] : memref<7x16x1024xf32, #tpu.memory_space<vmem>> -> memref<1x16x1024xf32, #tpu.memory_space<vmem>>
    %dma_wait3A_1164 = tpu.memref_squeeze %dma_wait3A_1163 : memref<1x16x1024xf32, #tpu.memory_space<vmem>> -> memref<16x1024xf32, #tpu.memory_space<vmem>>
    tpu.wait_dma2 semaphore(%arg20 : memref<!tpu.dma_semaphore, #tpu.memory_space<semaphore_mem>>) src(%dma_wait3A_1164 : memref<16x1024xf32, #tpu.memory_space<vmem>>) dst(%dma_wait3A_1160 : memref<16x1024xf32, #tpu.memory_space<hbm>>)
    %dma_start3A_1165 = arith.constant 27 : i32
    %dma_start3A_1166 = arith.constant 6 : i32
    %dma_start3A_1167 = arith.constant 0 : i32
    %dma_start3A_1168 = arith.constant 0 : i32
    %dma_start3A_1169 = tpu.memref_slice %arg6[%dma_start3A_1166, %dma_start3A_1167, %dma_start3A_1168] : memref<7x16x1024xf32, #tpu.memory_space<vmem>> -> memref<1x16x1024xf32, #tpu.memory_space<vmem>>
    %dma_start3A_1170 = tpu.memref_squeeze %dma_start3A_1169 : memref<1x16x1024xf32, #tpu.memory_space<vmem>> -> memref<16x1024xf32, #tpu.memory_space<vmem>>
    %dma_start3A_1171 = arith.constant 0 : i32
    %dma_start3A_1172 = tpu.memref_slice %arg5[%dma_start3A_1165, %dma_start3A_1171] : memref<32x16xi32, #tpu.memory_space<vmem>> -> memref<1x16xi32, #tpu.memory_space<vmem>>
    %dma_start3A_1173 = tpu.memref_squeeze %dma_start3A_1172 : memref<1x16xi32, #tpu.memory_space<vmem>> -> memref<16xi32, #tpu.memory_space<vmem>>
    %dma_start3A_1174 = arith.constant 0 : i32
    %dma_start3A_1175 = arith.constant 0 : i32
    %dma_start3A_1176 = tpu.memref_slice %arg3[%dma_start3A_1174, %dma_start3A_1175] : memref<100000x1024xf32, #tpu.memory_space<hbm>> -> memref<100000x1024xf32, #tpu.memory_space<hbm>>
    tpu.enqueue_indirect_dma source(%dma_start3A_1176 : memref<100000x1024xf32, #tpu.memory_space<hbm>>) target(%dma_start3A_1170 : memref<16x1024xf32, #tpu.memory_space<vmem>>) offsets(%dma_start3A_1173 : memref<16xi32, #tpu.memory_space<vmem>>) semaphore(%arg13 : memref<!tpu.dma_semaphore, #tpu.memory_space<semaphore_mem>>)
    %dma_wait3A_1177 = arith.constant 21 : i32
    %dma_wait3A_1178 = arith.constant 0 : i32
    %dma_wait3A_1179 = arith.constant 0 : i32
    %dma_wait3A_1180 = arith.constant 0 : i32
    %dma_wait3A_1181 = tpu.memref_slice %arg6[%dma_wait3A_1178, %dma_wait3A_1179, %dma_wait3A_1180] : memref<7x16x1024xf32, #tpu.memory_space<vmem>> -> memref<1x16x1024xf32, #tpu.memory_space<vmem>>
    %dma_wait3A_1182 = tpu.memref_squeeze %dma_wait3A_1181 : memref<1x16x1024xf32, #tpu.memory_space<vmem>> -> memref<16x1024xf32, #tpu.memory_space<vmem>>
    %dma_wait3A_1183 = arith.constant 0 : i32
    %dma_wait3A_1184 = tpu.memref_slice %arg5[%dma_wait3A_1177, %dma_wait3A_1183] : memref<32x16xi32, #tpu.memory_space<vmem>> -> memref<1x16xi32, #tpu.memory_space<vmem>>
    %dma_wait3A_1185 = tpu.memref_squeeze %dma_wait3A_1184 : memref<1x16xi32, #tpu.memory_space<vmem>> -> memref<16xi32, #tpu.memory_space<vmem>>
    %dma_wait3A_1186 = arith.constant 0 : i32
    %dma_wait3A_1187 = arith.constant 0 : i32
    %dma_wait3A_1188 = tpu.memref_slice %arg3[%dma_wait3A_1186, %dma_wait3A_1187] : memref<100000x1024xf32, #tpu.memory_space<hbm>> -> memref<100000x1024xf32, #tpu.memory_space<hbm>>
    tpu.wait_indirect_dma semaphore(%arg7 : memref<!tpu.dma_semaphore, #tpu.memory_space<semaphore_mem>>) src(%dma_wait3A_1188 : memref<100000x1024xf32, #tpu.memory_space<hbm>>) dst(%dma_wait3A_1182 : memref<16x1024xf32, #tpu.memory_space<vmem>>)
    %add3A_1189 = arith.constant 336 : i32
    %add3A_1190 = arith.addi %mul3A_2, %add3A_1189 : i32
    %dma_start3A_1191 = arith.constant 0 : i32
    %dma_start3A_1192 = arith.constant 0 : i32
    %dma_start3A_1193 = arith.constant 0 : i32
    %dma_start3A_1194 = tpu.memref_slice %arg6[%dma_start3A_1191, %dma_start3A_1192, %dma_start3A_1193] : memref<7x16x1024xf32, #tpu.memory_space<vmem>> -> memref<1x16x1024xf32, #tpu.memory_space<vmem>>
    %dma_start3A_1195 = tpu.memref_squeeze %dma_start3A_1194 : memref<1x16x1024xf32, #tpu.memory_space<vmem>> -> memref<16x1024xf32, #tpu.memory_space<vmem>>
    %dma_start3A_1196 = arith.constant 0 : i32
    %dma_start3A_1197 = tpu.memref_slice %arg4[%add3A_1190, %dma_start3A_1196] : memref<16384x1024xf32, #tpu.memory_space<hbm>> -> memref<16x1024xf32, #tpu.memory_space<hbm>>
    %dma_start3A_1198 = arith.constant 0 : i32
    %dma_start3A_1199 = tpu.memref_slice %arg4[%add3A_1190, %dma_start3A_1198] : memref<16384x1024xf32, #tpu.memory_space<hbm>> -> memref<16x1024xf32, #tpu.memory_space<hbm>>
    %dma_start3A_1200 = arith.constant 0 : i32
    %dma_start3A_1201 = arith.constant 0 : i32
    %dma_start3A_1202 = tpu.memref_slice %arg6[%dma_start3A_1191, %dma_start3A_1200, %dma_start3A_1201] : memref<7x16x1024xf32, #tpu.memory_space<vmem>> -> memref<1x16x1024xf32, #tpu.memory_space<vmem>>
    %dma_start3A_1203 = tpu.memref_squeeze %dma_start3A_1202 : memref<1x16x1024xf32, #tpu.memory_space<vmem>> -> memref<16x1024xf32, #tpu.memory_space<vmem>>
    tpu.enqueue_dma source(%dma_start3A_1203 : memref<16x1024xf32, #tpu.memory_space<vmem>>) target(%dma_start3A_1199 : memref<16x1024xf32, #tpu.memory_space<hbm>>) target_semaphore(%arg14 : memref<!tpu.dma_semaphore, #tpu.memory_space<semaphore_mem>>)
    %dma_wait3A_1204 = arith.constant 0 : i32
    %dma_wait3A_1205 = arith.constant 0 : i32
    %dma_wait3A_1206 = arith.constant 0 : i32
    %dma_wait3A_1207 = tpu.memref_slice %arg6[%dma_wait3A_1204, %dma_wait3A_1205, %dma_wait3A_1206] : memref<7x16x1024xf32, #tpu.memory_space<vmem>> -> memref<1x16x1024xf32, #tpu.memory_space<vmem>>
    %dma_wait3A_1208 = tpu.memref_squeeze %dma_wait3A_1207 : memref<1x16x1024xf32, #tpu.memory_space<vmem>> -> memref<16x1024xf32, #tpu.memory_space<vmem>>
    %dma_wait3A_1209 = arith.constant 0 : i32
    %dma_wait3A_1210 = tpu.memref_slice %arg4[%add3A_1190, %dma_wait3A_1209] : memref<16384x1024xf32, #tpu.memory_space<hbm>> -> memref<16x1024xf32, #tpu.memory_space<hbm>>
    %dma_wait3A_1211 = arith.constant 0 : i32
    %dma_wait3A_1212 = tpu.memref_slice %arg4[%add3A_1190, %dma_wait3A_1211] : memref<16384x1024xf32, #tpu.memory_space<hbm>> -> memref<16x1024xf32, #tpu.memory_space<hbm>>
    %dma_wait3A_1213 = arith.constant 0 : i32
    %dma_wait3A_1214 = arith.constant 0 : i32
    %dma_wait3A_1215 = tpu.memref_slice %arg6[%dma_wait3A_1204, %dma_wait3A_1213, %dma_wait3A_1214] : memref<7x16x1024xf32, #tpu.memory_space<vmem>> -> memref<1x16x1024xf32, #tpu.memory_space<vmem>>
    %dma_wait3A_1216 = tpu.memref_squeeze %dma_wait3A_1215 : memref<1x16x1024xf32, #tpu.memory_space<vmem>> -> memref<16x1024xf32, #tpu.memory_space<vmem>>
    tpu.wait_dma2 semaphore(%arg14 : memref<!tpu.dma_semaphore, #tpu.memory_space<semaphore_mem>>) src(%dma_wait3A_1216 : memref<16x1024xf32, #tpu.memory_space<vmem>>) dst(%dma_wait3A_1212 : memref<16x1024xf32, #tpu.memory_space<hbm>>)
    %dma_start3A_1217 = arith.constant 28 : i32
    %dma_start3A_1218 = arith.constant 0 : i32
    %dma_start3A_1219 = arith.constant 0 : i32
    %dma_start3A_1220 = arith.constant 0 : i32
    %dma_start3A_1221 = tpu.memref_slice %arg6[%dma_start3A_1218, %dma_start3A_1219, %dma_start3A_1220] : memref<7x16x1024xf32, #tpu.memory_space<vmem>> -> memref<1x16x1024xf32, #tpu.memory_space<vmem>>
    %dma_start3A_1222 = tpu.memref_squeeze %dma_start3A_1221 : memref<1x16x1024xf32, #tpu.memory_space<vmem>> -> memref<16x1024xf32, #tpu.memory_space<vmem>>
    %dma_start3A_1223 = arith.constant 0 : i32
    %dma_start3A_1224 = tpu.memref_slice %arg5[%dma_start3A_1217, %dma_start3A_1223] : memref<32x16xi32, #tpu.memory_space<vmem>> -> memref<1x16xi32, #tpu.memory_space<vmem>>
    %dma_start3A_1225 = tpu.memref_squeeze %dma_start3A_1224 : memref<1x16xi32, #tpu.memory_space<vmem>> -> memref<16xi32, #tpu.memory_space<vmem>>
    %dma_start3A_1226 = arith.constant 0 : i32
    %dma_start3A_1227 = arith.constant 0 : i32
    %dma_start3A_1228 = tpu.memref_slice %arg3[%dma_start3A_1226, %dma_start3A_1227] : memref<100000x1024xf32, #tpu.memory_space<hbm>> -> memref<100000x1024xf32, #tpu.memory_space<hbm>>
    tpu.enqueue_indirect_dma source(%dma_start3A_1228 : memref<100000x1024xf32, #tpu.memory_space<hbm>>) target(%dma_start3A_1222 : memref<16x1024xf32, #tpu.memory_space<vmem>>) offsets(%dma_start3A_1225 : memref<16xi32, #tpu.memory_space<vmem>>) semaphore(%arg7 : memref<!tpu.dma_semaphore, #tpu.memory_space<semaphore_mem>>)
    %dma_wait3A_1229 = arith.constant 22 : i32
    %dma_wait3A_1230 = arith.constant 1 : i32
    %dma_wait3A_1231 = arith.constant 0 : i32
    %dma_wait3A_1232 = arith.constant 0 : i32
    %dma_wait3A_1233 = tpu.memref_slice %arg6[%dma_wait3A_1230, %dma_wait3A_1231, %dma_wait3A_1232] : memref<7x16x1024xf32, #tpu.memory_space<vmem>> -> memref<1x16x1024xf32, #tpu.memory_space<vmem>>
    %dma_wait3A_1234 = tpu.memref_squeeze %dma_wait3A_1233 : memref<1x16x1024xf32, #tpu.memory_space<vmem>> -> memref<16x1024xf32, #tpu.memory_space<vmem>>
    %dma_wait3A_1235 = arith.constant 0 : i32
    %dma_wait3A_1236 = tpu.memref_slice %arg5[%dma_wait3A_1229, %dma_wait3A_1235] : memref<32x16xi32, #tpu.memory_space<vmem>> -> memref<1x16xi32, #tpu.memory_space<vmem>>
    %dma_wait3A_1237 = tpu.memref_squeeze %dma_wait3A_1236 : memref<1x16xi32, #tpu.memory_space<vmem>> -> memref<16xi32, #tpu.memory_space<vmem>>
    %dma_wait3A_1238 = arith.constant 0 : i32
    %dma_wait3A_1239 = arith.constant 0 : i32
    %dma_wait3A_1240 = tpu.memref_slice %arg3[%dma_wait3A_1238, %dma_wait3A_1239] : memref<100000x1024xf32, #tpu.memory_space<hbm>> -> memref<100000x1024xf32, #tpu.memory_space<hbm>>
    tpu.wait_indirect_dma semaphore(%arg8 : memref<!tpu.dma_semaphore, #tpu.memory_space<semaphore_mem>>) src(%dma_wait3A_1240 : memref<100000x1024xf32, #tpu.memory_space<hbm>>) dst(%dma_wait3A_1234 : memref<16x1024xf32, #tpu.memory_space<vmem>>)
    %add3A_1241 = arith.constant 352 : i32
    %add3A_1242 = arith.addi %mul3A_2, %add3A_1241 : i32
    %dma_start3A_1243 = arith.constant 1 : i32
    %dma_start3A_1244 = arith.constant 0 : i32
    %dma_start3A_1245 = arith.constant 0 : i32
    %dma_start3A_1246 = tpu.memref_slice %arg6[%dma_start3A_1243, %dma_start3A_1244, %dma_start3A_1245] : memref<7x16x1024xf32, #tpu.memory_space<vmem>> -> memref<1x16x1024xf32, #tpu.memory_space<vmem>>
    %dma_start3A_1247 = tpu.memref_squeeze %dma_start3A_1246 : memref<1x16x1024xf32, #tpu.memory_space<vmem>> -> memref<16x1024xf32, #tpu.memory_space<vmem>>
    %dma_start3A_1248 = arith.constant 0 : i32
    %dma_start3A_1249 = tpu.memref_slice %arg4[%add3A_1242, %dma_start3A_1248] : memref<16384x1024xf32, #tpu.memory_space<hbm>> -> memref<16x1024xf32, #tpu.memory_space<hbm>>
    %dma_start3A_1250 = arith.constant 0 : i32
    %dma_start3A_1251 = tpu.memref_slice %arg4[%add3A_1242, %dma_start3A_1250] : memref<16384x1024xf32, #tpu.memory_space<hbm>> -> memref<16x1024xf32, #tpu.memory_space<hbm>>
    %dma_start3A_1252 = arith.constant 0 : i32
    %dma_start3A_1253 = arith.constant 0 : i32
    %dma_start3A_1254 = tpu.memref_slice %arg6[%dma_start3A_1243, %dma_start3A_1252, %dma_start3A_1253] : memref<7x16x1024xf32, #tpu.memory_space<vmem>> -> memref<1x16x1024xf32, #tpu.memory_space<vmem>>
    %dma_start3A_1255 = tpu.memref_squeeze %dma_start3A_1254 : memref<1x16x1024xf32, #tpu.memory_space<vmem>> -> memref<16x1024xf32, #tpu.memory_space<vmem>>
    tpu.enqueue_dma source(%dma_start3A_1255 : memref<16x1024xf32, #tpu.memory_space<vmem>>) target(%dma_start3A_1251 : memref<16x1024xf32, #tpu.memory_space<hbm>>) target_semaphore(%arg15 : memref<!tpu.dma_semaphore, #tpu.memory_space<semaphore_mem>>)
    %dma_wait3A_1256 = arith.constant 1 : i32
    %dma_wait3A_1257 = arith.constant 0 : i32
    %dma_wait3A_1258 = arith.constant 0 : i32
    %dma_wait3A_1259 = tpu.memref_slice %arg6[%dma_wait3A_1256, %dma_wait3A_1257, %dma_wait3A_1258] : memref<7x16x1024xf32, #tpu.memory_space<vmem>> -> memref<1x16x1024xf32, #tpu.memory_space<vmem>>
    %dma_wait3A_1260 = tpu.memref_squeeze %dma_wait3A_1259 : memref<1x16x1024xf32, #tpu.memory_space<vmem>> -> memref<16x1024xf32, #tpu.memory_space<vmem>>
    %dma_wait3A_1261 = arith.constant 0 : i32
    %dma_wait3A_1262 = tpu.memref_slice %arg4[%add3A_1242, %dma_wait3A_1261] : memref<16384x1024xf32, #tpu.memory_space<hbm>> -> memref<16x1024xf32, #tpu.memory_space<hbm>>
    %dma_wait3A_1263 = arith.constant 0 : i32
    %dma_wait3A_1264 = tpu.memref_slice %arg4[%add3A_1242, %dma_wait3A_1263] : memref<16384x1024xf32, #tpu.memory_space<hbm>> -> memref<16x1024xf32, #tpu.memory_space<hbm>>
    %dma_wait3A_1265 = arith.constant 0 : i32
    %dma_wait3A_1266 = arith.constant 0 : i32
    %dma_wait3A_1267 = tpu.memref_slice %arg6[%dma_wait3A_1256, %dma_wait3A_1265, %dma_wait3A_1266] : memref<7x16x1024xf32, #tpu.memory_space<vmem>> -> memref<1x16x1024xf32, #tpu.memory_space<vmem>>
    %dma_wait3A_1268 = tpu.memref_squeeze %dma_wait3A_1267 : memref<1x16x1024xf32, #tpu.memory_space<vmem>> -> memref<16x1024xf32, #tpu.memory_space<vmem>>
    tpu.wait_dma2 semaphore(%arg15 : memref<!tpu.dma_semaphore, #tpu.memory_space<semaphore_mem>>) src(%dma_wait3A_1268 : memref<16x1024xf32, #tpu.memory_space<vmem>>) dst(%dma_wait3A_1264 : memref<16x1024xf32, #tpu.memory_space<hbm>>)
    %dma_start3A_1269 = arith.constant 29 : i32
    %dma_start3A_1270 = arith.constant 1 : i32
    %dma_start3A_1271 = arith.constant 0 : i32
    %dma_start3A_1272 = arith.constant 0 : i32
    %dma_start3A_1273 = tpu.memref_slice %arg6[%dma_start3A_1270, %dma_start3A_1271, %dma_start3A_1272] : memref<7x16x1024xf32, #tpu.memory_space<vmem>> -> memref<1x16x1024xf32, #tpu.memory_space<vmem>>
    %dma_start3A_1274 = tpu.memref_squeeze %dma_start3A_1273 : memref<1x16x1024xf32, #tpu.memory_space<vmem>> -> memref<16x1024xf32, #tpu.memory_space<vmem>>
    %dma_start3A_1275 = arith.constant 0 : i32
    %dma_start3A_1276 = tpu.memref_slice %arg5[%dma_start3A_1269, %dma_start3A_1275] : memref<32x16xi32, #tpu.memory_space<vmem>> -> memref<1x16xi32, #tpu.memory_space<vmem>>
    %dma_start3A_1277 = tpu.memref_squeeze %dma_start3A_1276 : memref<1x16xi32, #tpu.memory_space<vmem>> -> memref<16xi32, #tpu.memory_space<vmem>>
    %dma_start3A_1278 = arith.constant 0 : i32
    %dma_start3A_1279 = arith.constant 0 : i32
    %dma_start3A_1280 = tpu.memref_slice %arg3[%dma_start3A_1278, %dma_start3A_1279] : memref<100000x1024xf32, #tpu.memory_space<hbm>> -> memref<100000x1024xf32, #tpu.memory_space<hbm>>
    tpu.enqueue_indirect_dma source(%dma_start3A_1280 : memref<100000x1024xf32, #tpu.memory_space<hbm>>) target(%dma_start3A_1274 : memref<16x1024xf32, #tpu.memory_space<vmem>>) offsets(%dma_start3A_1277 : memref<16xi32, #tpu.memory_space<vmem>>) semaphore(%arg8 : memref<!tpu.dma_semaphore, #tpu.memory_space<semaphore_mem>>)
    %dma_wait3A_1281 = arith.constant 23 : i32
    %dma_wait3A_1282 = arith.constant 2 : i32
    %dma_wait3A_1283 = arith.constant 0 : i32
    %dma_wait3A_1284 = arith.constant 0 : i32
    %dma_wait3A_1285 = tpu.memref_slice %arg6[%dma_wait3A_1282, %dma_wait3A_1283, %dma_wait3A_1284] : memref<7x16x1024xf32, #tpu.memory_space<vmem>> -> memref<1x16x1024xf32, #tpu.memory_space<vmem>>
    %dma_wait3A_1286 = tpu.memref_squeeze %dma_wait3A_1285 : memref<1x16x1024xf32, #tpu.memory_space<vmem>> -> memref<16x1024xf32, #tpu.memory_space<vmem>>
    %dma_wait3A_1287 = arith.constant 0 : i32
    %dma_wait3A_1288 = tpu.memref_slice %arg5[%dma_wait3A_1281, %dma_wait3A_1287] : memref<32x16xi32, #tpu.memory_space<vmem>> -> memref<1x16xi32, #tpu.memory_space<vmem>>
    %dma_wait3A_1289 = tpu.memref_squeeze %dma_wait3A_1288 : memref<1x16xi32, #tpu.memory_space<vmem>> -> memref<16xi32, #tpu.memory_space<vmem>>
    %dma_wait3A_1290 = arith.constant 0 : i32
    %dma_wait3A_1291 = arith.constant 0 : i32
    %dma_wait3A_1292 = tpu.memref_slice %arg3[%dma_wait3A_1290, %dma_wait3A_1291] : memref<100000x1024xf32, #tpu.memory_space<hbm>> -> memref<100000x1024xf32, #tpu.memory_space<hbm>>
    tpu.wait_indirect_dma semaphore(%arg9 : memref<!tpu.dma_semaphore, #tpu.memory_space<semaphore_mem>>) src(%dma_wait3A_1292 : memref<100000x1024xf32, #tpu.memory_space<hbm>>) dst(%dma_wait3A_1286 : memref<16x1024xf32, #tpu.memory_space<vmem>>)
    %add3A_1293 = arith.constant 368 : i32
    %add3A_1294 = arith.addi %mul3A_2, %add3A_1293 : i32
    %dma_start3A_1295 = arith.constant 2 : i32
    %dma_start3A_1296 = arith.constant 0 : i32
    %dma_start3A_1297 = arith.constant 0 : i32
    %dma_start3A_1298 = tpu.memref_slice %arg6[%dma_start3A_1295, %dma_start3A_1296, %dma_start3A_1297] : memref<7x16x1024xf32, #tpu.memory_space<vmem>> -> memref<1x16x1024xf32, #tpu.memory_space<vmem>>
    %dma_start3A_1299 = tpu.memref_squeeze %dma_start3A_1298 : memref<1x16x1024xf32, #tpu.memory_space<vmem>> -> memref<16x1024xf32, #tpu.memory_space<vmem>>
    %dma_start3A_1300 = arith.constant 0 : i32
    %dma_start3A_1301 = tpu.memref_slice %arg4[%add3A_1294, %dma_start3A_1300] : memref<16384x1024xf32, #tpu.memory_space<hbm>> -> memref<16x1024xf32, #tpu.memory_space<hbm>>
    %dma_start3A_1302 = arith.constant 0 : i32
    %dma_start3A_1303 = tpu.memref_slice %arg4[%add3A_1294, %dma_start3A_1302] : memref<16384x1024xf32, #tpu.memory_space<hbm>> -> memref<16x1024xf32, #tpu.memory_space<hbm>>
    %dma_start3A_1304 = arith.constant 0 : i32
    %dma_start3A_1305 = arith.constant 0 : i32
    %dma_start3A_1306 = tpu.memref_slice %arg6[%dma_start3A_1295, %dma_start3A_1304, %dma_start3A_1305] : memref<7x16x1024xf32, #tpu.memory_space<vmem>> -> memref<1x16x1024xf32, #tpu.memory_space<vmem>>
    %dma_start3A_1307 = tpu.memref_squeeze %dma_start3A_1306 : memref<1x16x1024xf32, #tpu.memory_space<vmem>> -> memref<16x1024xf32, #tpu.memory_space<vmem>>
    tpu.enqueue_dma source(%dma_start3A_1307 : memref<16x1024xf32, #tpu.memory_space<vmem>>) target(%dma_start3A_1303 : memref<16x1024xf32, #tpu.memory_space<hbm>>) target_semaphore(%arg16 : memref<!tpu.dma_semaphore, #tpu.memory_space<semaphore_mem>>)
    %dma_wait3A_1308 = arith.constant 2 : i32
    %dma_wait3A_1309 = arith.constant 0 : i32
    %dma_wait3A_1310 = arith.constant 0 : i32
    %dma_wait3A_1311 = tpu.memref_slice %arg6[%dma_wait3A_1308, %dma_wait3A_1309, %dma_wait3A_1310] : memref<7x16x1024xf32, #tpu.memory_space<vmem>> -> memref<1x16x1024xf32, #tpu.memory_space<vmem>>
    %dma_wait3A_1312 = tpu.memref_squeeze %dma_wait3A_1311 : memref<1x16x1024xf32, #tpu.memory_space<vmem>> -> memref<16x1024xf32, #tpu.memory_space<vmem>>
    %dma_wait3A_1313 = arith.constant 0 : i32
    %dma_wait3A_1314 = tpu.memref_slice %arg4[%add3A_1294, %dma_wait3A_1313] : memref<16384x1024xf32, #tpu.memory_space<hbm>> -> memref<16x1024xf32, #tpu.memory_space<hbm>>
    %dma_wait3A_1315 = arith.constant 0 : i32
    %dma_wait3A_1316 = tpu.memref_slice %arg4[%add3A_1294, %dma_wait3A_1315] : memref<16384x1024xf32, #tpu.memory_space<hbm>> -> memref<16x1024xf32, #tpu.memory_space<hbm>>
    %dma_wait3A_1317 = arith.constant 0 : i32
    %dma_wait3A_1318 = arith.constant 0 : i32
    %dma_wait3A_1319 = tpu.memref_slice %arg6[%dma_wait3A_1308, %dma_wait3A_1317, %dma_wait3A_1318] : memref<7x16x1024xf32, #tpu.memory_space<vmem>> -> memref<1x16x1024xf32, #tpu.memory_space<vmem>>
    %dma_wait3A_1320 = tpu.memref_squeeze %dma_wait3A_1319 : memref<1x16x1024xf32, #tpu.memory_space<vmem>> -> memref<16x1024xf32, #tpu.memory_space<vmem>>
    tpu.wait_dma2 semaphore(%arg16 : memref<!tpu.dma_semaphore, #tpu.memory_space<semaphore_mem>>) src(%dma_wait3A_1320 : memref<16x1024xf32, #tpu.memory_space<vmem>>) dst(%dma_wait3A_1316 : memref<16x1024xf32, #tpu.memory_space<hbm>>)
    %dma_start3A_1321 = arith.constant 30 : i32
    %dma_start3A_1322 = arith.constant 2 : i32
    %dma_start3A_1323 = arith.constant 0 : i32
    %dma_start3A_1324 = arith.constant 0 : i32
    %dma_start3A_1325 = tpu.memref_slice %arg6[%dma_start3A_1322, %dma_start3A_1323, %dma_start3A_1324] : memref<7x16x1024xf32, #tpu.memory_space<vmem>> -> memref<1x16x1024xf32, #tpu.memory_space<vmem>>
    %dma_start3A_1326 = tpu.memref_squeeze %dma_start3A_1325 : memref<1x16x1024xf32, #tpu.memory_space<vmem>> -> memref<16x1024xf32, #tpu.memory_space<vmem>>
    %dma_start3A_1327 = arith.constant 0 : i32
    %dma_start3A_1328 = tpu.memref_slice %arg5[%dma_start3A_1321, %dma_start3A_1327] : memref<32x16xi32, #tpu.memory_space<vmem>> -> memref<1x16xi32, #tpu.memory_space<vmem>>
    %dma_start3A_1329 = tpu.memref_squeeze %dma_start3A_1328 : memref<1x16xi32, #tpu.memory_space<vmem>> -> memref<16xi32, #tpu.memory_space<vmem>>
    %dma_start3A_1330 = arith.constant 0 : i32
    %dma_start3A_1331 = arith.constant 0 : i32
    %dma_start3A_1332 = tpu.memref_slice %arg3[%dma_start3A_1330, %dma_start3A_1331] : memref<100000x1024xf32, #tpu.memory_space<hbm>> -> memref<100000x1024xf32, #tpu.memory_space<hbm>>
    tpu.enqueue_indirect_dma source(%dma_start3A_1332 : memref<100000x1024xf32, #tpu.memory_space<hbm>>) target(%dma_start3A_1326 : memref<16x1024xf32, #tpu.memory_space<vmem>>) offsets(%dma_start3A_1329 : memref<16xi32, #tpu.memory_space<vmem>>) semaphore(%arg9 : memref<!tpu.dma_semaphore, #tpu.memory_space<semaphore_mem>>)
    %dma_wait3A_1333 = arith.constant 24 : i32
    %dma_wait3A_1334 = arith.constant 3 : i32
    %dma_wait3A_1335 = arith.constant 0 : i32
    %dma_wait3A_1336 = arith.constant 0 : i32
    %dma_wait3A_1337 = tpu.memref_slice %arg6[%dma_wait3A_1334, %dma_wait3A_1335, %dma_wait3A_1336] : memref<7x16x1024xf32, #tpu.memory_space<vmem>> -> memref<1x16x1024xf32, #tpu.memory_space<vmem>>
    %dma_wait3A_1338 = tpu.memref_squeeze %dma_wait3A_1337 : memref<1x16x1024xf32, #tpu.memory_space<vmem>> -> memref<16x1024xf32, #tpu.memory_space<vmem>>
    %dma_wait3A_1339 = arith.constant 0 : i32
    %dma_wait3A_1340 = tpu.memref_slice %arg5[%dma_wait3A_1333, %dma_wait3A_1339] : memref<32x16xi32, #tpu.memory_space<vmem>> -> memref<1x16xi32, #tpu.memory_space<vmem>>
    %dma_wait3A_1341 = tpu.memref_squeeze %dma_wait3A_1340 : memref<1x16xi32, #tpu.memory_space<vmem>> -> memref<16xi32, #tpu.memory_space<vmem>>
    %dma_wait3A_1342 = arith.constant 0 : i32
    %dma_wait3A_1343 = arith.constant 0 : i32
    %dma_wait3A_1344 = tpu.memref_slice %arg3[%dma_wait3A_1342, %dma_wait3A_1343] : memref<100000x1024xf32, #tpu.memory_space<hbm>> -> memref<100000x1024xf32, #tpu.memory_space<hbm>>
    tpu.wait_indirect_dma semaphore(%arg10 : memref<!tpu.dma_semaphore, #tpu.memory_space<semaphore_mem>>) src(%dma_wait3A_1344 : memref<100000x1024xf32, #tpu.memory_space<hbm>>) dst(%dma_wait3A_1338 : memref<16x1024xf32, #tpu.memory_space<vmem>>)
    %add3A_1345 = arith.constant 384 : i32
    %add3A_1346 = arith.addi %mul3A_2, %add3A_1345 : i32
    %dma_start3A_1347 = arith.constant 3 : i32
    %dma_start3A_1348 = arith.constant 0 : i32
    %dma_start3A_1349 = arith.constant 0 : i32
    %dma_start3A_1350 = tpu.memref_slice %arg6[%dma_start3A_1347, %dma_start3A_1348, %dma_start3A_1349] : memref<7x16x1024xf32, #tpu.memory_space<vmem>> -> memref<1x16x1024xf32, #tpu.memory_space<vmem>>
    %dma_start3A_1351 = tpu.memref_squeeze %dma_start3A_1350 : memref<1x16x1024xf32, #tpu.memory_space<vmem>> -> memref<16x1024xf32, #tpu.memory_space<vmem>>
    %dma_start3A_1352 = arith.constant 0 : i32
    %dma_start3A_1353 = tpu.memref_slice %arg4[%add3A_1346, %dma_start3A_1352] : memref<16384x1024xf32, #tpu.memory_space<hbm>> -> memref<16x1024xf32, #tpu.memory_space<hbm>>
    %dma_start3A_1354 = arith.constant 0 : i32
    %dma_start3A_1355 = tpu.memref_slice %arg4[%add3A_1346, %dma_start3A_1354] : memref<16384x1024xf32, #tpu.memory_space<hbm>> -> memref<16x1024xf32, #tpu.memory_space<hbm>>
    %dma_start3A_1356 = arith.constant 0 : i32
    %dma_start3A_1357 = arith.constant 0 : i32
    %dma_start3A_1358 = tpu.memref_slice %arg6[%dma_start3A_1347, %dma_start3A_1356, %dma_start3A_1357] : memref<7x16x1024xf32, #tpu.memory_space<vmem>> -> memref<1x16x1024xf32, #tpu.memory_space<vmem>>
    %dma_start3A_1359 = tpu.memref_squeeze %dma_start3A_1358 : memref<1x16x1024xf32, #tpu.memory_space<vmem>> -> memref<16x1024xf32, #tpu.memory_space<vmem>>
    tpu.enqueue_dma source(%dma_start3A_1359 : memref<16x1024xf32, #tpu.memory_space<vmem>>) target(%dma_start3A_1355 : memref<16x1024xf32, #tpu.memory_space<hbm>>) target_semaphore(%arg17 : memref<!tpu.dma_semaphore, #tpu.memory_space<semaphore_mem>>)
    %dma_wait3A_1360 = arith.constant 3 : i32
    %dma_wait3A_1361 = arith.constant 0 : i32
    %dma_wait3A_1362 = arith.constant 0 : i32
    %dma_wait3A_1363 = tpu.memref_slice %arg6[%dma_wait3A_1360, %dma_wait3A_1361, %dma_wait3A_1362] : memref<7x16x1024xf32, #tpu.memory_space<vmem>> -> memref<1x16x1024xf32, #tpu.memory_space<vmem>>
    %dma_wait3A_1364 = tpu.memref_squeeze %dma_wait3A_1363 : memref<1x16x1024xf32, #tpu.memory_space<vmem>> -> memref<16x1024xf32, #tpu.memory_space<vmem>>
    %dma_wait3A_1365 = arith.constant 0 : i32
    %dma_wait3A_1366 = tpu.memref_slice %arg4[%add3A_1346, %dma_wait3A_1365] : memref<16384x1024xf32, #tpu.memory_space<hbm>> -> memref<16x1024xf32, #tpu.memory_space<hbm>>
    %dma_wait3A_1367 = arith.constant 0 : i32
    %dma_wait3A_1368 = tpu.memref_slice %arg4[%add3A_1346, %dma_wait3A_1367] : memref<16384x1024xf32, #tpu.memory_space<hbm>> -> memref<16x1024xf32, #tpu.memory_space<hbm>>
    %dma_wait3A_1369 = arith.constant 0 : i32
    %dma_wait3A_1370 = arith.constant 0 : i32
    %dma_wait3A_1371 = tpu.memref_slice %arg6[%dma_wait3A_1360, %dma_wait3A_1369, %dma_wait3A_1370] : memref<7x16x1024xf32, #tpu.memory_space<vmem>> -> memref<1x16x1024xf32, #tpu.memory_space<vmem>>
    %dma_wait3A_1372 = tpu.memref_squeeze %dma_wait3A_1371 : memref<1x16x1024xf32, #tpu.memory_space<vmem>> -> memref<16x1024xf32, #tpu.memory_space<vmem>>
    tpu.wait_dma2 semaphore(%arg17 : memref<!tpu.dma_semaphore, #tpu.memory_space<semaphore_mem>>) src(%dma_wait3A_1372 : memref<16x1024xf32, #tpu.memory_space<vmem>>) dst(%dma_wait3A_1368 : memref<16x1024xf32, #tpu.memory_space<hbm>>)
    %dma_start3A_1373 = arith.constant 31 : i32
    %dma_start3A_1374 = arith.constant 3 : i32
    %dma_start3A_1375 = arith.constant 0 : i32
    %dma_start3A_1376 = arith.constant 0 : i32
    %dma_start3A_1377 = tpu.memref_slice %arg6[%dma_start3A_1374, %dma_start3A_1375, %dma_start3A_1376] : memref<7x16x1024xf32, #tpu.memory_space<vmem>> -> memref<1x16x1024xf32, #tpu.memory_space<vmem>>
    %dma_start3A_1378 = tpu.memref_squeeze %dma_start3A_1377 : memref<1x16x1024xf32, #tpu.memory_space<vmem>> -> memref<16x1024xf32, #tpu.memory_space<vmem>>
    %dma_start3A_1379 = arith.constant 0 : i32
    %dma_start3A_1380 = tpu.memref_slice %arg5[%dma_start3A_1373, %dma_start3A_1379] : memref<32x16xi32, #tpu.memory_space<vmem>> -> memref<1x16xi32, #tpu.memory_space<vmem>>
    %dma_start3A_1381 = tpu.memref_squeeze %dma_start3A_1380 : memref<1x16xi32, #tpu.memory_space<vmem>> -> memref<16xi32, #tpu.memory_space<vmem>>
    %dma_start3A_1382 = arith.constant 0 : i32
    %dma_start3A_1383 = arith.constant 0 : i32
    %dma_start3A_1384 = tpu.memref_slice %arg3[%dma_start3A_1382, %dma_start3A_1383] : memref<100000x1024xf32, #tpu.memory_space<hbm>> -> memref<100000x1024xf32, #tpu.memory_space<hbm>>
    tpu.enqueue_indirect_dma source(%dma_start3A_1384 : memref<100000x1024xf32, #tpu.memory_space<hbm>>) target(%dma_start3A_1378 : memref<16x1024xf32, #tpu.memory_space<vmem>>) offsets(%dma_start3A_1381 : memref<16xi32, #tpu.memory_space<vmem>>) semaphore(%arg10 : memref<!tpu.dma_semaphore, #tpu.memory_space<semaphore_mem>>)
    %dma_wait3A_1385 = arith.constant 25 : i32
    %dma_wait3A_1386 = arith.constant 4 : i32
    %dma_wait3A_1387 = arith.constant 0 : i32
    %dma_wait3A_1388 = arith.constant 0 : i32
    %dma_wait3A_1389 = tpu.memref_slice %arg6[%dma_wait3A_1386, %dma_wait3A_1387, %dma_wait3A_1388] : memref<7x16x1024xf32, #tpu.memory_space<vmem>> -> memref<1x16x1024xf32, #tpu.memory_space<vmem>>
    %dma_wait3A_1390 = tpu.memref_squeeze %dma_wait3A_1389 : memref<1x16x1024xf32, #tpu.memory_space<vmem>> -> memref<16x1024xf32, #tpu.memory_space<vmem>>
    %dma_wait3A_1391 = arith.constant 0 : i32
    %dma_wait3A_1392 = tpu.memref_slice %arg5[%dma_wait3A_1385, %dma_wait3A_1391] : memref<32x16xi32, #tpu.memory_space<vmem>> -> memref<1x16xi32, #tpu.memory_space<vmem>>
    %dma_wait3A_1393 = tpu.memref_squeeze %dma_wait3A_1392 : memref<1x16xi32, #tpu.memory_space<vmem>> -> memref<16xi32, #tpu.memory_space<vmem>>
    %dma_wait3A_1394 = arith.constant 0 : i32
    %dma_wait3A_1395 = arith.constant 0 : i32
    %dma_wait3A_1396 = tpu.memref_slice %arg3[%dma_wait3A_1394, %dma_wait3A_1395] : memref<100000x1024xf32, #tpu.memory_space<hbm>> -> memref<100000x1024xf32, #tpu.memory_space<hbm>>
    tpu.wait_indirect_dma semaphore(%arg11 : memref<!tpu.dma_semaphore, #tpu.memory_space<semaphore_mem>>) src(%dma_wait3A_1396 : memref<100000x1024xf32, #tpu.memory_space<hbm>>) dst(%dma_wait3A_1390 : memref<16x1024xf32, #tpu.memory_space<vmem>>)
    %add3A_1397 = arith.constant 400 : i32
    %add3A_1398 = arith.addi %mul3A_2, %add3A_1397 : i32
    %dma_start3A_1399 = arith.constant 4 : i32
    %dma_start3A_1400 = arith.constant 0 : i32
    %dma_start3A_1401 = arith.constant 0 : i32
    %dma_start3A_1402 = tpu.memref_slice %arg6[%dma_start3A_1399, %dma_start3A_1400, %dma_start3A_1401] : memref<7x16x1024xf32, #tpu.memory_space<vmem>> -> memref<1x16x1024xf32, #tpu.memory_space<vmem>>
    %dma_start3A_1403 = tpu.memref_squeeze %dma_start3A_1402 : memref<1x16x1024xf32, #tpu.memory_space<vmem>> -> memref<16x1024xf32, #tpu.memory_space<vmem>>
    %dma_start3A_1404 = arith.constant 0 : i32
    %dma_start3A_1405 = tpu.memref_slice %arg4[%add3A_1398, %dma_start3A_1404] : memref<16384x1024xf32, #tpu.memory_space<hbm>> -> memref<16x1024xf32, #tpu.memory_space<hbm>>
    %dma_start3A_1406 = arith.constant 0 : i32
    %dma_start3A_1407 = tpu.memref_slice %arg4[%add3A_1398, %dma_start3A_1406] : memref<16384x1024xf32, #tpu.memory_space<hbm>> -> memref<16x1024xf32, #tpu.memory_space<hbm>>
    %dma_start3A_1408 = arith.constant 0 : i32
    %dma_start3A_1409 = arith.constant 0 : i32
    %dma_start3A_1410 = tpu.memref_slice %arg6[%dma_start3A_1399, %dma_start3A_1408, %dma_start3A_1409] : memref<7x16x1024xf32, #tpu.memory_space<vmem>> -> memref<1x16x1024xf32, #tpu.memory_space<vmem>>
    %dma_start3A_1411 = tpu.memref_squeeze %dma_start3A_1410 : memref<1x16x1024xf32, #tpu.memory_space<vmem>> -> memref<16x1024xf32, #tpu.memory_space<vmem>>
    tpu.enqueue_dma source(%dma_start3A_1411 : memref<16x1024xf32, #tpu.memory_space<vmem>>) target(%dma_start3A_1407 : memref<16x1024xf32, #tpu.memory_space<hbm>>) target_semaphore(%arg18 : memref<!tpu.dma_semaphore, #tpu.memory_space<semaphore_mem>>)
    %dma_wait3A_1412 = arith.constant 26 : i32
    %dma_wait3A_1413 = arith.constant 5 : i32
    %dma_wait3A_1414 = arith.constant 0 : i32
    %dma_wait3A_1415 = arith.constant 0 : i32
    %dma_wait3A_1416 = tpu.memref_slice %arg6[%dma_wait3A_1413, %dma_wait3A_1414, %dma_wait3A_1415] : memref<7x16x1024xf32, #tpu.memory_space<vmem>> -> memref<1x16x1024xf32, #tpu.memory_space<vmem>>
    %dma_wait3A_1417 = tpu.memref_squeeze %dma_wait3A_1416 : memref<1x16x1024xf32, #tpu.memory_space<vmem>> -> memref<16x1024xf32, #tpu.memory_space<vmem>>
    %dma_wait3A_1418 = arith.constant 0 : i32
    %dma_wait3A_1419 = tpu.memref_slice %arg5[%dma_wait3A_1412, %dma_wait3A_1418] : memref<32x16xi32, #tpu.memory_space<vmem>> -> memref<1x16xi32, #tpu.memory_space<vmem>>
    %dma_wait3A_1420 = tpu.memref_squeeze %dma_wait3A_1419 : memref<1x16xi32, #tpu.memory_space<vmem>> -> memref<16xi32, #tpu.memory_space<vmem>>
    %dma_wait3A_1421 = arith.constant 0 : i32
    %dma_wait3A_1422 = arith.constant 0 : i32
    %dma_wait3A_1423 = tpu.memref_slice %arg3[%dma_wait3A_1421, %dma_wait3A_1422] : memref<100000x1024xf32, #tpu.memory_space<hbm>> -> memref<100000x1024xf32, #tpu.memory_space<hbm>>
    tpu.wait_indirect_dma semaphore(%arg12 : memref<!tpu.dma_semaphore, #tpu.memory_space<semaphore_mem>>) src(%dma_wait3A_1423 : memref<100000x1024xf32, #tpu.memory_space<hbm>>) dst(%dma_wait3A_1417 : memref<16x1024xf32, #tpu.memory_space<vmem>>)
    %add3A_1424 = arith.constant 416 : i32
    %add3A_1425 = arith.addi %mul3A_2, %add3A_1424 : i32
    %dma_start3A_1426 = arith.constant 5 : i32
    %dma_start3A_1427 = arith.constant 0 : i32
    %dma_start3A_1428 = arith.constant 0 : i32
    %dma_start3A_1429 = tpu.memref_slice %arg6[%dma_start3A_1426, %dma_start3A_1427, %dma_start3A_1428] : memref<7x16x1024xf32, #tpu.memory_space<vmem>> -> memref<1x16x1024xf32, #tpu.memory_space<vmem>>
    %dma_start3A_1430 = tpu.memref_squeeze %dma_start3A_1429 : memref<1x16x1024xf32, #tpu.memory_space<vmem>> -> memref<16x1024xf32, #tpu.memory_space<vmem>>
    %dma_start3A_1431 = arith.constant 0 : i32
    %dma_start3A_1432 = tpu.memref_slice %arg4[%add3A_1425, %dma_start3A_1431] : memref<16384x1024xf32, #tpu.memory_space<hbm>> -> memref<16x1024xf32, #tpu.memory_space<hbm>>
    %dma_start3A_1433 = arith.constant 0 : i32
    %dma_start3A_1434 = tpu.memref_slice %arg4[%add3A_1425, %dma_start3A_1433] : memref<16384x1024xf32, #tpu.memory_space<hbm>> -> memref<16x1024xf32, #tpu.memory_space<hbm>>
    %dma_start3A_1435 = arith.constant 0 : i32
    %dma_start3A_1436 = arith.constant 0 : i32
    %dma_start3A_1437 = tpu.memref_slice %arg6[%dma_start3A_1426, %dma_start3A_1435, %dma_start3A_1436] : memref<7x16x1024xf32, #tpu.memory_space<vmem>> -> memref<1x16x1024xf32, #tpu.memory_space<vmem>>
    %dma_start3A_1438 = tpu.memref_squeeze %dma_start3A_1437 : memref<1x16x1024xf32, #tpu.memory_space<vmem>> -> memref<16x1024xf32, #tpu.memory_space<vmem>>
    tpu.enqueue_dma source(%dma_start3A_1438 : memref<16x1024xf32, #tpu.memory_space<vmem>>) target(%dma_start3A_1434 : memref<16x1024xf32, #tpu.memory_space<hbm>>) target_semaphore(%arg19 : memref<!tpu.dma_semaphore, #tpu.memory_space<semaphore_mem>>)
    %dma_wait3A_1439 = arith.constant 27 : i32
    %dma_wait3A_1440 = arith.constant 6 : i32
    %dma_wait3A_1441 = arith.constant 0 : i32
    %dma_wait3A_1442 = arith.constant 0 : i32
    %dma_wait3A_1443 = tpu.memref_slice %arg6[%dma_wait3A_1440, %dma_wait3A_1441, %dma_wait3A_1442] : memref<7x16x1024xf32, #tpu.memory_space<vmem>> -> memref<1x16x1024xf32, #tpu.memory_space<vmem>>
    %dma_wait3A_1444 = tpu.memref_squeeze %dma_wait3A_1443 : memref<1x16x1024xf32, #tpu.memory_space<vmem>> -> memref<16x1024xf32, #tpu.memory_space<vmem>>
    %dma_wait3A_1445 = arith.constant 0 : i32
    %dma_wait3A_1446 = tpu.memref_slice %arg5[%dma_wait3A_1439, %dma_wait3A_1445] : memref<32x16xi32, #tpu.memory_space<vmem>> -> memref<1x16xi32, #tpu.memory_space<vmem>>
    %dma_wait3A_1447 = tpu.memref_squeeze %dma_wait3A_1446 : memref<1x16xi32, #tpu.memory_space<vmem>> -> memref<16xi32, #tpu.memory_space<vmem>>
    %dma_wait3A_1448 = arith.constant 0 : i32
    %dma_wait3A_1449 = arith.constant 0 : i32
    %dma_wait3A_1450 = tpu.memref_slice %arg3[%dma_wait3A_1448, %dma_wait3A_1449] : memref<100000x1024xf32, #tpu.memory_space<hbm>> -> memref<100000x1024xf32, #tpu.memory_space<hbm>>
    tpu.wait_indirect_dma semaphore(%arg13 : memref<!tpu.dma_semaphore, #tpu.memory_space<semaphore_mem>>) src(%dma_wait3A_1450 : memref<100000x1024xf32, #tpu.memory_space<hbm>>) dst(%dma_wait3A_1444 : memref<16x1024xf32, #tpu.memory_space<vmem>>)
    %add3A_1451 = arith.constant 432 : i32
    %add3A_1452 = arith.addi %mul3A_2, %add3A_1451 : i32
    %dma_start3A_1453 = arith.constant 6 : i32
    %dma_start3A_1454 = arith.constant 0 : i32
    %dma_start3A_1455 = arith.constant 0 : i32
    %dma_start3A_1456 = tpu.memref_slice %arg6[%dma_start3A_1453, %dma_start3A_1454, %dma_start3A_1455] : memref<7x16x1024xf32, #tpu.memory_space<vmem>> -> memref<1x16x1024xf32, #tpu.memory_space<vmem>>
    %dma_start3A_1457 = tpu.memref_squeeze %dma_start3A_1456 : memref<1x16x1024xf32, #tpu.memory_space<vmem>> -> memref<16x1024xf32, #tpu.memory_space<vmem>>
    %dma_start3A_1458 = arith.constant 0 : i32
    %dma_start3A_1459 = tpu.memref_slice %arg4[%add3A_1452, %dma_start3A_1458] : memref<16384x1024xf32, #tpu.memory_space<hbm>> -> memref<16x1024xf32, #tpu.memory_space<hbm>>
    %dma_start3A_1460 = arith.constant 0 : i32
    %dma_start3A_1461 = tpu.memref_slice %arg4[%add3A_1452, %dma_start3A_1460] : memref<16384x1024xf32, #tpu.memory_space<hbm>> -> memref<16x1024xf32, #tpu.memory_space<hbm>>
    %dma_start3A_1462 = arith.constant 0 : i32
    %dma_start3A_1463 = arith.constant 0 : i32
    %dma_start3A_1464 = tpu.memref_slice %arg6[%dma_start3A_1453, %dma_start3A_1462, %dma_start3A_1463] : memref<7x16x1024xf32, #tpu.memory_space<vmem>> -> memref<1x16x1024xf32, #tpu.memory_space<vmem>>
    %dma_start3A_1465 = tpu.memref_squeeze %dma_start3A_1464 : memref<1x16x1024xf32, #tpu.memory_space<vmem>> -> memref<16x1024xf32, #tpu.memory_space<vmem>>
    tpu.enqueue_dma source(%dma_start3A_1465 : memref<16x1024xf32, #tpu.memory_space<vmem>>) target(%dma_start3A_1461 : memref<16x1024xf32, #tpu.memory_space<hbm>>) target_semaphore(%arg20 : memref<!tpu.dma_semaphore, #tpu.memory_space<semaphore_mem>>)
    %dma_wait3A_1466 = arith.constant 28 : i32
    %dma_wait3A_1467 = arith.constant 0 : i32
    %dma_wait3A_1468 = arith.constant 0 : i32
    %dma_wait3A_1469 = arith.constant 0 : i32
    %dma_wait3A_1470 = tpu.memref_slice %arg6[%dma_wait3A_1467, %dma_wait3A_1468, %dma_wait3A_1469] : memref<7x16x1024xf32, #tpu.memory_space<vmem>> -> memref<1x16x1024xf32, #tpu.memory_space<vmem>>
    %dma_wait3A_1471 = tpu.memref_squeeze %dma_wait3A_1470 : memref<1x16x1024xf32, #tpu.memory_space<vmem>> -> memref<16x1024xf32, #tpu.memory_space<vmem>>
    %dma_wait3A_1472 = arith.constant 0 : i32
    %dma_wait3A_1473 = tpu.memref_slice %arg5[%dma_wait3A_1466, %dma_wait3A_1472] : memref<32x16xi32, #tpu.memory_space<vmem>> -> memref<1x16xi32, #tpu.memory_space<vmem>>
    %dma_wait3A_1474 = tpu.memref_squeeze %dma_wait3A_1473 : memref<1x16xi32, #tpu.memory_space<vmem>> -> memref<16xi32, #tpu.memory_space<vmem>>
    %dma_wait3A_1475 = arith.constant 0 : i32
    %dma_wait3A_1476 = arith.constant 0 : i32
    %dma_wait3A_1477 = tpu.memref_slice %arg3[%dma_wait3A_1475, %dma_wait3A_1476] : memref<100000x1024xf32, #tpu.memory_space<hbm>> -> memref<100000x1024xf32, #tpu.memory_space<hbm>>
    tpu.wait_indirect_dma semaphore(%arg7 : memref<!tpu.dma_semaphore, #tpu.memory_space<semaphore_mem>>) src(%dma_wait3A_1477 : memref<100000x1024xf32, #tpu.memory_space<hbm>>) dst(%dma_wait3A_1471 : memref<16x1024xf32, #tpu.memory_space<vmem>>)
    %add3A_1478 = arith.constant 448 : i32
    %add3A_1479 = arith.addi %mul3A_2, %add3A_1478 : i32
    %dma_start3A_1480 = arith.constant 0 : i32
    %dma_start3A_1481 = arith.constant 0 : i32
    %dma_start3A_1482 = arith.constant 0 : i32
    %dma_start3A_1483 = tpu.memref_slice %arg6[%dma_start3A_1480, %dma_start3A_1481, %dma_start3A_1482] : memref<7x16x1024xf32, #tpu.memory_space<vmem>> -> memref<1x16x1024xf32, #tpu.memory_space<vmem>>
    %dma_start3A_1484 = tpu.memref_squeeze %dma_start3A_1483 : memref<1x16x1024xf32, #tpu.memory_space<vmem>> -> memref<16x1024xf32, #tpu.memory_space<vmem>>
    %dma_start3A_1485 = arith.constant 0 : i32
    %dma_start3A_1486 = tpu.memref_slice %arg4[%add3A_1479, %dma_start3A_1485] : memref<16384x1024xf32, #tpu.memory_space<hbm>> -> memref<16x1024xf32, #tpu.memory_space<hbm>>
    %dma_start3A_1487 = arith.constant 0 : i32
    %dma_start3A_1488 = tpu.memref_slice %arg4[%add3A_1479, %dma_start3A_1487] : memref<16384x1024xf32, #tpu.memory_space<hbm>> -> memref<16x1024xf32, #tpu.memory_space<hbm>>
    %dma_start3A_1489 = arith.constant 0 : i32
    %dma_start3A_1490 = arith.constant 0 : i32
    %dma_start3A_1491 = tpu.memref_slice %arg6[%dma_start3A_1480, %dma_start3A_1489, %dma_start3A_1490] : memref<7x16x1024xf32, #tpu.memory_space<vmem>> -> memref<1x16x1024xf32, #tpu.memory_space<vmem>>
    %dma_start3A_1492 = tpu.memref_squeeze %dma_start3A_1491 : memref<1x16x1024xf32, #tpu.memory_space<vmem>> -> memref<16x1024xf32, #tpu.memory_space<vmem>>
    tpu.enqueue_dma source(%dma_start3A_1492 : memref<16x1024xf32, #tpu.memory_space<vmem>>) target(%dma_start3A_1488 : memref<16x1024xf32, #tpu.memory_space<hbm>>) target_semaphore(%arg14 : memref<!tpu.dma_semaphore, #tpu.memory_space<semaphore_mem>>)
    %dma_wait3A_1493 = arith.constant 29 : i32
    %dma_wait3A_1494 = arith.constant 1 : i32
    %dma_wait3A_1495 = arith.constant 0 : i32
    %dma_wait3A_1496 = arith.constant 0 : i32
    %dma_wait3A_1497 = tpu.memref_slice %arg6[%dma_wait3A_1494, %dma_wait3A_1495, %dma_wait3A_1496] : memref<7x16x1024xf32, #tpu.memory_space<vmem>> -> memref<1x16x1024xf32, #tpu.memory_space<vmem>>
    %dma_wait3A_1498 = tpu.memref_squeeze %dma_wait3A_1497 : memref<1x16x1024xf32, #tpu.memory_space<vmem>> -> memref<16x1024xf32, #tpu.memory_space<vmem>>
    %dma_wait3A_1499 = arith.constant 0 : i32
    %dma_wait3A_1500 = tpu.memref_slice %arg5[%dma_wait3A_1493, %dma_wait3A_1499] : memref<32x16xi32, #tpu.memory_space<vmem>> -> memref<1x16xi32, #tpu.memory_space<vmem>>
    %dma_wait3A_1501 = tpu.memref_squeeze %dma_wait3A_1500 : memref<1x16xi32, #tpu.memory_space<vmem>> -> memref<16xi32, #tpu.memory_space<vmem>>
    %dma_wait3A_1502 = arith.constant 0 : i32
    %dma_wait3A_1503 = arith.constant 0 : i32
    %dma_wait3A_1504 = tpu.memref_slice %arg3[%dma_wait3A_1502, %dma_wait3A_1503] : memref<100000x1024xf32, #tpu.memory_space<hbm>> -> memref<100000x1024xf32, #tpu.memory_space<hbm>>
    tpu.wait_indirect_dma semaphore(%arg8 : memref<!tpu.dma_semaphore, #tpu.memory_space<semaphore_mem>>) src(%dma_wait3A_1504 : memref<100000x1024xf32, #tpu.memory_space<hbm>>) dst(%dma_wait3A_1498 : memref<16x1024xf32, #tpu.memory_space<vmem>>)
    %add3A_1505 = arith.constant 464 : i32
    %add3A_1506 = arith.addi %mul3A_2, %add3A_1505 : i32
    %dma_start3A_1507 = arith.constant 1 : i32
    %dma_start3A_1508 = arith.constant 0 : i32
    %dma_start3A_1509 = arith.constant 0 : i32
    %dma_start3A_1510 = tpu.memref_slice %arg6[%dma_start3A_1507, %dma_start3A_1508, %dma_start3A_1509] : memref<7x16x1024xf32, #tpu.memory_space<vmem>> -> memref<1x16x1024xf32, #tpu.memory_space<vmem>>
    %dma_start3A_1511 = tpu.memref_squeeze %dma_start3A_1510 : memref<1x16x1024xf32, #tpu.memory_space<vmem>> -> memref<16x1024xf32, #tpu.memory_space<vmem>>
    %dma_start3A_1512 = arith.constant 0 : i32
    %dma_start3A_1513 = tpu.memref_slice %arg4[%add3A_1506, %dma_start3A_1512] : memref<16384x1024xf32, #tpu.memory_space<hbm>> -> memref<16x1024xf32, #tpu.memory_space<hbm>>
    %dma_start3A_1514 = arith.constant 0 : i32
    %dma_start3A_1515 = tpu.memref_slice %arg4[%add3A_1506, %dma_start3A_1514] : memref<16384x1024xf32, #tpu.memory_space<hbm>> -> memref<16x1024xf32, #tpu.memory_space<hbm>>
    %dma_start3A_1516 = arith.constant 0 : i32
    %dma_start3A_1517 = arith.constant 0 : i32
    %dma_start3A_1518 = tpu.memref_slice %arg6[%dma_start3A_1507, %dma_start3A_1516, %dma_start3A_1517] : memref<7x16x1024xf32, #tpu.memory_space<vmem>> -> memref<1x16x1024xf32, #tpu.memory_space<vmem>>
    %dma_start3A_1519 = tpu.memref_squeeze %dma_start3A_1518 : memref<1x16x1024xf32, #tpu.memory_space<vmem>> -> memref<16x1024xf32, #tpu.memory_space<vmem>>
    tpu.enqueue_dma source(%dma_start3A_1519 : memref<16x1024xf32, #tpu.memory_space<vmem>>) target(%dma_start3A_1515 : memref<16x1024xf32, #tpu.memory_space<hbm>>) target_semaphore(%arg15 : memref<!tpu.dma_semaphore, #tpu.memory_space<semaphore_mem>>)
    %dma_wait3A_1520 = arith.constant 30 : i32
    %dma_wait3A_1521 = arith.constant 2 : i32
    %dma_wait3A_1522 = arith.constant 0 : i32
    %dma_wait3A_1523 = arith.constant 0 : i32
    %dma_wait3A_1524 = tpu.memref_slice %arg6[%dma_wait3A_1521, %dma_wait3A_1522, %dma_wait3A_1523] : memref<7x16x1024xf32, #tpu.memory_space<vmem>> -> memref<1x16x1024xf32, #tpu.memory_space<vmem>>
    %dma_wait3A_1525 = tpu.memref_squeeze %dma_wait3A_1524 : memref<1x16x1024xf32, #tpu.memory_space<vmem>> -> memref<16x1024xf32, #tpu.memory_space<vmem>>
    %dma_wait3A_1526 = arith.constant 0 : i32
    %dma_wait3A_1527 = tpu.memref_slice %arg5[%dma_wait3A_1520, %dma_wait3A_1526] : memref<32x16xi32, #tpu.memory_space<vmem>> -> memref<1x16xi32, #tpu.memory_space<vmem>>
    %dma_wait3A_1528 = tpu.memref_squeeze %dma_wait3A_1527 : memref<1x16xi32, #tpu.memory_space<vmem>> -> memref<16xi32, #tpu.memory_space<vmem>>
    %dma_wait3A_1529 = arith.constant 0 : i32
    %dma_wait3A_1530 = arith.constant 0 : i32
    %dma_wait3A_1531 = tpu.memref_slice %arg3[%dma_wait3A_1529, %dma_wait3A_1530] : memref<100000x1024xf32, #tpu.memory_space<hbm>> -> memref<100000x1024xf32, #tpu.memory_space<hbm>>
    tpu.wait_indirect_dma semaphore(%arg9 : memref<!tpu.dma_semaphore, #tpu.memory_space<semaphore_mem>>) src(%dma_wait3A_1531 : memref<100000x1024xf32, #tpu.memory_space<hbm>>) dst(%dma_wait3A_1525 : memref<16x1024xf32, #tpu.memory_space<vmem>>)
    %add3A_1532 = arith.constant 480 : i32
    %add3A_1533 = arith.addi %mul3A_2, %add3A_1532 : i32
    %dma_start3A_1534 = arith.constant 2 : i32
    %dma_start3A_1535 = arith.constant 0 : i32
    %dma_start3A_1536 = arith.constant 0 : i32
    %dma_start3A_1537 = tpu.memref_slice %arg6[%dma_start3A_1534, %dma_start3A_1535, %dma_start3A_1536] : memref<7x16x1024xf32, #tpu.memory_space<vmem>> -> memref<1x16x1024xf32, #tpu.memory_space<vmem>>
    %dma_start3A_1538 = tpu.memref_squeeze %dma_start3A_1537 : memref<1x16x1024xf32, #tpu.memory_space<vmem>> -> memref<16x1024xf32, #tpu.memory_space<vmem>>
    %dma_start3A_1539 = arith.constant 0 : i32
    %dma_start3A_1540 = tpu.memref_slice %arg4[%add3A_1533, %dma_start3A_1539] : memref<16384x1024xf32, #tpu.memory_space<hbm>> -> memref<16x1024xf32, #tpu.memory_space<hbm>>
    %dma_start3A_1541 = arith.constant 0 : i32
    %dma_start3A_1542 = tpu.memref_slice %arg4[%add3A_1533, %dma_start3A_1541] : memref<16384x1024xf32, #tpu.memory_space<hbm>> -> memref<16x1024xf32, #tpu.memory_space<hbm>>
    %dma_start3A_1543 = arith.constant 0 : i32
    %dma_start3A_1544 = arith.constant 0 : i32
    %dma_start3A_1545 = tpu.memref_slice %arg6[%dma_start3A_1534, %dma_start3A_1543, %dma_start3A_1544] : memref<7x16x1024xf32, #tpu.memory_space<vmem>> -> memref<1x16x1024xf32, #tpu.memory_space<vmem>>
    %dma_start3A_1546 = tpu.memref_squeeze %dma_start3A_1545 : memref<1x16x1024xf32, #tpu.memory_space<vmem>> -> memref<16x1024xf32, #tpu.memory_space<vmem>>
    tpu.enqueue_dma source(%dma_start3A_1546 : memref<16x1024xf32, #tpu.memory_space<vmem>>) target(%dma_start3A_1542 : memref<16x1024xf32, #tpu.memory_space<hbm>>) target_semaphore(%arg16 : memref<!tpu.dma_semaphore, #tpu.memory_space<semaphore_mem>>)
    %dma_wait3A_1547 = arith.constant 31 : i32
    %dma_wait3A_1548 = arith.constant 3 : i32
    %dma_wait3A_1549 = arith.constant 0 : i32
    %dma_wait3A_1550 = arith.constant 0 : i32
    %dma_wait3A_1551 = tpu.memref_slice %arg6[%dma_wait3A_1548, %dma_wait3A_1549, %dma_wait3A_1550] : memref<7x16x1024xf32, #tpu.memory_space<vmem>> -> memref<1x16x1024xf32, #tpu.memory_space<vmem>>
    %dma_wait3A_1552 = tpu.memref_squeeze %dma_wait3A_1551 : memref<1x16x1024xf32, #tpu.memory_space<vmem>> -> memref<16x1024xf32, #tpu.memory_space<vmem>>
    %dma_wait3A_1553 = arith.constant 0 : i32
    %dma_wait3A_1554 = tpu.memref_slice %arg5[%dma_wait3A_1547, %dma_wait3A_1553] : memref<32x16xi32, #tpu.memory_space<vmem>> -> memref<1x16xi32, #tpu.memory_space<vmem>>
    %dma_wait3A_1555 = tpu.memref_squeeze %dma_wait3A_1554 : memref<1x16xi32, #tpu.memory_space<vmem>> -> memref<16xi32, #tpu.memory_space<vmem>>
    %dma_wait3A_1556 = arith.constant 0 : i32
    %dma_wait3A_1557 = arith.constant 0 : i32
    %dma_wait3A_1558 = tpu.memref_slice %arg3[%dma_wait3A_1556, %dma_wait3A_1557] : memref<100000x1024xf32, #tpu.memory_space<hbm>> -> memref<100000x1024xf32, #tpu.memory_space<hbm>>
    tpu.wait_indirect_dma semaphore(%arg10 : memref<!tpu.dma_semaphore, #tpu.memory_space<semaphore_mem>>) src(%dma_wait3A_1558 : memref<100000x1024xf32, #tpu.memory_space<hbm>>) dst(%dma_wait3A_1552 : memref<16x1024xf32, #tpu.memory_space<vmem>>)
    %add3A_1559 = arith.constant 496 : i32
    %add3A_1560 = arith.addi %mul3A_2, %add3A_1559 : i32
    %dma_start3A_1561 = arith.constant 3 : i32
    %dma_start3A_1562 = arith.constant 0 : i32
    %dma_start3A_1563 = arith.constant 0 : i32
    %dma_start3A_1564 = tpu.memref_slice %arg6[%dma_start3A_1561, %dma_start3A_1562, %dma_start3A_1563] : memref<7x16x1024xf32, #tpu.memory_space<vmem>> -> memref<1x16x1024xf32, #tpu.memory_space<vmem>>
    %dma_start3A_1565 = tpu.memref_squeeze %dma_start3A_1564 : memref<1x16x1024xf32, #tpu.memory_space<vmem>> -> memref<16x1024xf32, #tpu.memory_space<vmem>>
    %dma_start3A_1566 = arith.constant 0 : i32
    %dma_start3A_1567 = tpu.memref_slice %arg4[%add3A_1560, %dma_start3A_1566] : memref<16384x1024xf32, #tpu.memory_space<hbm>> -> memref<16x1024xf32, #tpu.memory_space<hbm>>
    %dma_start3A_1568 = arith.constant 0 : i32
    %dma_start3A_1569 = tpu.memref_slice %arg4[%add3A_1560, %dma_start3A_1568] : memref<16384x1024xf32, #tpu.memory_space<hbm>> -> memref<16x1024xf32, #tpu.memory_space<hbm>>
    %dma_start3A_1570 = arith.constant 0 : i32
    %dma_start3A_1571 = arith.constant 0 : i32
    %dma_start3A_1572 = tpu.memref_slice %arg6[%dma_start3A_1561, %dma_start3A_1570, %dma_start3A_1571] : memref<7x16x1024xf32, #tpu.memory_space<vmem>> -> memref<1x16x1024xf32, #tpu.memory_space<vmem>>
    %dma_start3A_1573 = tpu.memref_squeeze %dma_start3A_1572 : memref<1x16x1024xf32, #tpu.memory_space<vmem>> -> memref<16x1024xf32, #tpu.memory_space<vmem>>
    tpu.enqueue_dma source(%dma_start3A_1573 : memref<16x1024xf32, #tpu.memory_space<vmem>>) target(%dma_start3A_1569 : memref<16x1024xf32, #tpu.memory_space<hbm>>) target_semaphore(%arg17 : memref<!tpu.dma_semaphore, #tpu.memory_space<semaphore_mem>>)
    %dma_wait3A_1574 = arith.constant 4 : i32
    %dma_wait3A_1575 = arith.constant 0 : i32
    %dma_wait3A_1576 = arith.constant 0 : i32
    %dma_wait3A_1577 = tpu.memref_slice %arg6[%dma_wait3A_1574, %dma_wait3A_1575, %dma_wait3A_1576] : memref<7x16x1024xf32, #tpu.memory_space<vmem>> -> memref<1x16x1024xf32, #tpu.memory_space<vmem>>
    %dma_wait3A_1578 = tpu.memref_squeeze %dma_wait3A_1577 : memref<1x16x1024xf32, #tpu.memory_space<vmem>> -> memref<16x1024xf32, #tpu.memory_space<vmem>>
    %dma_wait3A_1579 = arith.constant 0 : i32
    %dma_wait3A_1580 = tpu.memref_slice %arg4[%add3A_1398, %dma_wait3A_1579] : memref<16384x1024xf32, #tpu.memory_space<hbm>> -> memref<16x1024xf32, #tpu.memory_space<hbm>>
    %dma_wait3A_1581 = arith.constant 0 : i32
    %dma_wait3A_1582 = tpu.memref_slice %arg4[%add3A_1398, %dma_wait3A_1581] : memref<16384x1024xf32, #tpu.memory_space<hbm>> -> memref<16x1024xf32, #tpu.memory_space<hbm>>
    %dma_wait3A_1583 = arith.constant 0 : i32
    %dma_wait3A_1584 = arith.constant 0 : i32
    %dma_wait3A_1585 = tpu.memref_slice %arg6[%dma_wait3A_1574, %dma_wait3A_1583, %dma_wait3A_1584] : memref<7x16x1024xf32, #tpu.memory_space<vmem>> -> memref<1x16x1024xf32, #tpu.memory_space<vmem>>
    %dma_wait3A_1586 = tpu.memref_squeeze %dma_wait3A_1585 : memref<1x16x1024xf32, #tpu.memory_space<vmem>> -> memref<16x1024xf32, #tpu.memory_space<vmem>>
    tpu.wait_dma2 semaphore(%arg18 : memref<!tpu.dma_semaphore, #tpu.memory_space<semaphore_mem>>) src(%dma_wait3A_1586 : memref<16x1024xf32, #tpu.memory_space<vmem>>) dst(%dma_wait3A_1582 : memref<16x1024xf32, #tpu.memory_space<hbm>>)
    %dma_wait3A_1587 = arith.constant 5 : i32
    %dma_wait3A_1588 = arith.constant 0 : i32
    %dma_wait3A_1589 = arith.constant 0 : i32
    %dma_wait3A_1590 = tpu.memref_slice %arg6[%dma_wait3A_1587, %dma_wait3A_1588, %dma_wait3A_1589] : memref<7x16x1024xf32, #tpu.memory_space<vmem>> -> memref<1x16x1024xf32, #tpu.memory_space<vmem>>
    %dma_wait3A_1591 = tpu.memref_squeeze %dma_wait3A_1590 : memref<1x16x1024xf32, #tpu.memory_space<vmem>> -> memref<16x1024xf32, #tpu.memory_space<vmem>>
    %dma_wait3A_1592 = arith.constant 0 : i32
    %dma_wait3A_1593 = tpu.memref_slice %arg4[%add3A_1425, %dma_wait3A_1592] : memref<16384x1024xf32, #tpu.memory_space<hbm>> -> memref<16x1024xf32, #tpu.memory_space<hbm>>
    %dma_wait3A_1594 = arith.constant 0 : i32
    %dma_wait3A_1595 = tpu.memref_slice %arg4[%add3A_1425, %dma_wait3A_1594] : memref<16384x1024xf32, #tpu.memory_space<hbm>> -> memref<16x1024xf32, #tpu.memory_space<hbm>>
    %dma_wait3A_1596 = arith.constant 0 : i32
    %dma_wait3A_1597 = arith.constant 0 : i32
    %dma_wait3A_1598 = tpu.memref_slice %arg6[%dma_wait3A_1587, %dma_wait3A_1596, %dma_wait3A_1597] : memref<7x16x1024xf32, #tpu.memory_space<vmem>> -> memref<1x16x1024xf32, #tpu.memory_space<vmem>>
    %dma_wait3A_1599 = tpu.memref_squeeze %dma_wait3A_1598 : memref<1x16x1024xf32, #tpu.memory_space<vmem>> -> memref<16x1024xf32, #tpu.memory_space<vmem>>
    tpu.wait_dma2 semaphore(%arg19 : memref<!tpu.dma_semaphore, #tpu.memory_space<semaphore_mem>>) src(%dma_wait3A_1599 : memref<16x1024xf32, #tpu.memory_space<vmem>>) dst(%dma_wait3A_1595 : memref<16x1024xf32, #tpu.memory_space<hbm>>)
    %dma_wait3A_1600 = arith.constant 6 : i32
    %dma_wait3A_1601 = arith.constant 0 : i32
    %dma_wait3A_1602 = arith.constant 0 : i32
    %dma_wait3A_1603 = tpu.memref_slice %arg6[%dma_wait3A_1600, %dma_wait3A_1601, %dma_wait3A_1602] : memref<7x16x1024xf32, #tpu.memory_space<vmem>> -> memref<1x16x1024xf32, #tpu.memory_space<vmem>>
    %dma_wait3A_1604 = tpu.memref_squeeze %dma_wait3A_1603 : memref<1x16x1024xf32, #tpu.memory_space<vmem>> -> memref<16x1024xf32, #tpu.memory_space<vmem>>
    %dma_wait3A_1605 = arith.constant 0 : i32
    %dma_wait3A_1606 = tpu.memref_slice %arg4[%add3A_1452, %dma_wait3A_1605] : memref<16384x1024xf32, #tpu.memory_space<hbm>> -> memref<16x1024xf32, #tpu.memory_space<hbm>>
    %dma_wait3A_1607 = arith.constant 0 : i32
    %dma_wait3A_1608 = tpu.memref_slice %arg4[%add3A_1452, %dma_wait3A_1607] : memref<16384x1024xf32, #tpu.memory_space<hbm>> -> memref<16x1024xf32, #tpu.memory_space<hbm>>
    %dma_wait3A_1609 = arith.constant 0 : i32
    %dma_wait3A_1610 = arith.constant 0 : i32
    %dma_wait3A_1611 = tpu.memref_slice %arg6[%dma_wait3A_1600, %dma_wait3A_1609, %dma_wait3A_1610] : memref<7x16x1024xf32, #tpu.memory_space<vmem>> -> memref<1x16x1024xf32, #tpu.memory_space<vmem>>
    %dma_wait3A_1612 = tpu.memref_squeeze %dma_wait3A_1611 : memref<1x16x1024xf32, #tpu.memory_space<vmem>> -> memref<16x1024xf32, #tpu.memory_space<vmem>>
    tpu.wait_dma2 semaphore(%arg20 : memref<!tpu.dma_semaphore, #tpu.memory_space<semaphore_mem>>) src(%dma_wait3A_1612 : memref<16x1024xf32, #tpu.memory_space<vmem>>) dst(%dma_wait3A_1608 : memref<16x1024xf32, #tpu.memory_space<hbm>>)
    %dma_wait3A_1613 = arith.constant 0 : i32
    %dma_wait3A_1614 = arith.constant 0 : i32
    %dma_wait3A_1615 = arith.constant 0 : i32
    %dma_wait3A_1616 = tpu.memref_slice %arg6[%dma_wait3A_1613, %dma_wait3A_1614, %dma_wait3A_1615] : memref<7x16x1024xf32, #tpu.memory_space<vmem>> -> memref<1x16x1024xf32, #tpu.memory_space<vmem>>
    %dma_wait3A_1617 = tpu.memref_squeeze %dma_wait3A_1616 : memref<1x16x1024xf32, #tpu.memory_space<vmem>> -> memref<16x1024xf32, #tpu.memory_space<vmem>>
    %dma_wait3A_1618 = arith.constant 0 : i32
    %dma_wait3A_1619 = tpu.memref_slice %arg4[%add3A_1479, %dma_wait3A_1618] : memref<16384x1024xf32, #tpu.memory_space<hbm>> -> memref<16x1024xf32, #tpu.memory_space<hbm>>
    %dma_wait3A_1620 = arith.constant 0 : i32
    %dma_wait3A_1621 = tpu.memref_slice %arg4[%add3A_1479, %dma_wait3A_1620] : memref<16384x1024xf32, #tpu.memory_space<hbm>> -> memref<16x1024xf32, #tpu.memory_space<hbm>>
    %dma_wait3A_1622 = arith.constant 0 : i32
    %dma_wait3A_1623 = arith.constant 0 : i32
    %dma_wait3A_1624 = tpu.memref_slice %arg6[%dma_wait3A_1613, %dma_wait3A_1622, %dma_wait3A_1623] : memref<7x16x1024xf32, #tpu.memory_space<vmem>> -> memref<1x16x1024xf32, #tpu.memory_space<vmem>>
    %dma_wait3A_1625 = tpu.memref_squeeze %dma_wait3A_1624 : memref<1x16x1024xf32, #tpu.memory_space<vmem>> -> memref<16x1024xf32, #tpu.memory_space<vmem>>
    tpu.wait_dma2 semaphore(%arg14 : memref<!tpu.dma_semaphore, #tpu.memory_space<semaphore_mem>>) src(%dma_wait3A_1625 : memref<16x1024xf32, #tpu.memory_space<vmem>>) dst(%dma_wait3A_1621 : memref<16x1024xf32, #tpu.memory_space<hbm>>)
    %dma_wait3A_1626 = arith.constant 1 : i32
    %dma_wait3A_1627 = arith.constant 0 : i32
    %dma_wait3A_1628 = arith.constant 0 : i32
    %dma_wait3A_1629 = tpu.memref_slice %arg6[%dma_wait3A_1626, %dma_wait3A_1627, %dma_wait3A_1628] : memref<7x16x1024xf32, #tpu.memory_space<vmem>> -> memref<1x16x1024xf32, #tpu.memory_space<vmem>>
    %dma_wait3A_1630 = tpu.memref_squeeze %dma_wait3A_1629 : memref<1x16x1024xf32, #tpu.memory_space<vmem>> -> memref<16x1024xf32, #tpu.memory_space<vmem>>
    %dma_wait3A_1631 = arith.constant 0 : i32
    %dma_wait3A_1632 = tpu.memref_slice %arg4[%add3A_1506, %dma_wait3A_1631] : memref<16384x1024xf32, #tpu.memory_space<hbm>> -> memref<16x1024xf32, #tpu.memory_space<hbm>>
    %dma_wait3A_1633 = arith.constant 0 : i32
    %dma_wait3A_1634 = tpu.memref_slice %arg4[%add3A_1506, %dma_wait3A_1633] : memref<16384x1024xf32, #tpu.memory_space<hbm>> -> memref<16x1024xf32, #tpu.memory_space<hbm>>
    %dma_wait3A_1635 = arith.constant 0 : i32
    %dma_wait3A_1636 = arith.constant 0 : i32
    %dma_wait3A_1637 = tpu.memref_slice %arg6[%dma_wait3A_1626, %dma_wait3A_1635, %dma_wait3A_1636] : memref<7x16x1024xf32, #tpu.memory_space<vmem>> -> memref<1x16x1024xf32, #tpu.memory_space<vmem>>
    %dma_wait3A_1638 = tpu.memref_squeeze %dma_wait3A_1637 : memref<1x16x1024xf32, #tpu.memory_space<vmem>> -> memref<16x1024xf32, #tpu.memory_space<vmem>>
    tpu.wait_dma2 semaphore(%arg15 : memref<!tpu.dma_semaphore, #tpu.memory_space<semaphore_mem>>) src(%dma_wait3A_1638 : memref<16x1024xf32, #tpu.memory_space<vmem>>) dst(%dma_wait3A_1634 : memref<16x1024xf32, #tpu.memory_space<hbm>>)
    %dma_wait3A_1639 = arith.constant 2 : i32
    %dma_wait3A_1640 = arith.constant 0 : i32
    %dma_wait3A_1641 = arith.constant 0 : i32
    %dma_wait3A_1642 = tpu.memref_slice %arg6[%dma_wait3A_1639, %dma_wait3A_1640, %dma_wait3A_1641] : memref<7x16x1024xf32, #tpu.memory_space<vmem>> -> memref<1x16x1024xf32, #tpu.memory_space<vmem>>
    %dma_wait3A_1643 = tpu.memref_squeeze %dma_wait3A_1642 : memref<1x16x1024xf32, #tpu.memory_space<vmem>> -> memref<16x1024xf32, #tpu.memory_space<vmem>>
    %dma_wait3A_1644 = arith.constant 0 : i32
    %dma_wait3A_1645 = tpu.memref_slice %arg4[%add3A_1533, %dma_wait3A_1644] : memref<16384x1024xf32, #tpu.memory_space<hbm>> -> memref<16x1024xf32, #tpu.memory_space<hbm>>
    %dma_wait3A_1646 = arith.constant 0 : i32
    %dma_wait3A_1647 = tpu.memref_slice %arg4[%add3A_1533, %dma_wait3A_1646] : memref<16384x1024xf32, #tpu.memory_space<hbm>> -> memref<16x1024xf32, #tpu.memory_space<hbm>>
    %dma_wait3A_1648 = arith.constant 0 : i32
    %dma_wait3A_1649 = arith.constant 0 : i32
    %dma_wait3A_1650 = tpu.memref_slice %arg6[%dma_wait3A_1639, %dma_wait3A_1648, %dma_wait3A_1649] : memref<7x16x1024xf32, #tpu.memory_space<vmem>> -> memref<1x16x1024xf32, #tpu.memory_space<vmem>>
    %dma_wait3A_1651 = tpu.memref_squeeze %dma_wait3A_1650 : memref<1x16x1024xf32, #tpu.memory_space<vmem>> -> memref<16x1024xf32, #tpu.memory_space<vmem>>
    tpu.wait_dma2 semaphore(%arg16 : memref<!tpu.dma_semaphore, #tpu.memory_space<semaphore_mem>>) src(%dma_wait3A_1651 : memref<16x1024xf32, #tpu.memory_space<vmem>>) dst(%dma_wait3A_1647 : memref<16x1024xf32, #tpu.memory_space<hbm>>)
    %dma_wait3A_1652 = arith.constant 3 : i32
    %dma_wait3A_1653 = arith.constant 0 : i32
    %dma_wait3A_1654 = arith.constant 0 : i32
    %dma_wait3A_1655 = tpu.memref_slice %arg6[%dma_wait3A_1652, %dma_wait3A_1653, %dma_wait3A_1654] : memref<7x16x1024xf32, #tpu.memory_space<vmem>> -> memref<1x16x1024xf32, #tpu.memory_space<vmem>>
    %dma_wait3A_1656 = tpu.memref_squeeze %dma_wait3A_1655 : memref<1x16x1024xf32, #tpu.memory_space<vmem>> -> memref<16x1024xf32, #tpu.memory_space<vmem>>
    %dma_wait3A_1657 = arith.constant 0 : i32
    %dma_wait3A_1658 = tpu.memref_slice %arg4[%add3A_1560, %dma_wait3A_1657] : memref<16384x1024xf32, #tpu.memory_space<hbm>> -> memref<16x1024xf32, #tpu.memory_space<hbm>>
    %dma_wait3A_1659 = arith.constant 0 : i32
    %dma_wait3A_1660 = tpu.memref_slice %arg4[%add3A_1560, %dma_wait3A_1659] : memref<16384x1024xf32, #tpu.memory_space<hbm>> -> memref<16x1024xf32, #tpu.memory_space<hbm>>
    %dma_wait3A_1661 = arith.constant 0 : i32
    %dma_wait3A_1662 = arith.constant 0 : i32
    %dma_wait3A_1663 = tpu.memref_slice %arg6[%dma_wait3A_1652, %dma_wait3A_1661, %dma_wait3A_1662] : memref<7x16x1024xf32, #tpu.memory_space<vmem>> -> memref<1x16x1024xf32, #tpu.memory_space<vmem>>
    %dma_wait3A_1664 = tpu.memref_squeeze %dma_wait3A_1663 : memref<1x16x1024xf32, #tpu.memory_space<vmem>> -> memref<16x1024xf32, #tpu.memory_space<vmem>>
    tpu.wait_dma2 semaphore(%arg17 : memref<!tpu.dma_semaphore, #tpu.memory_space<semaphore_mem>>) src(%dma_wait3A_1664 : memref<16x1024xf32, #tpu.memory_space<vmem>>) dst(%dma_wait3A_1660 : memref<16x1024xf32, #tpu.memory_space<hbm>>)
    return
  }
}

</mosaic_0001>

<sc_bundles>
// kernel: kernel.3.cloned.1.call-start
scs
__scs_entry_jumppad:
0x0: {  	(pc) =	sbr.rel $0x88, $3  }
0x1: {  	(tag) =	ssettag $0x0;
	lr =	simm.s32 $0x1  }
0x2: {  	[smem:$0x3F9F] =	sst lr;
	_ =	strace $0xD0000000  }
0x3: {  	_ = 	snop  }
0x4: {  	_ = 	snop  }
0x5: {  	_ = 	snop  }
0x6: {  	_ = 	snop  }
0x7: {  	_ = 	snop  }
__scs_overlays_trampoline_lowered:
0x8: {  	[smem:$0x3FAE] =	sst s0  }
0x9: {  	[smem:$0x3FAF] =	sst s1  }
0xa: {  	[smem:$0x3FB0] =	sst s2  }
0xb: {  	[smem:$0x3FB1] =	sst s3  }
0xc: {  	[smem:$0x3FB2] =	sst s4  }
0xd: {  	[smem:$0x3FB3] =	sst s5  }
0xe: {  	[smem:$0x3FB4] =	sst s6  }
0xf: {  	[smem:$0x3FB5] =	sst s7  }
0x10: {  	[smem:$0x3FB6] =	sst s8  }
0x11: {  	[smem:$0x3FB7] =	sst s9;
	s0 =	simm.s32 @!p0 $0x0  }
0x12: {  	s1 =	sld [smem:$0x3F9D];
	s0 =	simm.s32 @p0 $0x1  }
0x13: {  	[smem:$0x3FB8] =	sst s0;
	s0 =	simm.s32 @!p1 $0x0  }
0x14: {  	s2 =	sld [smem:$0x3F9C];
	s0 =	simm.s32 @p1 $0x1  }
0x15: {  	[smem:$0x3FB9] =	sst s0;
	s0 =	simm.s32 @!p2 $0x0  }
0x16: {  	s3 =	sld [smem:$0x3FDB];
	s0 =	simm.s32 @p2 $0x1  }
0x17: {  	s4 =	simm.s32 $0x1BF5;
	[smem:$0x3FBB] =	sst s0  }
0x18: {  	s0 =	sld [smem:$0x3F9E];
	_ =	swait.ge [sflag:s4], $0x0  }
0x19: {  	s7 =	sld [smem:$0x3F9F]  }
0x1a: {  	s8 =	sadd.s32 $0xFFFFE003, lr  }
0x1b: {  	s9 =	sadd.s32 $0xFFFFFEF7, lr;
	s5 =	simm.s32 $0xFFFFFFFF;
	p2 =	slt.u32 s8, $0xFFFFF086  }
0x1c: {  	p1 =	slt.u32 s9, $0xF7A;
	s5 =	simm.s32 @!p2 $0x0  }
0x1d: {  	s5 =	simm.s32 @p1 $0x1;
	p0 =	seq.s32 s7, s2  }
0x1e: {  	s7 =	smul.u32 @!p0 $0xF7A, s2;
	p2 =	seq.s32 @!p0 s5, $0x0  }
0x1f: {  	s9 =	smul.u32 $0xF7A, s1;
	s8 =	simm.s32 @!p0 $0x1BF5;
	p2 =	por !p2, p0  }
0x20: {  	[sflag:s8] =	ssyncset.s32 @!p0 $0xFFFFF086;
	s6 =	sadd.s32 @!p0 s3, s7;
	s7 =	simm.s32 @!p0 $0x108  }
0x21: {  	s3 =	sadd.s32 s3, s9;
	s6 =	sadd.s32 @!p0 $0x88, s6;
	s7 =	simm.s32 @p2 $0x1082  }
0x22: {  	[simem:s7], [sflag:s8] =	dma.local @!p0 [hbm:s6], $0xF7A  }
0x23: {  	s9 =	sor.u32 $0xD0000000, s2;
	s6 =	simm.s32 $0x108;
	_ =	swait.ge @!p0 [sflag:s8], $0x0  }
0x24: {  	s3 =	sadd.s32 $0x88, s3;
	s6 =	simm.s32 @!p1 $0x1082;
	[sflag:s4] =	ssyncset.s32 $0xFFFFF086  }
0x25: {  	[simem:s6], [sflag:s4] =	dma.local [hbm:s3], $0xF7A  }
0x26: {  	[smem:$0x3F9F] =	sst s1;
	(tag) =	ssettag s2;
	_ =	strace s9  }
0x27: {  	s1 =	sld [smem:$0x3FAF]  }
0x28: {  	s2 =	sld [smem:$0x3FB0]  }
0x29: {  	s4 =	sld [smem:$0x3FB2]  }
0x2a: {  	p0 =	seq.s32 s5, $0x0;
	s5 =	sld [smem:$0x3FB3]  }
0x2b: {  	s6 =	sld [smem:$0x3FB4]  }
0x2c: {  	s7 =	sld [smem:$0x3FB5]  }
0x2d: {  	s3 =	simm.s32 $0x108;
	s8 =	sld [smem:$0x3FB6]  }
0x2e: {  	s3 =	simm.s32 @!p0 $0x1082;
	s9 =	sld [smem:$0x3FB7]  }
0x2f: {  	lr =	sadd.s32 s0, s3;
	s0 =	sld [smem:$0x3FAE]  }
0x30: {  	s3 =	sld [smem:$0x3FB1]  }
0x31: {  	[smem:$0x3FBA] =	sst s10  }
0x32: {  	s10 =	sld [smem:$0x3FB8];
	_ =	sdelay $0x3  }
0x33: {  	p0 =	seq.s32 s10, $0x1;
	s10 =	sld [smem:$0x3FBA];
	_ =	sdelay $0x3  }
0x34: {  	[smem:$0x3FBA] =	sst s10  }
0x35: {  	s10 =	sld [smem:$0x3FB9];
	_ =	sdelay $0x3  }
0x36: {  	p1 =	seq.s32 s10, $0x1;
	s10 =	sld [smem:$0x3FBA];
	_ =	sdelay $0x3  }
0x37: {  	[smem:$0x3FBA] =	sst s10  }
0x38: {  	s10 =	sld [smem:$0x3FBB]  }
0x39: {  	_ = 	snop;
	(pc) =	sbr.ind lr, $3  }
0x3a: {  	_ = 	snop  }
0x3b: {  	_ = 	snop  }
0x3c: {  	p2 =	seq.s32 s10, $0x1;
	s10 =	sld [smem:$0x3FBA]  }
0x3d: {  	_ =	shalt  }
0x3e: {  	_ =	shalt  }
0x3f: {  	_ =	shalt  }
0x40: {  	_ =	shalt  }
0x41: {  	_ =	shalt  }
0x42: {  	_ =	shalt  }
0x43: {  	_ =	shalt  }
0x44: {  	_ =	shalt  }
0x45: {  	_ =	shalt  }
0x46: {  	_ =	shalt  }
0x47: {  	_ =	shalt  }
0x48: {  	_ =	shalt  }
0x49: {  	_ =	shalt  }
0x4a: {  	_ =	shalt  }
0x4b: {  	_ =	shalt  }
0x4c: {  	_ =	shalt  }
0x4d: {  	_ =	shalt  }
0x4e: {  	_ =	shalt  }
0x4f: {  	_ =	shalt  }
0x50: {  	_ =	shalt  }
0x51: {  	_ =	shalt  }
0x52: {  	_ =	shalt  }
0x53: {  	_ =	shalt  }
0x54: {  	_ =	shalt  }
0x55: {  	_ =	shalt  }
0x56: {  	_ =	shalt  }
0x57: {  	_ =	shalt  }
0x58: {  	_ =	shalt  }
0x59: {  	_ =	shalt  }
0x5a: {  	_ =	shalt  }
0x5b: {  	_ =	shalt  }
0x5c: {  	_ =	shalt  }
0x5d: {  	_ =	shalt  }
0x5e: {  	_ =	shalt  }
0x5f: {  	_ =	shalt  }
0x60: {  	_ =	shalt  }
0x61: {  	_ =	shalt  }
0x62: {  	_ =	shalt  }
0x63: {  	_ =	shalt  }
0x64: {  	_ =	shalt  }
0x65: {  	_ =	shalt  }
0x66: {  	_ =	shalt  }
0x67: {  	_ =	shalt  }
0x68: {  	_ =	shalt  }
0x69: {  	_ =	shalt  }
0x6a: {  	_ =	shalt  }
0x6b: {  	_ =	shalt  }
0x6c: {  	_ =	shalt  }
0x6d: {  	_ =	shalt  }
0x6e: {  	_ =	shalt  }
0x6f: {  	_ =	shalt  }
0x70: {  	_ =	shalt  }
0x71: {  	_ =	shalt  }
0x72: {  	_ =	shalt  }
0x73: {  	_ =	shalt  }
0x74: {  	_ =	shalt  }
0x75: {  	_ =	shalt  }
0x76: {  	_ =	shalt  }
0x77: {  	_ =	shalt  }
0x78: {  	_ =	shalt  }
0x79: {  	_ =	shalt  }
0x7a: {  	_ =	shalt  }
0x7b: {  	_ =	shalt  }
0x7c: {  	_ =	shalt  }
0x7d: {  	_ =	shalt  }
0x7e: {  	_ =	shalt  }
0x7f: {  	_ =	shalt  }
0x80: {  	_ =	shalt  }
0x81: {  	_ =	shalt  }
0x82: {  	_ =	shalt  }
0x83: {  	_ =	shalt  }
0x84: {  	_ =	shalt  }
0x85: {  	_ =	shalt  }
0x86: {  	_ =	shalt  }
0x87: {  	_ =	shalt  }
.Lfunc_end0:
.L_simem_size_0:
called_computation_lowered:
.L_overlay_start_0:
0x88: {  	s2 =	sld [smem:$0x3FD9]  }
0x89: {  	s3 =	sld [smem:$0x3FFE];
	_ =	sdelay $0x1  }
0x8a: {  	s1 =	srdreg.scid  }
0x8b: {  	s0 =	sand.u32 $0x1, s1  }
0x8c: {  	s17 =	sshll.u32 s0, $0xA;
	s2 =	sadd.s32 s3, s2  }
0x8d: {  	s2 =	sadd.s32 s2, s17  }
0x8e: {  	[smem:$0x3FC6] =	sst s2  }
0x8f: {  	_ = 	snop  }
0x90: {  	s2 =	sld [smem:$0x3FC8]  }
0x91: {  	s18 =	sld [smem:$0x3FD0];
	(tm) =	ssettm $0x1  }
0x92: {  	s4 =	sld [smem:$0x3FFB];
	_ =	sdelay $0x3  }
0x93: {  	_ =	strace s4  }
0x94: {  	s4 =	sld [smem:$0x3FFC];
	_ =	sdelay $0x3  }
0x95: {  	_ =	strace s4  }
0x96: {  	s4 =	sld [smem:$0x3FFD];
	_ =	sdelay $0x3  }
0x97: {  	_ =	strace s4  }
0x98: {  	_ =	strace $0x8FFFFFFF  }
0x99: {  	s19 =	sld [smem:$0x3FDB];
	_ =	sdelay $0x1  }
0x9a: {  	s5 =	simm.s32 $_scs_section_size  }
0x9b: {  	s6 =	simm.s32 $_size__tile_overlayer_lowered;
	s7 =	simm.s32 $_tile_overlayer_lowered  }
0x9c: {  	s22 =	simm.s32 $0x1BFF;
	s21 =	sshll.u32 s7, $0x1;
	s4 =	sadd.s32 s5, s19  }
0x9d: {  	s8 =	simm.s32 $0x0;
	s20 =	sshll.u32 s6, $0x1;
	s6 =	sadd.s32 s21, s4  }
0x9e: {  	[timem:s8], [sflag:s22] =	dma.local [hbm:s6], s20  }
0x9f: {  	_ =	swait.ge [sflag:s22], s20  }
0xa0: {  	s5 =	ssub.s32 $0x0, s20;
	[sflag:s22] =	ssyncset.done $0x0  }
0xa1: {  	[sflag:s22] =	ssyncadd.s32 s5;
	_ =	sdelay $0x1  }
0xa2: {  	s23 =	simm.s32 $0x1B8B  }
0xa3: {  	_ =	swait.ge [sflag:s23], $0x1  }
0xa4: {  	[sflag:s23] =	ssyncset.done $0x0  }
0xa5: {  	s25 =	simm.s32 $0x1B8E;
	s24 =	sld [smem:$0x3FFE];
	[sflag:s23] =	ssyncadd.s32 $0xFFFFFFFF  }
0xa6: {  	s26 =	simm.s32 $execute0_lowered;
	[smem:$0x3FD2] =	sst s25  }
0xa7: {  	s6 =	sshll.u32 s26, $0x1;
	_ =	strace $0x80000046;
	[dreg:$0x1] =	wrdreg $0xFFFFFFFF  }
0xa8: {  	s28 =	simm.s32 $_size_execute0_lowered;
	s4 =	sadd.s32 s4, s6;
	[dreg:$0x0] =	wrdreg $0x0  }
0xa9: {  	s6 =	sshll.u32 s28, $0x1;
	[dreg:$0x2] =	wrdreg s4  }
0xaa: {  	[dreg:$0x3] =	wrdreg s6  }
0xab: {  	[dreg:$0x4] =	wrdreg $0xC0  }
0xac: {  	_ =	task [dreg:s8], $0x5FFFF  }
0xad: {  	[dreg:$0x1] =	wrdreg $0xFFFFFFFF  }
0xae: {  	[dreg:$0x0] =	wrdreg $0x60  }
0xaf: {  	[dreg:$0x2] =	wrdreg s24  }
0xb0: {  	[dreg:$0x3] =	wrdreg s2  }
0xb1: {  	[dreg:$0x4] =	wrdreg s18  }
0xb2: {  	[dreg:$0x5] =	wrdreg $0x9  }
0xb3: {  	_ =	task.clear_ibuf [dreg:s8], $0x6FFFF;
	_ =	strace $0x90000046  }
0xb4: {  	s29 =	simm.s32 $0x9;
	_ =	strace $0x80000048  }
0xb5: {  	_ =	swait.ge [sflag:s29], $0x1  }
0xb6: {  	[sflag:s29] =	ssyncadd.s32 $0xFFFFFFFF  }
0xb7: {  	_ =	strace $0x90000048  }
0xb8: {  	_ =	sfence  }
0xb9: {  	s30 =	sld [smem:$0x0];
	_ =	sdelay $0x2  }
0xba: {  	s31 =	sshll.u32 s1, $0xD;
	s1 =	sshrl.u32 s1, $0x2  }
0xbb: {  	s3 =	sand.u32 $0x4000, s31;
	s1 =	sadd.s32 s1, s30  }
0xbc: {  	s0 =	sor.u32 s3, s0;
	s1 =	sshll.u32 s1, $0x11  }
0xbd: {  	s0 =	sor.u32 s1, s0  }
0xbe: {  	s0 =	sadd.s32 $0x8F2B, s0  }
0xbf: {  	[sflag:s0] =	ssyncadd.remote.s32 $0x1  }
0xc0: {  	_ =	sfence.sel $0xFFFF  }
0xc1: {  	[dreg:$0x0] =	wrdreg $0xFFFFFFFF;
	(pc) =	sbr.abs _section_cstart, $3  }
0xc2: {  	[dreg:$0x1] =	wrdreg $0xFFFFFFFF  }
0xc3: {  	_ =	task.clear_ibuf [dreg:s8], $0x2FFFF;
	_ =	strace $0x9FFFFFFF  }
0xc4: {  	(tm) =	ssettm $0x7FFFFFFF  }
0xc5: {  	_ =	shalt  }
tec
execute0_lowered:
.L_overlay_start_1:
0x0: {  	(tag) =	ssettag $0x1  }
0x1: {  	s1 =	rddreg [dreg:$0x0]  }
0x2: {  	s0 =	srdreg.scid;
	s3 =	stileid.u32  }
0x3: {  	s2 =	rddreg [dreg:$0x1];
	s0 =	sand.u32 $0x1, s0;
	s3 =	sshll.u32 s3, $0x1  }
0x4: {  	s4 =	rddreg [dreg:$0x2];
	s5 =	sor.u32 s0, s3  }
0x5: {  	s3 =	simm.s32 $0x0;
	s6 =	sshll.u32 s5, $0x9;
	s5 =	sshll.u32 s5, $0x10  }
0x6: {  	[smem:$0x7FF] =	sst s3;
	s1 =	sadd.s32 s6, s1;
	s6 =	sadd.s32 s4, s5  }
0x7: {  	_ =	strace $0x80000047;
	s1 =	sadd.s32 $0x400, s1;
	[smem:$0x7FC] =	sst s6  }
0x8: {  	s17 =	sadd.s32 $0x800, s6;
	[dreg:$0x4] =	wrdreg s1  }
0x9: {  	s18 =	sadd.s32 $0x1000, s6;
	[dreg:$0x5] =	wrdreg s17  }
0xa: {  	s19 =	sadd.s32 $0x1800, s6;
	[dreg:$0x6] =	wrdreg s18  }
0xb: {  	s20 =	sadd.s32 $0x2000, s6;
	[dreg:$0x7] =	wrdreg s19  }
0xc: {  	s21 =	sadd.s32 $0x2800, s6;
	[dreg:$0x8] =	wrdreg s20  }
0xd: {  	s22 =	sadd.s32 $0x3000, s6;
	[dreg:$0x9] =	wrdreg s21  }
0xe: {  	s23 =	sadd.s32 $0x3800, s6;
	[dreg:$0xa] =	wrdreg s22  }
0xf: {  	s24 =	sadd.s32 $0x4000, s6;
	[dreg:$0xb] =	wrdreg s23  }
0x10: {  	s25 =	sadd.s32 $0x4800, s6;
	[dreg:$0xc] =	wrdreg s24  }
0x11: {  	s26 =	sadd.s32 $0x5000, s6;
	[dreg:$0xd] =	wrdreg s25  }
0x12: {  	s4 =	sadd.s32 $0x5800, s6;
	[dreg:$0xe] =	wrdreg s26  }
0x13: {  	s5 =	sadd.s32 $0x6000, s6;
	[dreg:$0xf] =	wrdreg s4  }
0x14: {  	s7 =	sadd.s32 $0x6800, s6;
	[dreg:$0x10] =	wrdreg s5  }
0x15: {  	s8 =	sadd.s32 $0x7000, s6;
	[dreg:$0x11] =	wrdreg s7  }
0x16: {  	s9 =	sadd.s32 $0x7800, s6;
	[dreg:$0x12] =	wrdreg s8  }
0x17: {  	s10 =	sadd.s32 $0x8000, s6;
	[dreg:$0x13] =	wrdreg s9  }
0x18: {  	s11 =	sadd.s32 $0x8800, s6;
	[dreg:$0x14] =	wrdreg s10  }
0x19: {  	s12 =	sadd.s32 $0x9000, s6;
	[dreg:$0x15] =	wrdreg s11  }
0x1a: {  	s13 =	sadd.s32 $0x9800, s6;
	[dreg:$0x16] =	wrdreg s12  }
0x1b: {  	s14 =	sadd.s32 $0xA000, s6;
	[dreg:$0x17] =	wrdreg s13  }
0x1c: {  	s15 =	sadd.s32 $0xA800, s6;
	[dreg:$0x18] =	wrdreg s14  }
0x1d: {  	s28 =	simm.s32 $0x3;
	s16 =	sadd.s32 $0xB000, s6;
	[dreg:$0x19] =	wrdreg s15  }
0x1e: {  	s29 =	simm.s32 $0xA;
	[dreg:$0x1a] =	wrdreg s16;
	s17 =	sadd.s32 $0xB800, s6  }
0x1f: {  	s30 =	simm.s32 $0x4;
	s18 =	sadd.s32 $0xC000, s6;
	[dreg:$0x1b] =	wrdreg s17  }
0x20: {  	s31 =	simm.s32 $0xB;
	s19 =	sadd.s32 $0xC800, s6;
	[dreg:$0x1c] =	wrdreg s18  }
0x21: {  	s0 =	ssub.s32 $0x2, s0;
	s20 =	sadd.s32 $0xD000, s6;
	[dreg:$0x1d] =	wrdreg s19  }
0x22: {  	s21 =	sadd.s32 $0xD800, s6;
	s22 =	sadd.s32 $0xE000, s6;
	[dreg:$0x1e] =	wrdreg s20  }
0x23: {  	s23 =	sshrl.u32 s0, $0x1;
	s24 =	sadd.s32 $0xE800, s6;
	[dreg:$0x1f] =	wrdreg s21  }
0x24: {  	s25 =	sadd.s32 $0xF000, s6;
	s5 =	sadd.s32 $0x100, s2;
	[smem:$0x7F9] =	sst s22  }
0x25: {  	s26 =	sadd.s32 $0xF800, s6;
	s6 =	sadd.s32 $0x200, s2;
	[smem:$0x7FA] =	sst s24  }
0x26: {  	v2 =	vlaneseq.u32;
	s7 =	sadd.s32 $0x300, s2;
	s0 =	ssub.s32 s0, s23;
	[smem:$0x7FB] =	sst s25  }
0x27: {  	vm0 =	vmmov $0xffff;
	v1 =	vshrl.u32 v2, $0x3;
	[smem:$0x7FD] =	sst s26;
	s22 =	simm.s32 $0x1;
	s23 =	simm.s32 $0x8  }
0x28: {  	v0 =	vand.u32 $0x7, v2;
	v2 =	vor.u32 $0x8, v2;
	v1 =	vmul.u32 $0x8, v1;
	s24 =	simm.s32 $0x2;
	s25 =	simm.s32 $0x9;
	s4 =	smax.u32 s0, $0x1  }
.LBB2_1:
0x29: {  	s14 =	rddreg [dreg:$0x4];
	s20 =	simm.s32 $0xF  }
0x2a: {  	[tilespmem:s3], [sflag:$0xF] =	stream.linear.gather [hbm4b:s14+s3], $0x1000, $0x38;
	[tilespmem:$0x1D000] =	vst v63  }
0x2b: {  	_ =	swait.ge [sflag:s20], $0x1000  }
0x2c: {  	[sflag:s20] =	ssyncset.done $0x0  }
0x2d: {  	[sflag:s20] =	ssyncadd.s32 $0xFFFFF000  }
0x2e: {  	v3 =	vld [tilespmem:$0x0];
	_ =	sdelay $0x4  }
0x2f: {  	v4 =	vshll.u32 v3, $0x3  }
0x30: {  	v3 =	vand.u32 $0x7, v3;
	v4 =	vand.u32 $0xFFFFFFC0, v4  }
0x31: {  	v3 =	vor.u32 v3, v4  }
0x32: {  	v4 =	vperm.xlane v3, v0;
	_ =	sdelay $0x1  }
0x33: {  	v4 =	vadd.s32 v1, v4;
	_ =	sdelay $0x3  }
0x34: {  	s1 =	simm.s32 $0x1000  }
0x35: {  	[tilespmem:s1], [sflag:$0x1] =	stream.indirect_vreg.gather [hbm4b:s2+s3], $0x80, v4, vm0, $0xb8;
	[tilespmem:$0x1D000] =	vst v63  }
0x36: {  	s0 =	simm.s32 $0x1800;
	v3 =	vperm.xlane v3, v2  }
0x37: {  	[tilespmem:s0], [sflag:$0x1] =	stream.indirect_vreg.gather [hbm4b:s5+s3], $0x80, v4, vm0, $0xb8;
	[tilespmem:$0x1D000] =	vst v63  }
0x38: {  	s21 =	simm.s32 $0x2000;
	v3 =	vadd.s32 v1, v3  }
0x39: {  	[tilespmem:s21], [sflag:$0x1] =	stream.indirect_vreg.gather [hbm4b:s6+s3], $0x80, v4, vm0, $0xb8;
	[tilespmem:$0x1D000] =	vst v63  }
0x3a: {  	s26 =	simm.s32 $0x2800  }
0x3b: {  	[tilespmem:s26], [sflag:$0x1] =	stream.indirect_vreg.gather [hbm4b:s7+s3], $0x80, v4, vm0, $0xb8;
	[tilespmem:$0x1D000] =	vst v63  }
0x3c: {  	s1 =	simm.s32 $0x3000  }
0x3d: {  	[tilespmem:s1], [sflag:$0x1] =	stream.indirect_vreg.gather [hbm4b:s2+s3], $0x80, v3, vm0, $0xb8;
	[tilespmem:$0x1D000] =	vst v63  }
0x3e: {  	s8 =	simm.s32 $0x3800  }
0x3f: {  	[tilespmem:s8], [sflag:$0x1] =	stream.indirect_vreg.gather [hbm4b:s5+s3], $0x80, v3, vm0, $0xb8;
	[tilespmem:$0x1D000] =	vst v63  }
0x40: {  	s10 =	simm.s32 $0x4000  }
0x41: {  	[tilespmem:s10], [sflag:$0x1] =	stream.indirect_vreg.gather [hbm4b:s6+s3], $0x80, v3, vm0, $0xb8;
	[tilespmem:$0x1D000] =	vst v63  }
0x42: {  	s11 =	simm.s32 $0x4800  }
0x43: {  	[tilespmem:s11], [sflag:$0x1] =	stream.indirect_vreg.gather [hbm4b:s7+s3], $0x80, v3, vm0, $0xb8;
	[tilespmem:$0x1D000] =	vst v63  }
0x44: {  	v3 =	vld [tilespmem:$0x80];
	_ =	sdelay $0x4  }
0x45: {  	v33 =	vshll.u32 v3, $0x3  }
0x46: {  	v3 =	vand.u32 $0x7, v3;
	v4 =	vand.u32 $0xFFFFFFC0, v33  }
0x47: {  	v3 =	vor.u32 v3, v4  }
0x48: {  	v4 =	vperm.xlane v3, v0;
	_ =	sdelay $0x1  }
0x49: {  	v4 =	vadd.s32 v1, v4;
	_ =	sdelay $0x3  }
0x4a: {  	s12 =	simm.s32 $0x5000  }
0x4b: {  	[tilespmem:s12], [sflag:$0x2] =	stream.indirect_vreg.gather [hbm4b:s2+s3], $0x80, v4, vm0, $0xb8;
	[tilespmem:$0x1D000] =	vst v63  }
0x4c: {  	s13 =	simm.s32 $0x5800;
	v3 =	vperm.xlane v3, v2  }
0x4d: {  	[tilespmem:s13], [sflag:$0x2] =	stream.indirect_vreg.gather [hbm4b:s5+s3], $0x80, v4, vm0, $0xb8;
	[tilespmem:$0x1D000] =	vst v63  }
0x4e: {  	s14 =	simm.s32 $0x6000;
	v3 =	vadd.s32 v1, v3  }
0x4f: {  	[tilespmem:s14], [sflag:$0x2] =	stream.indirect_vreg.gather [hbm4b:s6+s3], $0x80, v4, vm0, $0xb8;
	[tilespmem:$0x1D000] =	vst v63  }
0x50: {  	s20 =	simm.s32 $0x6800  }
0x51: {  	[tilespmem:s20], [sflag:$0x2] =	stream.indirect_vreg.gather [hbm4b:s7+s3], $0x80, v4, vm0, $0xb8;
	[tilespmem:$0x1D000] =	vst v63  }
0x52: {  	s26 =	simm.s32 $0x7000  }
0x53: {  	[tilespmem:s26], [sflag:$0x2] =	stream.indirect_vreg.gather [hbm4b:s2+s3], $0x80, v3, vm0, $0xb8;
	[tilespmem:$0x1D000] =	vst v63  }
0x54: {  	s1 =	simm.s32 $0x7800  }
0x55: {  	[tilespmem:s1], [sflag:$0x2] =	stream.indirect_vreg.gather [hbm4b:s5+s3], $0x80, v3, vm0, $0xb8;
	[tilespmem:$0x1D000] =	vst v63  }
0x56: {  	s8 =	simm.s32 $0x8000  }
0x57: {  	[tilespmem:s8], [sflag:$0x2] =	stream.indirect_vreg.gather [hbm4b:s6+s3], $0x80, v3, vm0, $0xb8;
	[tilespmem:$0x1D000] =	vst v63  }
0x58: {  	s10 =	simm.s32 $0x8800  }
0x59: {  	[tilespmem:s10], [sflag:$0x2] =	stream.indirect_vreg.gather [hbm4b:s7+s3], $0x80, v3, vm0, $0xb8;
	[tilespmem:$0x1D000] =	vst v63  }
0x5a: {  	v3 =	vld [tilespmem:$0x100];
	_ =	sdelay $0x4  }
0x5b: {  	v34 =	vshll.u32 v3, $0x3  }
0x5c: {  	v3 =	vand.u32 $0x7, v3;
	v4 =	vand.u32 $0xFFFFFFC0, v34  }
0x5d: {  	v3 =	vor.u32 v3, v4  }
0x5e: {  	v4 =	vperm.xlane v3, v0;
	_ =	sdelay $0x1  }
0x5f: {  	v4 =	vadd.s32 v1, v4;
	_ =	sdelay $0x3  }
0x60: {  	s12 =	simm.s32 $0x9000  }
0x61: {  	[tilespmem:s12], [sflag:$0x3] =	stream.indirect_vreg.gather [hbm4b:s2+s3], $0x80, v4, vm0, $0xb8;
	[tilespmem:$0x1D000] =	vst v63  }
0x62: {  	s13 =	simm.s32 $0x9800;
	v3 =	vperm.xlane v3, v2  }
0x63: {  	[tilespmem:s13], [sflag:$0x3] =	stream.indirect_vreg.gather [hbm4b:s5+s3], $0x80, v4, vm0, $0xb8;
	[tilespmem:$0x1D000] =	vst v63  }
0x64: {  	s14 =	simm.s32 $0xA000;
	v3 =	vadd.s32 v1, v3  }
0x65: {  	[tilespmem:s14], [sflag:$0x3] =	stream.indirect_vreg.gather [hbm4b:s6+s3], $0x80, v4, vm0, $0xb8;
	[tilespmem:$0x1D000] =	vst v63  }
0x66: {  	s26 =	simm.s32 $0xA800  }
0x67: {  	[tilespmem:s26], [sflag:$0x3] =	stream.indirect_vreg.gather [hbm4b:s7+s3], $0x80, v4, vm0, $0xb8;
	[tilespmem:$0x1D000] =	vst v63  }
0x68: {  	s0 =	simm.s32 $0xB000  }
0x69: {  	[tilespmem:s0], [sflag:$0x3] =	stream.indirect_vreg.gather [hbm4b:s2+s3], $0x80, v3, vm0, $0xb8;
	[tilespmem:$0x1D000] =	vst v63  }
0x6a: {  	s8 =	simm.s32 $0xB800  }
0x6b: {  	[tilespmem:s8], [sflag:$0x3] =	stream.indirect_vreg.gather [hbm4b:s5+s3], $0x80, v3, vm0, $0xb8;
	[tilespmem:$0x1D000] =	vst v63  }
0x6c: {  	s10 =	simm.s32 $0xC000  }
0x6d: {  	[tilespmem:s10], [sflag:$0x3] =	stream.indirect_vreg.gather [hbm4b:s6+s3], $0x80, v3, vm0, $0xb8;
	[tilespmem:$0x1D000] =	vst v63  }
0x6e: {  	s12 =	simm.s32 $0xC800  }
0x6f: {  	[tilespmem:s12], [sflag:$0x3] =	stream.indirect_vreg.gather [hbm4b:s7+s3], $0x80, v3, vm0, $0xb8;
	[tilespmem:$0x1D000] =	vst v63  }
0x70: {  	v3 =	vld [tilespmem:$0x180];
	_ =	sdelay $0x4  }
0x71: {  	v35 =	vshll.u32 v3, $0x3  }
0x72: {  	v3 =	vand.u32 $0x7, v3;
	v4 =	vand.u32 $0xFFFFFFC0, v35  }
0x73: {  	v3 =	vor.u32 v3, v4  }
0x74: {  	v4 =	vperm.xlane v3, v0;
	_ =	sdelay $0x1  }
0x75: {  	v4 =	vadd.s32 v1, v4;
	_ =	sdelay $0x3  }
0x76: {  	s13 =	simm.s32 $0xD000  }
0x77: {  	[tilespmem:s13], [sflag:$0x4] =	stream.indirect_vreg.gather [hbm4b:s2+s3], $0x80, v4, vm0, $0xb8;
	[tilespmem:$0x1D000] =	vst v63  }
0x78: {  	s10 =	simm.s32 $0xD800;
	v3 =	vperm.xlane v3, v2  }
0x79: {  	[tilespmem:s10], [sflag:$0x4] =	stream.indirect_vreg.gather [hbm4b:s5+s3], $0x80, v4, vm0, $0xb8;
	[tilespmem:$0x1D000] =	vst v63  }
0x7a: {  	s14 =	simm.s32 $0xE000;
	v3 =	vadd.s32 v1, v3  }
0x7b: {  	[tilespmem:s14], [sflag:$0x4] =	stream.indirect_vreg.gather [hbm4b:s6+s3], $0x80, v4, vm0, $0xb8;
	[tilespmem:$0x1D000] =	vst v63  }
0x7c: {  	s26 =	simm.s32 $0xE800  }
0x7d: {  	[tilespmem:s26], [sflag:$0x4] =	stream.indirect_vreg.gather [hbm4b:s7+s3], $0x80, v4, vm0, $0xb8;
	[tilespmem:$0x1D000] =	vst v63  }
0x7e: {  	s0 =	simm.s32 $0xF000  }
0x7f: {  	[tilespmem:s0], [sflag:$0x4] =	stream.indirect_vreg.gather [hbm4b:s2+s3], $0x80, v3, vm0, $0xb8;
	[tilespmem:$0x1D000] =	vst v63  }
0x80: {  	s1 =	simm.s32 $0xF800  }
0x81: {  	[tilespmem:s1], [sflag:$0x4] =	stream.indirect_vreg.gather [hbm4b:s5+s3], $0x80, v3, vm0, $0xb8;
	[tilespmem:$0x1D000] =	vst v63  }
0x82: {  	s8 =	simm.s32 $0x10000  }
0x83: {  	[tilespmem:s8], [sflag:$0x4] =	stream.indirect_vreg.gather [hbm4b:s6+s3], $0x80, v3, vm0, $0xb8;
	[tilespmem:$0x1D000] =	vst v63  }
0x84: {  	s12 =	simm.s32 $0x10800  }
0x85: {  	[tilespmem:s12], [sflag:$0x4] =	stream.indirect_vreg.gather [hbm4b:s7+s3], $0x80, v3, vm0, $0xb8;
	[tilespmem:$0x1D000] =	vst v63  }
0x86: {  	v3 =	vld [tilespmem:$0x200];
	_ =	sdelay $0x4  }
0x87: {  	v36 =	vshll.u32 v3, $0x3  }
0x88: {  	v3 =	vand.u32 $0x7, v3;
	v4 =	vand.u32 $0xFFFFFFC0, v36  }
0x89: {  	v3 =	vor.u32 v3, v4  }
0x8a: {  	v4 =	vperm.xlane v3, v0;
	_ =	sdelay $0x1  }
0x8b: {  	v4 =	vadd.s32 v1, v4;
	_ =	sdelay $0x3  }
0x8c: {  	s13 =	simm.s32 $0x11000  }
0x8d: {  	[tilespmem:s13], [sflag:$0x5] =	stream.indirect_vreg.gather [hbm4b:s2+s3], $0x80, v4, vm0, $0xb8;
	[tilespmem:$0x1D000] =	vst v63  }
0x8e: {  	s14 =	simm.s32 $0x11800;
	v3 =	vperm.xlane v3, v2  }
0x8f: {  	[tilespmem:s14], [sflag:$0x5] =	stream.indirect_vreg.gather [hbm4b:s5+s3], $0x80, v4, vm0, $0xb8;
	[tilespmem:$0x1D000] =	vst v63  }
0x90: {  	s26 =	simm.s32 $0x12000;
	v3 =	vadd.s32 v1, v3  }
0x91: {  	[tilespmem:s26], [sflag:$0x5] =	stream.indirect_vreg.gather [hbm4b:s6+s3], $0x80, v4, vm0, $0xb8;
	[tilespmem:$0x1D000] =	vst v63  }
0x92: {  	s8 =	simm.s32 $0x12800  }
0x93: {  	[tilespmem:s8], [sflag:$0x5] =	stream.indirect_vreg.gather [hbm4b:s7+s3], $0x80, v4, vm0, $0xb8;
	[tilespmem:$0x1D000] =	vst v63  }
0x94: {  	s10 =	simm.s32 $0x13000  }
0x95: {  	[tilespmem:s10], [sflag:$0x5] =	stream.indirect_vreg.gather [hbm4b:s2+s3], $0x80, v3, vm0, $0xb8;
	[tilespmem:$0x1D000] =	vst v63  }
0x96: {  	s13 =	simm.s32 $0x13800  }
0x97: {  	[tilespmem:s13], [sflag:$0x5] =	stream.indirect_vreg.gather [hbm4b:s5+s3], $0x80, v3, vm0, $0xb8;
	[tilespmem:$0x1D000] =	vst v63  }
0x98: {  	s14 =	simm.s32 $0x14000  }
0x99: {  	[tilespmem:s14], [sflag:$0x5] =	stream.indirect_vreg.gather [hbm4b:s6+s3], $0x80, v3, vm0, $0xb8;
	[tilespmem:$0x1D000] =	vst v63  }
0x9a: {  	s8 =	simm.s32 $0x14800  }
0x9b: {  	[tilespmem:s8], [sflag:$0x5] =	stream.indirect_vreg.gather [hbm4b:s7+s3], $0x80, v3, vm0, $0xb8;
	[tilespmem:$0x1D000] =	vst v63  }
0x9c: {  	v3 =	vld [tilespmem:$0x280];
	_ =	sdelay $0x4  }
0x9d: {  	v37 =	vshll.u32 v3, $0x3  }
0x9e: {  	v3 =	vand.u32 $0x7, v3;
	v4 =	vand.u32 $0xFFFFFFC0, v37  }
0x9f: {  	v3 =	vor.u32 v3, v4  }
0xa0: {  	v4 =	vperm.xlane v3, v0;
	_ =	sdelay $0x1  }
0xa1: {  	v4 =	vadd.s32 v1, v4;
	_ =	sdelay $0x3  }
0xa2: {  	s14 =	simm.s32 $0x15000  }
0xa3: {  	[tilespmem:s14], [sflag:$0x6] =	stream.indirect_vreg.gather [hbm4b:s2+s3], $0x80, v4, vm0, $0xb8;
	[tilespmem:$0x1D000] =	vst v63  }
0xa4: {  	v3 =	vperm.xlane v3, v2;
	s14 =	simm.s32 $0x15800  }
0xa5: {  	[tilespmem:s14], [sflag:$0x6] =	stream.indirect_vreg.gather [hbm4b:s5+s3], $0x80, v4, vm0, $0xb8;
	[tilespmem:$0x1D000] =	vst v63  }
0xa6: {  	v3 =	vadd.s32 v1, v3;
	s14 =	simm.s32 $0x16000  }
0xa7: {  	[tilespmem:s14], [sflag:$0x6] =	stream.indirect_vreg.gather [hbm4b:s6+s3], $0x80, v4, vm0, $0xb8;
	[tilespmem:$0x1D000] =	vst v63  }
0xa8: {  	s14 =	simm.s32 $0x16800  }
0xa9: {  	[tilespmem:s14], [sflag:$0x6] =	stream.indirect_vreg.gather [hbm4b:s7+s3], $0x80, v4, vm0, $0xb8;
	[tilespmem:$0x1D000] =	vst v63  }
0xaa: {  	s14 =	simm.s32 $0x17000  }
0xab: {  	[tilespmem:s14], [sflag:$0x6] =	stream.indirect_vreg.gather [hbm4b:s2+s3], $0x80, v3, vm0, $0xb8;
	[tilespmem:$0x1D000] =	vst v63  }
0xac: {  	s14 =	simm.s32 $0x17800  }
0xad: {  	[tilespmem:s14], [sflag:$0x6] =	stream.indirect_vreg.gather [hbm4b:s5+s3], $0x80, v3, vm0, $0xb8;
	[tilespmem:$0x1D000] =	vst v63  }
0xae: {  	s14 =	simm.s32 $0x18000  }
0xaf: {  	[tilespmem:s14], [sflag:$0x6] =	stream.indirect_vreg.gather [hbm4b:s6+s3], $0x80, v3, vm0, $0xb8;
	[tilespmem:$0x1D000] =	vst v63  }
0xb0: {  	s14 =	simm.s32 $0x18800  }
0xb1: {  	[tilespmem:s14], [sflag:$0x6] =	stream.indirect_vreg.gather [hbm4b:s7+s3], $0x80, v3, vm0, $0xb8;
	[tilespmem:$0x1D000] =	vst v63  }
0xb2: {  	v3 =	vld [tilespmem:$0x300];
	_ =	sdelay $0x4  }
0xb3: {  	v38 =	vshll.u32 v3, $0x3  }
0xb4: {  	v3 =	vand.u32 $0x7, v3;
	v4 =	vand.u32 $0xFFFFFFC0, v38  }
0xb5: {  	v3 =	vor.u32 v3, v4  }
0xb6: {  	v4 =	vperm.xlane v3, v0;
	_ =	sdelay $0x1  }
0xb7: {  	v4 =	vadd.s32 v1, v4;
	_ =	sdelay $0x3  }
0xb8: {  	s14 =	simm.s32 $0x19000  }
0xb9: {  	[tilespmem:s14], [sflag:$0x7] =	stream.indirect_vreg.gather [hbm4b:s2+s3], $0x80, v4, vm0, $0xb8;
	[tilespmem:$0x1D000] =	vst v63  }
0xba: {  	v3 =	vperm.xlane v3, v2;
	s14 =	simm.s32 $0x19800  }
0xbb: {  	[tilespmem:s14], [sflag:$0x7] =	stream.indirect_vreg.gather [hbm4b:s5+s3], $0x80, v4, vm0, $0xb8;
	[tilespmem:$0x1D000] =	vst v63  }
0xbc: {  	v3 =	vadd.s32 v1, v3;
	s14 =	simm.s32 $0x1A000  }
0xbd: {  	[tilespmem:s14], [sflag:$0x7] =	stream.indirect_vreg.gather [hbm4b:s6+s3], $0x80, v4, vm0, $0xb8;
	[tilespmem:$0x1D000] =	vst v63  }
0xbe: {  	s14 =	simm.s32 $0x1A800  }
0xbf: {  	[tilespmem:s14], [sflag:$0x7] =	stream.indirect_vreg.gather [hbm4b:s7+s3], $0x80, v4, vm0, $0xb8;
	[tilespmem:$0x1D000] =	vst v63  }
0xc0: {  	s14 =	simm.s32 $0x1B000  }
0xc1: {  	[tilespmem:s14], [sflag:$0x7] =	stream.indirect_vreg.gather [hbm4b:s2+s3], $0x80, v3, vm0, $0xb8;
	[tilespmem:$0x1D000] =	vst v63  }
0xc2: {  	s14 =	simm.s32 $0x1B800  }
0xc3: {  	[tilespmem:s14], [sflag:$0x7] =	stream.indirect_vreg.gather [hbm4b:s5+s3], $0x80, v3, vm0, $0xb8;
	[tilespmem:$0x1D000] =	vst v63  }
0xc4: {  	s14 =	simm.s32 $0x1C000  }
0xc5: {  	[tilespmem:s14], [sflag:$0x7] =	stream.indirect_vreg.gather [hbm4b:s6+s3], $0x80, v3, vm0, $0xb8;
	[tilespmem:$0x1D000] =	vst v63  }
0xc6: {  	s14 =	simm.s32 $0x1C800  }
0xc7: {  	[tilespmem:s14], [sflag:$0x7] =	stream.indirect_vreg.gather [hbm4b:s7+s3], $0x80, v3, vm0, $0xb8;
	[tilespmem:$0x1D000] =	vst v63  }
0xc8: {  	_ =	swait.ge [sflag:s22], $0x4000  }
0xc9: {  	s14 =	sld [smem:$0x7FC]  }
0xca: {  	[sflag:s22] =	ssyncset.done $0x0  }
0xcb: {  	s0 =	simm.s32 $0x1000;
	[sflag:s22] =	ssyncadd.s32 $0xFFFFC000  }
0xcc: {  	[hbm4b:s14+s3] =	stream.linear.scatter [tilespmem:s0], [sflag:$0x8], $0x4000, $0x38;
	[tilespmem:$0x1D000] =	vst v63  }
0xcd: {  	_ =	swait.ge [sflag:s23], $0x4000  }
0xce: {  	[sflag:s23] =	ssyncset.done $0x0  }
0xcf: {  	[sflag:s23] =	ssyncadd.s32 $0xFFFFC000  }
0xd0: {  	v3 =	vld [tilespmem:$0x380];
	_ =	sdelay $0x4  }
0xd1: {  	v39 =	vshll.u32 v3, $0x3  }
0xd2: {  	v3 =	vand.u32 $0x7, v3;
	v4 =	vand.u32 $0xFFFFFFC0, v39  }
0xd3: {  	v3 =	vor.u32 v3, v4  }
0xd4: {  	v4 =	vperm.xlane v3, v0;
	_ =	sdelay $0x1  }
0xd5: {  	v4 =	vadd.s32 v1, v4;
	_ =	sdelay $0x4  }
0xd6: {  	[tilespmem:s0], [sflag:$0x1] =	stream.indirect_vreg.gather [hbm4b:s2+s3], $0x80, v4, vm0, $0xb8;
	[tilespmem:$0x1D000] =	vst v63  }
0xd7: {  	s9 =	simm.s32 $0x1800;
	v3 =	vperm.xlane v3, v2  }
0xd8: {  	[tilespmem:s9], [sflag:$0x1] =	stream.indirect_vreg.gather [hbm4b:s5+s3], $0x80, v4, vm0, $0xb8;
	[tilespmem:$0x1D000] =	vst v63  }
0xd9: {  	s18 =	simm.s32 $0x2000;
	v3 =	vadd.s32 v1, v3  }
0xda: {  	[tilespmem:s18], [sflag:$0x1] =	stream.indirect_vreg.gather [hbm4b:s6+s3], $0x80, v4, vm0, $0xb8;
	[tilespmem:$0x1D000] =	vst v63  }
0xdb: {  	s19 =	simm.s32 $0x2800  }
0xdc: {  	[tilespmem:s19], [sflag:$0x1] =	stream.indirect_vreg.gather [hbm4b:s7+s3], $0x80, v4, vm0, $0xb8;
	[tilespmem:$0x1D000] =	vst v63  }
0xdd: {  	s15 =	simm.s32 $0x3000  }
0xde: {  	[tilespmem:s15], [sflag:$0x1] =	stream.indirect_vreg.gather [hbm4b:s2+s3], $0x80, v3, vm0, $0xb8;
	[tilespmem:$0x1D000] =	vst v63  }
0xdf: {  	s16 =	simm.s32 $0x3800  }
0xe0: {  	[tilespmem:s16], [sflag:$0x1] =	stream.indirect_vreg.gather [hbm4b:s5+s3], $0x80, v3, vm0, $0xb8;
	[tilespmem:$0x1D000] =	vst v63  }
0xe1: {  	s17 =	simm.s32 $0x4000  }
0xe2: {  	[tilespmem:s17], [sflag:$0x1] =	stream.indirect_vreg.gather [hbm4b:s6+s3], $0x80, v3, vm0, $0xb8;
	[tilespmem:$0x1D000] =	vst v63  }
0xe3: {  	s11 =	simm.s32 $0x4800  }
0xe4: {  	[tilespmem:s11], [sflag:$0x1] =	stream.indirect_vreg.gather [hbm4b:s7+s3], $0x80, v3, vm0, $0xb8;
	[tilespmem:$0x1D000] =	vst v63  }
0xe5: {  	_ =	swait.ge [sflag:s24], $0x4000  }
0xe6: {  	[sflag:s24] =	ssyncset.done $0x0  }
0xe7: {  	s11 =	simm.s32 $0x5000;
	s9 =	rddreg [dreg:$0x5];
	[sflag:s24] =	ssyncadd.s32 $0xFFFFC000  }
0xe8: {  	[hbm4b:s9+s3] =	stream.linear.scatter [tilespmem:s11], [sflag:$0x9], $0x4000, $0x38;
	[tilespmem:$0x1D000] =	vst v63  }
0xe9: {  	_ =	swait.ge [sflag:s25], $0x4000  }
0xea: {  	[sflag:s25] =	ssyncset.done $0x0  }
0xeb: {  	[sflag:s25] =	ssyncadd.s32 $0xFFFFC000  }
0xec: {  	v3 =	vld [tilespmem:$0x400];
	_ =	sdelay $0x4  }
0xed: {  	v40 =	vshll.u32 v3, $0x3  }
0xee: {  	v3 =	vand.u32 $0x7, v3;
	v4 =	vand.u32 $0xFFFFFFC0, v40  }
0xef: {  	v3 =	vor.u32 v3, v4  }
0xf0: {  	v4 =	vperm.xlane v3, v0;
	_ =	sdelay $0x1  }
0xf1: {  	v4 =	vadd.s32 v1, v4;
	_ =	sdelay $0x4  }
0xf2: {  	[tilespmem:s11], [sflag:$0x2] =	stream.indirect_vreg.gather [hbm4b:s2+s3], $0x80, v4, vm0, $0xb8;
	[tilespmem:$0x1D000] =	vst v63  }
0xf3: {  	s21 =	simm.s32 $0x5800;
	v3 =	vperm.xlane v3, v2  }
0xf4: {  	[tilespmem:s21], [sflag:$0x2] =	stream.indirect_vreg.gather [hbm4b:s5+s3], $0x80, v4, vm0, $0xb8;
	[tilespmem:$0x1D000] =	vst v63  }
0xf5: {  	s16 =	simm.s32 $0x6000;
	v3 =	vadd.s32 v1, v3  }
0xf6: {  	[tilespmem:s16], [sflag:$0x2] =	stream.indirect_vreg.gather [hbm4b:s6+s3], $0x80, v4, vm0, $0xb8;
	[tilespmem:$0x1D000] =	vst v63  }
0xf7: {  	s17 =	simm.s32 $0x6800  }
0xf8: {  	[tilespmem:s17], [sflag:$0x2] =	stream.indirect_vreg.gather [hbm4b:s7+s3], $0x80, v4, vm0, $0xb8;
	[tilespmem:$0x1D000] =	vst v63  }
0xf9: {  	s18 =	simm.s32 $0x7000  }
0xfa: {  	[tilespmem:s18], [sflag:$0x2] =	stream.indirect_vreg.gather [hbm4b:s2+s3], $0x80, v3, vm0, $0xb8;
	[tilespmem:$0x1D000] =	vst v63  }
0xfb: {  	s19 =	simm.s32 $0x7800  }
0xfc: {  	[tilespmem:s19], [sflag:$0x2] =	stream.indirect_vreg.gather [hbm4b:s5+s3], $0x80, v3, vm0, $0xb8;
	[tilespmem:$0x1D000] =	vst v63  }
0xfd: {  	s21 =	simm.s32 $0x8000  }
0xfe: {  	[tilespmem:s21], [sflag:$0x2] =	stream.indirect_vreg.gather [hbm4b:s6+s3], $0x80, v3, vm0, $0xb8;
	[tilespmem:$0x1D000] =	vst v63  }
0xff: {  	s20 =	simm.s32 $0x8800  }
0x100: {  	[tilespmem:s20], [sflag:$0x2] =	stream.indirect_vreg.gather [hbm4b:s7+s3], $0x80, v3, vm0, $0xb8;
	[tilespmem:$0x1D000] =	vst v63  }
0x101: {  	_ =	swait.ge [sflag:s28], $0x4000  }
0x102: {  	[sflag:s28] =	ssyncset.done $0x0  }
0x103: {  	s11 =	simm.s32 $0x9000;
	s9 =	rddreg [dreg:$0x6];
	[sflag:s28] =	ssyncadd.s32 $0xFFFFC000  }
0x104: {  	[hbm4b:s9+s3] =	stream.linear.scatter [tilespmem:s11], [sflag:$0xA], $0x4000, $0x38;
	[tilespmem:$0x1D000] =	vst v63  }
0x105: {  	_ =	swait.ge [sflag:s29], $0x4000  }
0x106: {  	[sflag:s29] =	ssyncset.done $0x0  }
0x107: {  	[sflag:s29] =	ssyncadd.s32 $0xFFFFC000  }
0x108: {  	v3 =	vld [tilespmem:$0x480];
	_ =	sdelay $0x4  }
0x109: {  	v41 =	vshll.u32 v3, $0x3  }
0x10a: {  	v3 =	vand.u32 $0x7, v3;
	v4 =	vand.u32 $0xFFFFFFC0, v41  }
0x10b: {  	v3 =	vor.u32 v3, v4  }
0x10c: {  	v4 =	vperm.xlane v3, v0;
	_ =	sdelay $0x1  }
0x10d: {  	v4 =	vadd.s32 v1, v4;
	_ =	sdelay $0x4  }
0x10e: {  	[tilespmem:s11], [sflag:$0x3] =	stream.indirect_vreg.gather [hbm4b:s2+s3], $0x80, v4, vm0, $0xb8;
	[tilespmem:$0x1D000] =	vst v63  }
0x10f: {  	s16 =	simm.s32 $0x9800;
	v3 =	vperm.xlane v3, v2  }
0x110: {  	[tilespmem:s16], [sflag:$0x3] =	stream.indirect_vreg.gather [hbm4b:s5+s3], $0x80, v4, vm0, $0xb8;
	[tilespmem:$0x1D000] =	vst v63  }
0x111: {  	s17 =	simm.s32 $0xA000;
	v3 =	vadd.s32 v1, v3  }
0x112: {  	[tilespmem:s17], [sflag:$0x3] =	stream.indirect_vreg.gather [hbm4b:s6+s3], $0x80, v4, vm0, $0xb8;
	[tilespmem:$0x1D000] =	vst v63  }
0x113: {  	s18 =	simm.s32 $0xA800  }
0x114: {  	[tilespmem:s18], [sflag:$0x3] =	stream.indirect_vreg.gather [hbm4b:s7+s3], $0x80, v4, vm0, $0xb8;
	[tilespmem:$0x1D000] =	vst v63  }
0x115: {  	s19 =	simm.s32 $0xB000  }
0x116: {  	[tilespmem:s19], [sflag:$0x3] =	stream.indirect_vreg.gather [hbm4b:s2+s3], $0x80, v3, vm0, $0xb8;
	[tilespmem:$0x1D000] =	vst v63  }
0x117: {  	s20 =	simm.s32 $0xB800  }
0x118: {  	[tilespmem:s20], [sflag:$0x3] =	stream.indirect_vreg.gather [hbm4b:s5+s3], $0x80, v3, vm0, $0xb8;
	[tilespmem:$0x1D000] =	vst v63  }
0x119: {  	s20 =	simm.s32 $0xC000  }
0x11a: {  	[tilespmem:s20], [sflag:$0x3] =	stream.indirect_vreg.gather [hbm4b:s6+s3], $0x80, v3, vm0, $0xb8;
	[tilespmem:$0x1D000] =	vst v63  }
0x11b: {  	s21 =	simm.s32 $0xC800  }
0x11c: {  	[tilespmem:s21], [sflag:$0x3] =	stream.indirect_vreg.gather [hbm4b:s7+s3], $0x80, v3, vm0, $0xb8;
	[tilespmem:$0x1D000] =	vst v63  }
0x11d: {  	_ =	swait.ge [sflag:s30], $0x4000  }
0x11e: {  	[sflag:s30] =	ssyncset.done $0x0  }
0x11f: {  	s11 =	simm.s32 $0xD000;
	s9 =	rddreg [dreg:$0x7];
	[sflag:s30] =	ssyncadd.s32 $0xFFFFC000  }
0x120: {  	[hbm4b:s9+s3] =	stream.linear.scatter [tilespmem:s11], [sflag:$0xB], $0x4000, $0x38;
	[tilespmem:$0x1D000] =	vst v63  }
0x121: {  	_ =	swait.ge [sflag:s31], $0x4000  }
0x122: {  	[sflag:s31] =	ssyncset.done $0x0  }
0x123: {  	[sflag:s31] =	ssyncadd.s32 $0xFFFFC000  }
0x124: {  	v3 =	vld [tilespmem:$0x500];
	_ =	sdelay $0x4  }
0x125: {  	v42 =	vshll.u32 v3, $0x3  }
0x126: {  	v3 =	vand.u32 $0x7, v3;
	v4 =	vand.u32 $0xFFFFFFC0, v42  }
0x127: {  	v3 =	vor.u32 v3, v4  }
0x128: {  	v4 =	vperm.xlane v3, v0;
	_ =	sdelay $0x1  }
0x129: {  	v4 =	vadd.s32 v1, v4;
	_ =	sdelay $0x4  }
0x12a: {  	[tilespmem:s11], [sflag:$0x4] =	stream.indirect_vreg.gather [hbm4b:s2+s3], $0x80, v4, vm0, $0xb8;
	[tilespmem:$0x1D000] =	vst v63  }
0x12b: {  	s14 =	simm.s32 $0xD800;
	v3 =	vperm.xlane v3, v2  }
0x12c: {  	[tilespmem:s14], [sflag:$0x4] =	stream.indirect_vreg.gather [hbm4b:s5+s3], $0x80, v4, vm0, $0xb8;
	[tilespmem:$0x1D000] =	vst v63  }
0x12d: {  	s16 =	simm.s32 $0xE000;
	v3 =	vadd.s32 v1, v3  }
0x12e: {  	[tilespmem:s16], [sflag:$0x4] =	stream.indirect_vreg.gather [hbm4b:s6+s3], $0x80, v4, vm0, $0xb8;
	[tilespmem:$0x1D000] =	vst v63  }
0x12f: {  	s17 =	simm.s32 $0xE800  }
0x130: {  	[tilespmem:s17], [sflag:$0x4] =	stream.indirect_vreg.gather [hbm4b:s7+s3], $0x80, v4, vm0, $0xb8;
	[tilespmem:$0x1D000] =	vst v63  }
0x131: {  	s18 =	simm.s32 $0xF000  }
0x132: {  	[tilespmem:s18], [sflag:$0x4] =	stream.indirect_vreg.gather [hbm4b:s2+s3], $0x80, v3, vm0, $0xb8;
	[tilespmem:$0x1D000] =	vst v63  }
0x133: {  	s21 =	simm.s32 $0xF800  }
0x134: {  	[tilespmem:s21], [sflag:$0x4] =	stream.indirect_vreg.gather [hbm4b:s5+s3], $0x80, v3, vm0, $0xb8;
	[tilespmem:$0x1D000] =	vst v63  }
0x135: {  	s19 =	simm.s32 $0x10000  }
0x136: {  	[tilespmem:s19], [sflag:$0x4] =	stream.indirect_vreg.gather [hbm4b:s6+s3], $0x80, v3, vm0, $0xb8;
	[tilespmem:$0x1D000] =	vst v63  }
0x137: {  	s0 =	simm.s32 $0x5;
	s9 =	simm.s32 $0x10800  }
0x138: {  	[tilespmem:s9], [sflag:$0x4] =	stream.indirect_vreg.gather [hbm4b:s7+s3], $0x80, v3, vm0, $0xb8;
	[tilespmem:$0x1D000] =	vst v63  }
0x139: {  	_ =	swait.ge [sflag:s0], $0x4000  }
0x13a: {  	s16 =	simm.s32 $0x11000;
	[sflag:s0] =	ssyncset.done $0x0  }
0x13b: {  	s9 =	simm.s32 $0xC;
	s11 =	rddreg [dreg:$0x8];
	[sflag:s0] =	ssyncadd.s32 $0xFFFFC000  }
0x13c: {  	[hbm4b:s11+s3] =	stream.linear.scatter [tilespmem:s16], [sflag:$0xC], $0x4000, $0x38;
	[tilespmem:$0x1D000] =	vst v63  }
0x13d: {  	_ =	swait.ge [sflag:s9], $0x4000  }
0x13e: {  	[sflag:s9] =	ssyncset.done $0x0  }
0x13f: {  	[sflag:s9] =	ssyncadd.s32 $0xFFFFC000  }
0x140: {  	v3 =	vld [tilespmem:$0x580];
	_ =	sdelay $0x4  }
0x141: {  	v43 =	vshll.u32 v3, $0x3  }
0x142: {  	v3 =	vand.u32 $0x7, v3;
	v4 =	vand.u32 $0xFFFFFFC0, v43  }
0x143: {  	v3 =	vor.u32 v3, v4  }
0x144: {  	v4 =	vperm.xlane v3, v0;
	_ =	sdelay $0x1  }
0x145: {  	v4 =	vadd.s32 v1, v4;
	_ =	sdelay $0x4  }
0x146: {  	[tilespmem:s16], [sflag:$0x5] =	stream.indirect_vreg.gather [hbm4b:s2+s3], $0x80, v4, vm0, $0xb8;
	[tilespmem:$0x1D000] =	vst v63  }
0x147: {  	s1 =	simm.s32 $0x11800;
	v3 =	vperm.xlane v3, v2  }
0x148: {  	[tilespmem:s1], [sflag:$0x5] =	stream.indirect_vreg.gather [hbm4b:s5+s3], $0x80, v4, vm0, $0xb8;
	[tilespmem:$0x1D000] =	vst v63  }
0x149: {  	s12 =	simm.s32 $0x12000;
	v3 =	vadd.s32 v1, v3  }
0x14a: {  	[tilespmem:s12], [sflag:$0x5] =	stream.indirect_vreg.gather [hbm4b:s6+s3], $0x80, v4, vm0, $0xb8;
	[tilespmem:$0x1D000] =	vst v63  }
0x14b: {  	s26 =	simm.s32 $0x12800  }
0x14c: {  	[tilespmem:s26], [sflag:$0x5] =	stream.indirect_vreg.gather [hbm4b:s7+s3], $0x80, v4, vm0, $0xb8;
	[tilespmem:$0x1D000] =	vst v63  }
0x14d: {  	s17 =	simm.s32 $0x13000  }
0x14e: {  	[tilespmem:s17], [sflag:$0x5] =	stream.indirect_vreg.gather [hbm4b:s2+s3], $0x80, v3, vm0, $0xb8;
	[tilespmem:$0x1D000] =	vst v63  }
0x14f: {  	s10 =	simm.s32 $0x13800  }
0x150: {  	[tilespmem:s10], [sflag:$0x5] =	stream.indirect_vreg.gather [hbm4b:s5+s3], $0x80, v3, vm0, $0xb8;
	[tilespmem:$0x1D000] =	vst v63  }
0x151: {  	s13 =	simm.s32 $0x14000  }
0x152: {  	[tilespmem:s13], [sflag:$0x5] =	stream.indirect_vreg.gather [hbm4b:s6+s3], $0x80, v3, vm0, $0xb8;
	[tilespmem:$0x1D000] =	vst v63  }
0x153: {  	s8 =	simm.s32 $0x14800;
	s11 =	simm.s32 $0x6  }
0x154: {  	[tilespmem:s8], [sflag:$0x5] =	stream.indirect_vreg.gather [hbm4b:s7+s3], $0x80, v3, vm0, $0xb8;
	[tilespmem:$0x1D000] =	vst v63  }
0x155: {  	_ =	swait.ge [sflag:s11], $0x4000  }
0x156: {  	s12 =	simm.s32 $0xD;
	[sflag:s11] =	ssyncset.done $0x0  }
0x157: {  	s26 =	simm.s32 $0x15000;
	s18 =	rddreg [dreg:$0x9];
	[sflag:s11] =	ssyncadd.s32 $0xFFFFC000  }
0x158: {  	[hbm4b:s18+s3] =	stream.linear.scatter [tilespmem:s26], [sflag:$0xD], $0x4000, $0x38;
	[tilespmem:$0x1D000] =	vst v63  }
0x159: {  	_ =	swait.ge [sflag:s12], $0x4000  }
0x15a: {  	[sflag:s12] =	ssyncset.done $0x0  }
0x15b: {  	[sflag:s12] =	ssyncadd.s32 $0xFFFFC000  }
0x15c: {  	v3 =	vld [tilespmem:$0x600];
	_ =	sdelay $0x4  }
0x15d: {  	v44 =	vshll.u32 v3, $0x3  }
0x15e: {  	v3 =	vand.u32 $0x7, v3;
	v4 =	vand.u32 $0xFFFFFFC0, v44  }
0x15f: {  	v3 =	vor.u32 v3, v4  }
0x160: {  	v4 =	vperm.xlane v3, v0;
	_ =	sdelay $0x1  }
0x161: {  	v4 =	vadd.s32 v1, v4;
	_ =	sdelay $0x4  }
0x162: {  	[tilespmem:s26], [sflag:$0x6] =	stream.indirect_vreg.gather [hbm4b:s2+s3], $0x80, v4, vm0, $0xb8;
	[tilespmem:$0x1D000] =	vst v63  }
0x163: {  	s8 =	simm.s32 $0x15800;
	v3 =	vperm.xlane v3, v2  }
0x164: {  	[tilespmem:s8], [sflag:$0x6] =	stream.indirect_vreg.gather [hbm4b:s5+s3], $0x80, v4, vm0, $0xb8;
	[tilespmem:$0x1D000] =	vst v63  }
0x165: {  	s10 =	simm.s32 $0x16000;
	v3 =	vadd.s32 v1, v3  }
0x166: {  	[tilespmem:s10], [sflag:$0x6] =	stream.indirect_vreg.gather [hbm4b:s6+s3], $0x80, v4, vm0, $0xb8;
	[tilespmem:$0x1D000] =	vst v63  }
0x167: {  	s13 =	simm.s32 $0x16800  }
0x168: {  	[tilespmem:s13], [sflag:$0x6] =	stream.indirect_vreg.gather [hbm4b:s7+s3], $0x80, v4, vm0, $0xb8;
	[tilespmem:$0x1D000] =	vst v63  }
0x169: {  	s14 =	simm.s32 $0x17000  }
0x16a: {  	[tilespmem:s14], [sflag:$0x6] =	stream.indirect_vreg.gather [hbm4b:s2+s3], $0x80, v3, vm0, $0xb8;
	[tilespmem:$0x1D000] =	vst v63  }
0x16b: {  	s16 =	simm.s32 $0x17800  }
0x16c: {  	[tilespmem:s16], [sflag:$0x6] =	stream.indirect_vreg.gather [hbm4b:s5+s3], $0x80, v3, vm0, $0xb8;
	[tilespmem:$0x1D000] =	vst v63  }
0x16d: {  	s17 =	simm.s32 $0x18000  }
0x16e: {  	[tilespmem:s17], [sflag:$0x6] =	stream.indirect_vreg.gather [hbm4b:s6+s3], $0x80, v3, vm0, $0xb8;
	[tilespmem:$0x1D000] =	vst v63  }
0x16f: {  	s26 =	simm.s32 $0x18800;
	s13 =	simm.s32 $0x7  }
0x170: {  	[tilespmem:s26], [sflag:$0x6] =	stream.indirect_vreg.gather [hbm4b:s7+s3], $0x80, v3, vm0, $0xb8;
	[tilespmem:$0x1D000] =	vst v63  }
0x171: {  	_ =	swait.ge [sflag:s13], $0x4000  }
0x172: {  	[sflag:s13] =	ssyncset.done $0x0  }
0x173: {  	s10 =	simm.s32 $0x19000;
	s8 =	rddreg [dreg:$0xa];
	[sflag:s13] =	ssyncadd.s32 $0xFFFFC000  }
0x174: {  	[hbm4b:s8+s3] =	stream.linear.scatter [tilespmem:s10], [sflag:$0xE], $0x4000, $0x38;
	[tilespmem:$0x1D000] =	vst v63  }
0x175: {  	s8 =	simm.s32 $0xE  }
0x176: {  	_ =	swait.ge [sflag:s8], $0x4000  }
0x177: {  	[sflag:s8] =	ssyncset.done $0x0  }
0x178: {  	[sflag:s8] =	ssyncadd.s32 $0xFFFFC000  }
0x179: {  	v3 =	vld [tilespmem:$0x680];
	_ =	sdelay $0x4  }
0x17a: {  	v45 =	vshll.u32 v3, $0x3  }
0x17b: {  	v3 =	vand.u32 $0x7, v3;
	v4 =	vand.u32 $0xFFFFFFC0, v45  }
0x17c: {  	v3 =	vor.u32 v3, v4  }
0x17d: {  	v4 =	vperm.xlane v3, v0;
	_ =	sdelay $0x1  }
0x17e: {  	v4 =	vadd.s32 v1, v4;
	_ =	sdelay $0x4  }
0x17f: {  	[tilespmem:s10], [sflag:$0x7] =	stream.indirect_vreg.gather [hbm4b:s2+s3], $0x80, v4, vm0, $0xb8;
	[tilespmem:$0x1D000] =	vst v63  }
0x180: {  	s14 =	simm.s32 $0x19800;
	v3 =	vperm.xlane v3, v2  }
0x181: {  	[tilespmem:s14], [sflag:$0x7] =	stream.indirect_vreg.gather [hbm4b:s5+s3], $0x80, v4, vm0, $0xb8;
	[tilespmem:$0x1D000] =	vst v63  }
0x182: {  	s16 =	simm.s32 $0x1A000;
	v3 =	vadd.s32 v1, v3  }
0x183: {  	[tilespmem:s16], [sflag:$0x7] =	stream.indirect_vreg.gather [hbm4b:s6+s3], $0x80, v4, vm0, $0xb8;
	[tilespmem:$0x1D000] =	vst v63  }
0x184: {  	s26 =	simm.s32 $0x1A800  }
0x185: {  	[tilespmem:s26], [sflag:$0x7] =	stream.indirect_vreg.gather [hbm4b:s7+s3], $0x80, v4, vm0, $0xb8;
	[tilespmem:$0x1D000] =	vst v63  }
0x186: {  	s10 =	simm.s32 $0x1B000  }
0x187: {  	[tilespmem:s10], [sflag:$0x7] =	stream.indirect_vreg.gather [hbm4b:s2+s3], $0x80, v3, vm0, $0xb8;
	[tilespmem:$0x1D000] =	vst v63  }
0x188: {  	s14 =	simm.s32 $0x1B800  }
0x189: {  	[tilespmem:s14], [sflag:$0x7] =	stream.indirect_vreg.gather [hbm4b:s5+s3], $0x80, v3, vm0, $0xb8;
	[tilespmem:$0x1D000] =	vst v63  }
0x18a: {  	s16 =	simm.s32 $0x1C000  }
0x18b: {  	[tilespmem:s16], [sflag:$0x7] =	stream.indirect_vreg.gather [hbm4b:s6+s3], $0x80, v3, vm0, $0xb8;
	[tilespmem:$0x1D000] =	vst v63  }
0x18c: {  	s26 =	simm.s32 $0x1C800  }
0x18d: {  	[tilespmem:s26], [sflag:$0x7] =	stream.indirect_vreg.gather [hbm4b:s7+s3], $0x80, v3, vm0, $0xb8;
	[tilespmem:$0x1D000] =	vst v63  }
0x18e: {  	_ =	swait.ge [sflag:s22], $0x4000  }
0x18f: {  	[sflag:s22] =	ssyncset.done $0x0  }
0x190: {  	s10 =	simm.s32 $0x1000;
	s1 =	rddreg [dreg:$0xb];
	[sflag:s22] =	ssyncadd.s32 $0xFFFFC000  }
0x191: {  	[hbm4b:s1+s3] =	stream.linear.scatter [tilespmem:s10], [sflag:$0x8], $0x4000, $0x38;
	[tilespmem:$0x1D000] =	vst v63  }
0x192: {  	_ =	swait.ge [sflag:s23], $0x4000  }
0x193: {  	[sflag:s23] =	ssyncset.done $0x0  }
0x194: {  	[sflag:s23] =	ssyncadd.s32 $0xFFFFC000  }
0x195: {  	v3 =	vld [tilespmem:$0x700];
	_ =	sdelay $0x4  }
0x196: {  	v46 =	vshll.u32 v3, $0x3  }
0x197: {  	v3 =	vand.u32 $0x7, v3;
	v4 =	vand.u32 $0xFFFFFFC0, v46  }
0x198: {  	v3 =	vor.u32 v3, v4  }
0x199: {  	v4 =	vperm.xlane v3, v0;
	_ =	sdelay $0x1  }
0x19a: {  	v4 =	vadd.s32 v1, v4;
	_ =	sdelay $0x4  }
0x19b: {  	[tilespmem:s10], [sflag:$0x1] =	stream.indirect_vreg.gather [hbm4b:s2+s3], $0x80, v4, vm0, $0xb8;
	[tilespmem:$0x1D000] =	vst v63  }
0x19c: {  	s14 =	simm.s32 $0x1800;
	v3 =	vperm.xlane v3, v2  }
0x19d: {  	[tilespmem:s14], [sflag:$0x1] =	stream.indirect_vreg.gather [hbm4b:s5+s3], $0x80, v4, vm0, $0xb8;
	[tilespmem:$0x1D000] =	vst v63  }
0x19e: {  	s26 =	simm.s32 $0x2000;
	v3 =	vadd.s32 v1, v3  }
0x19f: {  	[tilespmem:s26], [sflag:$0x1] =	stream.indirect_vreg.gather [hbm4b:s6+s3], $0x80, v4, vm0, $0xb8;
	[tilespmem:$0x1D000] =	vst v63  }
0x1a0: {  	s10 =	simm.s32 $0x2800  }
0x1a1: {  	[tilespmem:s10], [sflag:$0x1] =	stream.indirect_vreg.gather [hbm4b:s7+s3], $0x80, v4, vm0, $0xb8;
	[tilespmem:$0x1D000] =	vst v63  }
0x1a2: {  	s15 =	simm.s32 $0x3000  }
0x1a3: {  	[tilespmem:s15], [sflag:$0x1] =	stream.indirect_vreg.gather [hbm4b:s2+s3], $0x80, v3, vm0, $0xb8;
	[tilespmem:$0x1D000] =	vst v63  }
0x1a4: {  	s14 =	simm.s32 $0x3800  }
0x1a5: {  	[tilespmem:s14], [sflag:$0x1] =	stream.indirect_vreg.gather [hbm4b:s5+s3], $0x80, v3, vm0, $0xb8;
	[tilespmem:$0x1D000] =	vst v63  }
0x1a6: {  	s15 =	simm.s32 $0x4000  }
0x1a7: {  	[tilespmem:s15], [sflag:$0x1] =	stream.indirect_vreg.gather [hbm4b:s6+s3], $0x80, v3, vm0, $0xb8;
	[tilespmem:$0x1D000] =	vst v63  }
0x1a8: {  	s26 =	simm.s32 $0x4800  }
0x1a9: {  	[tilespmem:s26], [sflag:$0x1] =	stream.indirect_vreg.gather [hbm4b:s7+s3], $0x80, v3, vm0, $0xb8;
	[tilespmem:$0x1D000] =	vst v63  }
0x1aa: {  	_ =	swait.ge [sflag:s24], $0x4000  }
0x1ab: {  	[sflag:s24] =	ssyncset.done $0x0  }
0x1ac: {  	s15 =	simm.s32 $0x5000;
	s10 =	rddreg [dreg:$0xc];
	[sflag:s24] =	ssyncadd.s32 $0xFFFFC000  }
0x1ad: {  	[hbm4b:s10+s3] =	stream.linear.scatter [tilespmem:s15], [sflag:$0x9], $0x4000, $0x38;
	[tilespmem:$0x1D000] =	vst v63  }
0x1ae: {  	_ =	swait.ge [sflag:s25], $0x4000  }
0x1af: {  	[sflag:s25] =	ssyncset.done $0x0  }
0x1b0: {  	[sflag:s25] =	ssyncadd.s32 $0xFFFFC000  }
0x1b1: {  	v3 =	vld [tilespmem:$0x780];
	_ =	sdelay $0x4  }
0x1b2: {  	v47 =	vshll.u32 v3, $0x3  }
0x1b3: {  	v3 =	vand.u32 $0x7, v3;
	v4 =	vand.u32 $0xFFFFFFC0, v47  }
0x1b4: {  	v3 =	vor.u32 v3, v4  }
0x1b5: {  	v4 =	vperm.xlane v3, v0;
	_ =	sdelay $0x1  }
0x1b6: {  	v4 =	vadd.s32 v1, v4;
	_ =	sdelay $0x4  }
0x1b7: {  	[tilespmem:s15], [sflag:$0x2] =	stream.indirect_vreg.gather [hbm4b:s2+s3], $0x80, v4, vm0, $0xb8;
	[tilespmem:$0x1D000] =	vst v63  }
0x1b8: {  	s26 =	simm.s32 $0x5800;
	v3 =	vperm.xlane v3, v2  }
0x1b9: {  	[tilespmem:s26], [sflag:$0x2] =	stream.indirect_vreg.gather [hbm4b:s5+s3], $0x80, v4, vm0, $0xb8;
	[tilespmem:$0x1D000] =	vst v63  }
0x1ba: {  	s10 =	simm.s32 $0x6000;
	v3 =	vadd.s32 v1, v3  }
0x1bb: {  	[tilespmem:s10], [sflag:$0x2] =	stream.indirect_vreg.gather [hbm4b:s6+s3], $0x80, v4, vm0, $0xb8;
	[tilespmem:$0x1D000] =	vst v63  }
0x1bc: {  	s14 =	simm.s32 $0x6800  }
0x1bd: {  	[tilespmem:s14], [sflag:$0x2] =	stream.indirect_vreg.gather [hbm4b:s7+s3], $0x80, v4, vm0, $0xb8;
	[tilespmem:$0x1D000] =	vst v63  }
0x1be: {  	s26 =	simm.s32 $0x7000  }
0x1bf: {  	[tilespmem:s26], [sflag:$0x2] =	stream.indirect_vreg.gather [hbm4b:s2+s3], $0x80, v3, vm0, $0xb8;
	[tilespmem:$0x1D000] =	vst v63  }
0x1c0: {  	s10 =	simm.s32 $0x7800  }
0x1c1: {  	[tilespmem:s10], [sflag:$0x2] =	stream.indirect_vreg.gather [hbm4b:s5+s3], $0x80, v3, vm0, $0xb8;
	[tilespmem:$0x1D000] =	vst v63  }
0x1c2: {  	s14 =	simm.s32 $0x8000  }
0x1c3: {  	[tilespmem:s14], [sflag:$0x2] =	stream.indirect_vreg.gather [hbm4b:s6+s3], $0x80, v3, vm0, $0xb8;
	[tilespmem:$0x1D000] =	vst v63  }
0x1c4: {  	s26 =	simm.s32 $0x8800  }
0x1c5: {  	[tilespmem:s26], [sflag:$0x2] =	stream.indirect_vreg.gather [hbm4b:s7+s3], $0x80, v3, vm0, $0xb8;
	[tilespmem:$0x1D000] =	vst v63  }
0x1c6: {  	_ =	swait.ge [sflag:s28], $0x4000  }
0x1c7: {  	[sflag:s28] =	ssyncset.done $0x0  }
0x1c8: {  	s10 =	simm.s32 $0x9000;
	s1 =	rddreg [dreg:$0xd];
	[sflag:s28] =	ssyncadd.s32 $0xFFFFC000  }
0x1c9: {  	[hbm4b:s1+s3] =	stream.linear.scatter [tilespmem:s10], [sflag:$0xA], $0x4000, $0x38;
	[tilespmem:$0x1D000] =	vst v63  }
0x1ca: {  	_ =	swait.ge [sflag:s29], $0x4000  }
0x1cb: {  	[sflag:s29] =	ssyncset.done $0x0  }
0x1cc: {  	[sflag:s29] =	ssyncadd.s32 $0xFFFFC000  }
0x1cd: {  	v3 =	vld [tilespmem:$0x800];
	_ =	sdelay $0x4  }
0x1ce: {  	v48 =	vshll.u32 v3, $0x3  }
0x1cf: {  	v3 =	vand.u32 $0x7, v3;
	v4 =	vand.u32 $0xFFFFFFC0, v48  }
0x1d0: {  	v3 =	vor.u32 v3, v4  }
0x1d1: {  	v4 =	vperm.xlane v3, v0;
	_ =	sdelay $0x1  }
0x1d2: {  	v4 =	vadd.s32 v1, v4;
	_ =	sdelay $0x4  }
0x1d3: {  	[tilespmem:s10], [sflag:$0x3] =	stream.indirect_vreg.gather [hbm4b:s2+s3], $0x80, v4, vm0, $0xb8;
	[tilespmem:$0x1D000] =	vst v63  }
0x1d4: {  	s26 =	simm.s32 $0x9800;
	v3 =	vperm.xlane v3, v2  }
0x1d5: {  	[tilespmem:s26], [sflag:$0x3] =	stream.indirect_vreg.gather [hbm4b:s5+s3], $0x80, v4, vm0, $0xb8;
	[tilespmem:$0x1D000] =	vst v63  }
0x1d6: {  	v3 =	vadd.s32 v1, v3;
	s26 =	simm.s32 $0xA000  }
0x1d7: {  	[tilespmem:s26], [sflag:$0x3] =	stream.indirect_vreg.gather [hbm4b:s6+s3], $0x80, v4, vm0, $0xb8;
	[tilespmem:$0x1D000] =	vst v63  }
0x1d8: {  	s14 =	simm.s32 $0xA800  }
0x1d9: {  	[tilespmem:s14], [sflag:$0x3] =	stream.indirect_vreg.gather [hbm4b:s7+s3], $0x80, v4, vm0, $0xb8;
	[tilespmem:$0x1D000] =	vst v63  }
0x1da: {  	s14 =	simm.s32 $0xB000  }
0x1db: {  	[tilespmem:s14], [sflag:$0x3] =	stream.indirect_vreg.gather [hbm4b:s2+s3], $0x80, v3, vm0, $0xb8;
	[tilespmem:$0x1D000] =	vst v63  }
0x1dc: {  	s10 =	simm.s32 $0xB800  }
0x1dd: {  	[tilespmem:s10], [sflag:$0x3] =	stream.indirect_vreg.gather [hbm4b:s5+s3], $0x80, v3, vm0, $0xb8;
	[tilespmem:$0x1D000] =	vst v63  }
0x1de: {  	_ = 	snop  }
0x1df: {  	[tilespmem:s20], [sflag:$0x3] =	stream.indirect_vreg.gather [hbm4b:s6+s3], $0x80, v3, vm0, $0xb8;
	[tilespmem:$0x1D000] =	vst v63  }
0x1e0: {  	s20 =	simm.s32 $0xC800  }
0x1e1: {  	[tilespmem:s20], [sflag:$0x3] =	stream.indirect_vreg.gather [hbm4b:s7+s3], $0x80, v3, vm0, $0xb8;
	[tilespmem:$0x1D000] =	vst v63  }
0x1e2: {  	_ =	swait.ge [sflag:s30], $0x4000  }
0x1e3: {  	[sflag:s30] =	ssyncset.done $0x0  }
0x1e4: {  	s20 =	simm.s32 $0xD000;
	s10 =	rddreg [dreg:$0xe];
	[sflag:s30] =	ssyncadd.s32 $0xFFFFC000  }
0x1e5: {  	[hbm4b:s10+s3] =	stream.linear.scatter [tilespmem:s20], [sflag:$0xB], $0x4000, $0x38;
	[tilespmem:$0x1D000] =	vst v63  }
0x1e6: {  	_ =	swait.ge [sflag:s31], $0x4000  }
0x1e7: {  	[sflag:s31] =	ssyncset.done $0x0  }
0x1e8: {  	[sflag:s31] =	ssyncadd.s32 $0xFFFFC000  }
0x1e9: {  	v3 =	vld [tilespmem:$0x880];
	_ =	sdelay $0x4  }
0x1ea: {  	v49 =	vshll.u32 v3, $0x3  }
0x1eb: {  	v3 =	vand.u32 $0x7, v3;
	v4 =	vand.u32 $0xFFFFFFC0, v49  }
0x1ec: {  	v3 =	vor.u32 v3, v4  }
0x1ed: {  	v4 =	vperm.xlane v3, v0;
	_ =	sdelay $0x1  }
0x1ee: {  	v4 =	vadd.s32 v1, v4;
	_ =	sdelay $0x4  }
0x1ef: {  	[tilespmem:s20], [sflag:$0x4] =	stream.indirect_vreg.gather [hbm4b:s2+s3], $0x80, v4, vm0, $0xb8;
	[tilespmem:$0x1D000] =	vst v63  }
0x1f0: {  	v3 =	vperm.xlane v3, v2;
	s20 =	simm.s32 $0xD800  }
0x1f1: {  	[tilespmem:s20], [sflag:$0x4] =	stream.indirect_vreg.gather [hbm4b:s5+s3], $0x80, v4, vm0, $0xb8;
	[tilespmem:$0x1D000] =	vst v63  }
0x1f2: {  	v3 =	vadd.s32 v1, v3;
	s20 =	simm.s32 $0xE000  }
0x1f3: {  	[tilespmem:s20], [sflag:$0x4] =	stream.indirect_vreg.gather [hbm4b:s6+s3], $0x80, v4, vm0, $0xb8;
	[tilespmem:$0x1D000] =	vst v63  }
0x1f4: {  	s20 =	simm.s32 $0xE800  }
0x1f5: {  	[tilespmem:s20], [sflag:$0x4] =	stream.indirect_vreg.gather [hbm4b:s7+s3], $0x80, v4, vm0, $0xb8;
	[tilespmem:$0x1D000] =	vst v63  }
0x1f6: {  	s20 =	simm.s32 $0xF000  }
0x1f7: {  	[tilespmem:s20], [sflag:$0x4] =	stream.indirect_vreg.gather [hbm4b:s2+s3], $0x80, v3, vm0, $0xb8;
	[tilespmem:$0x1D000] =	vst v63  }
0x1f8: {  	_ = 	snop  }
0x1f9: {  	[tilespmem:s21], [sflag:$0x4] =	stream.indirect_vreg.gather [hbm4b:s5+s3], $0x80, v3, vm0, $0xb8;
	[tilespmem:$0x1D000] =	vst v63  }
0x1fa: {  	s21 =	simm.s32 $0x10000  }
0x1fb: {  	[tilespmem:s21], [sflag:$0x4] =	stream.indirect_vreg.gather [hbm4b:s6+s3], $0x80, v3, vm0, $0xb8;
	[tilespmem:$0x1D000] =	vst v63  }
0x1fc: {  	s21 =	simm.s32 $0x10800  }
0x1fd: {  	[tilespmem:s21], [sflag:$0x4] =	stream.indirect_vreg.gather [hbm4b:s7+s3], $0x80, v3, vm0, $0xb8;
	[tilespmem:$0x1D000] =	vst v63  }
0x1fe: {  	_ =	swait.ge [sflag:s0], $0x4000  }
0x1ff: {  	[sflag:s0] =	ssyncset.done $0x0  }
0x200: {  	s19 =	simm.s32 $0x11000;
	s20 =	rddreg [dreg:$0xf];
	[sflag:s0] =	ssyncadd.s32 $0xFFFFC000  }
0x201: {  	[hbm4b:s20+s3] =	stream.linear.scatter [tilespmem:s19], [sflag:$0xC], $0x4000, $0x38;
	[tilespmem:$0x1D000] =	vst v63  }
0x202: {  	_ =	swait.ge [sflag:s9], $0x4000  }
0x203: {  	[sflag:s9] =	ssyncset.done $0x0  }
0x204: {  	[sflag:s9] =	ssyncadd.s32 $0xFFFFC000  }
0x205: {  	v3 =	vld [tilespmem:$0x900];
	_ =	sdelay $0x4  }
0x206: {  	v50 =	vshll.u32 v3, $0x3  }
0x207: {  	v3 =	vand.u32 $0x7, v3;
	v4 =	vand.u32 $0xFFFFFFC0, v50  }
0x208: {  	v3 =	vor.u32 v3, v4  }
0x209: {  	v4 =	vperm.xlane v3, v0;
	_ =	sdelay $0x1  }
0x20a: {  	v4 =	vadd.s32 v1, v4;
	_ =	sdelay $0x4  }
0x20b: {  	[tilespmem:s19], [sflag:$0x5] =	stream.indirect_vreg.gather [hbm4b:s2+s3], $0x80, v4, vm0, $0xb8;
	[tilespmem:$0x1D000] =	vst v63  }
0x20c: {  	s20 =	simm.s32 $0x11800;
	v3 =	vperm.xlane v3, v2  }
0x20d: {  	[tilespmem:s20], [sflag:$0x5] =	stream.indirect_vreg.gather [hbm4b:s5+s3], $0x80, v4, vm0, $0xb8;
	[tilespmem:$0x1D000] =	vst v63  }
0x20e: {  	v3 =	vadd.s32 v1, v3;
	s19 =	simm.s32 $0x12000  }
0x20f: {  	[tilespmem:s19], [sflag:$0x5] =	stream.indirect_vreg.gather [hbm4b:s6+s3], $0x80, v4, vm0, $0xb8;
	[tilespmem:$0x1D000] =	vst v63  }
0x210: {  	s20 =	simm.s32 $0x12800  }
0x211: {  	[tilespmem:s20], [sflag:$0x5] =	stream.indirect_vreg.gather [hbm4b:s7+s3], $0x80, v4, vm0, $0xb8;
	[tilespmem:$0x1D000] =	vst v63  }
0x212: {  	s19 =	simm.s32 $0x13000  }
0x213: {  	[tilespmem:s19], [sflag:$0x5] =	stream.indirect_vreg.gather [hbm4b:s2+s3], $0x80, v3, vm0, $0xb8;
	[tilespmem:$0x1D000] =	vst v63  }
0x214: {  	s20 =	simm.s32 $0x13800  }
0x215: {  	[tilespmem:s20], [sflag:$0x5] =	stream.indirect_vreg.gather [hbm4b:s5+s3], $0x80, v3, vm0, $0xb8;
	[tilespmem:$0x1D000] =	vst v63  }
0x216: {  	s19 =	simm.s32 $0x14000  }
0x217: {  	[tilespmem:s19], [sflag:$0x5] =	stream.indirect_vreg.gather [hbm4b:s6+s3], $0x80, v3, vm0, $0xb8;
	[tilespmem:$0x1D000] =	vst v63  }
0x218: {  	s20 =	simm.s32 $0x14800  }
0x219: {  	[tilespmem:s20], [sflag:$0x5] =	stream.indirect_vreg.gather [hbm4b:s7+s3], $0x80, v3, vm0, $0xb8;
	[tilespmem:$0x1D000] =	vst v63  }
0x21a: {  	_ =	swait.ge [sflag:s11], $0x4000  }
0x21b: {  	[sflag:s11] =	ssyncset.done $0x0  }
0x21c: {  	s18 =	simm.s32 $0x15000;
	s19 =	rddreg [dreg:$0x10];
	[sflag:s11] =	ssyncadd.s32 $0xFFFFC000  }
0x21d: {  	[hbm4b:s19+s3] =	stream.linear.scatter [tilespmem:s18], [sflag:$0xD], $0x4000, $0x38;
	[tilespmem:$0x1D000] =	vst v63  }
0x21e: {  	_ =	swait.ge [sflag:s12], $0x4000  }
0x21f: {  	[sflag:s12] =	ssyncset.done $0x0  }
0x220: {  	[sflag:s12] =	ssyncadd.s32 $0xFFFFC000  }
0x221: {  	v3 =	vld [tilespmem:$0x980];
	_ =	sdelay $0x4  }
0x222: {  	v51 =	vshll.u32 v3, $0x3  }
0x223: {  	v3 =	vand.u32 $0x7, v3;
	v4 =	vand.u32 $0xFFFFFFC0, v51  }
0x224: {  	v3 =	vor.u32 v3, v4  }
0x225: {  	v4 =	vperm.xlane v3, v0;
	_ =	sdelay $0x1  }
0x226: {  	v4 =	vadd.s32 v1, v4;
	_ =	sdelay $0x4  }
0x227: {  	[tilespmem:s18], [sflag:$0x6] =	stream.indirect_vreg.gather [hbm4b:s2+s3], $0x80, v4, vm0, $0xb8;
	[tilespmem:$0x1D000] =	vst v63  }
0x228: {  	s19 =	simm.s32 $0x15800;
	v3 =	vperm.xlane v3, v2  }
0x229: {  	[tilespmem:s19], [sflag:$0x6] =	stream.indirect_vreg.gather [hbm4b:s5+s3], $0x80, v4, vm0, $0xb8;
	[tilespmem:$0x1D000] =	vst v63  }
0x22a: {  	v3 =	vadd.s32 v1, v3;
	s18 =	simm.s32 $0x16000  }
0x22b: {  	[tilespmem:s18], [sflag:$0x6] =	stream.indirect_vreg.gather [hbm4b:s6+s3], $0x80, v4, vm0, $0xb8;
	[tilespmem:$0x1D000] =	vst v63  }
0x22c: {  	s19 =	simm.s32 $0x16800  }
0x22d: {  	[tilespmem:s19], [sflag:$0x6] =	stream.indirect_vreg.gather [hbm4b:s7+s3], $0x80, v4, vm0, $0xb8;
	[tilespmem:$0x1D000] =	vst v63  }
0x22e: {  	s18 =	simm.s32 $0x17000  }
0x22f: {  	[tilespmem:s18], [sflag:$0x6] =	stream.indirect_vreg.gather [hbm4b:s2+s3], $0x80, v3, vm0, $0xb8;
	[tilespmem:$0x1D000] =	vst v63  }
0x230: {  	s19 =	simm.s32 $0x17800  }
0x231: {  	[tilespmem:s19], [sflag:$0x6] =	stream.indirect_vreg.gather [hbm4b:s5+s3], $0x80, v3, vm0, $0xb8;
	[tilespmem:$0x1D000] =	vst v63  }
0x232: {  	s18 =	simm.s32 $0x18000  }
0x233: {  	[tilespmem:s18], [sflag:$0x6] =	stream.indirect_vreg.gather [hbm4b:s6+s3], $0x80, v3, vm0, $0xb8;
	[tilespmem:$0x1D000] =	vst v63  }
0x234: {  	s19 =	simm.s32 $0x18800  }
0x235: {  	[tilespmem:s19], [sflag:$0x6] =	stream.indirect_vreg.gather [hbm4b:s7+s3], $0x80, v3, vm0, $0xb8;
	[tilespmem:$0x1D000] =	vst v63  }
0x236: {  	_ =	swait.ge [sflag:s13], $0x4000  }
0x237: {  	[sflag:s13] =	ssyncset.done $0x0  }
0x238: {  	s17 =	simm.s32 $0x19000;
	s19 =	rddreg [dreg:$0x11];
	[sflag:s13] =	ssyncadd.s32 $0xFFFFC000  }
0x239: {  	[hbm4b:s19+s3] =	stream.linear.scatter [tilespmem:s17], [sflag:$0xE], $0x4000, $0x38;
	[tilespmem:$0x1D000] =	vst v63  }
0x23a: {  	_ =	swait.ge [sflag:s8], $0x4000  }
0x23b: {  	[sflag:s8] =	ssyncset.done $0x0  }
0x23c: {  	[sflag:s8] =	ssyncadd.s32 $0xFFFFC000  }
0x23d: {  	v3 =	vld [tilespmem:$0xA00];
	_ =	sdelay $0x4  }
0x23e: {  	v52 =	vshll.u32 v3, $0x3  }
0x23f: {  	v3 =	vand.u32 $0x7, v3;
	v4 =	vand.u32 $0xFFFFFFC0, v52  }
0x240: {  	v3 =	vor.u32 v3, v4  }
0x241: {  	v4 =	vperm.xlane v3, v0;
	_ =	sdelay $0x1  }
0x242: {  	v4 =	vadd.s32 v1, v4;
	_ =	sdelay $0x4  }
0x243: {  	[tilespmem:s17], [sflag:$0x7] =	stream.indirect_vreg.gather [hbm4b:s2+s3], $0x80, v4, vm0, $0xb8;
	[tilespmem:$0x1D000] =	vst v63  }
0x244: {  	v3 =	vperm.xlane v3, v2;
	s17 =	simm.s32 $0x19800  }
0x245: {  	[tilespmem:s17], [sflag:$0x7] =	stream.indirect_vreg.gather [hbm4b:s5+s3], $0x80, v4, vm0, $0xb8;
	[tilespmem:$0x1D000] =	vst v63  }
0x246: {  	s19 =	simm.s32 $0x1A000;
	v3 =	vadd.s32 v1, v3  }
0x247: {  	[tilespmem:s19], [sflag:$0x7] =	stream.indirect_vreg.gather [hbm4b:s6+s3], $0x80, v4, vm0, $0xb8;
	[tilespmem:$0x1D000] =	vst v63  }
0x248: {  	s17 =	simm.s32 $0x1A800  }
0x249: {  	[tilespmem:s17], [sflag:$0x7] =	stream.indirect_vreg.gather [hbm4b:s7+s3], $0x80, v4, vm0, $0xb8;
	[tilespmem:$0x1D000] =	vst v63  }
0x24a: {  	s19 =	simm.s32 $0x1B000  }
0x24b: {  	[tilespmem:s19], [sflag:$0x7] =	stream.indirect_vreg.gather [hbm4b:s2+s3], $0x80, v3, vm0, $0xb8;
	[tilespmem:$0x1D000] =	vst v63  }
0x24c: {  	s17 =	simm.s32 $0x1B800  }
0x24d: {  	[tilespmem:s17], [sflag:$0x7] =	stream.indirect_vreg.gather [hbm4b:s5+s3], $0x80, v3, vm0, $0xb8;
	[tilespmem:$0x1D000] =	vst v63  }
0x24e: {  	s19 =	simm.s32 $0x1C000  }
0x24f: {  	[tilespmem:s19], [sflag:$0x7] =	stream.indirect_vreg.gather [hbm4b:s6+s3], $0x80, v3, vm0, $0xb8;
	[tilespmem:$0x1D000] =	vst v63  }
0x250: {  	s17 =	simm.s32 $0x1C800  }
0x251: {  	[tilespmem:s17], [sflag:$0x7] =	stream.indirect_vreg.gather [hbm4b:s7+s3], $0x80, v3, vm0, $0xb8;
	[tilespmem:$0x1D000] =	vst v63  }
0x252: {  	_ =	swait.ge [sflag:s22], $0x4000  }
0x253: {  	[sflag:s22] =	ssyncset.done $0x0  }
0x254: {  	s16 =	simm.s32 $0x1000;
	s19 =	rddreg [dreg:$0x12];
	[sflag:s22] =	ssyncadd.s32 $0xFFFFC000  }
0x255: {  	[hbm4b:s19+s3] =	stream.linear.scatter [tilespmem:s16], [sflag:$0x8], $0x4000, $0x38;
	[tilespmem:$0x1D000] =	vst v63  }
0x256: {  	_ =	swait.ge [sflag:s23], $0x4000  }
0x257: {  	[sflag:s23] =	ssyncset.done $0x0  }
0x258: {  	[sflag:s23] =	ssyncadd.s32 $0xFFFFC000  }
0x259: {  	v3 =	vld [tilespmem:$0xA80];
	_ =	sdelay $0x4  }
0x25a: {  	v53 =	vshll.u32 v3, $0x3  }
0x25b: {  	v3 =	vand.u32 $0x7, v3;
	v4 =	vand.u32 $0xFFFFFFC0, v53  }
0x25c: {  	v3 =	vor.u32 v3, v4  }
0x25d: {  	v4 =	vperm.xlane v3, v0;
	_ =	sdelay $0x1  }
0x25e: {  	v4 =	vadd.s32 v1, v4;
	_ =	sdelay $0x4  }
0x25f: {  	[tilespmem:s16], [sflag:$0x1] =	stream.indirect_vreg.gather [hbm4b:s2+s3], $0x80, v4, vm0, $0xb8;
	[tilespmem:$0x1D000] =	vst v63  }
0x260: {  	s17 =	simm.s32 $0x1800;
	v3 =	vperm.xlane v3, v2  }
0x261: {  	[tilespmem:s17], [sflag:$0x1] =	stream.indirect_vreg.gather [hbm4b:s5+s3], $0x80, v4, vm0, $0xb8;
	[tilespmem:$0x1D000] =	vst v63  }
0x262: {  	s19 =	simm.s32 $0x2000;
	v3 =	vadd.s32 v1, v3  }
0x263: {  	[tilespmem:s19], [sflag:$0x1] =	stream.indirect_vreg.gather [hbm4b:s6+s3], $0x80, v4, vm0, $0xb8;
	[tilespmem:$0x1D000] =	vst v63  }
0x264: {  	s16 =	simm.s32 $0x2800  }
0x265: {  	[tilespmem:s16], [sflag:$0x1] =	stream.indirect_vreg.gather [hbm4b:s7+s3], $0x80, v4, vm0, $0xb8;
	[tilespmem:$0x1D000] =	vst v63  }
0x266: {  	s17 =	simm.s32 $0x3000  }
0x267: {  	[tilespmem:s17], [sflag:$0x1] =	stream.indirect_vreg.gather [hbm4b:s2+s3], $0x80, v3, vm0, $0xb8;
	[tilespmem:$0x1D000] =	vst v63  }
0x268: {  	s19 =	simm.s32 $0x3800  }
0x269: {  	[tilespmem:s19], [sflag:$0x1] =	stream.indirect_vreg.gather [hbm4b:s5+s3], $0x80, v3, vm0, $0xb8;
	[tilespmem:$0x1D000] =	vst v63  }
0x26a: {  	s16 =	simm.s32 $0x4000  }
0x26b: {  	[tilespmem:s16], [sflag:$0x1] =	stream.indirect_vreg.gather [hbm4b:s6+s3], $0x80, v3, vm0, $0xb8;
	[tilespmem:$0x1D000] =	vst v63  }
0x26c: {  	s17 =	simm.s32 $0x4800  }
0x26d: {  	[tilespmem:s17], [sflag:$0x1] =	stream.indirect_vreg.gather [hbm4b:s7+s3], $0x80, v3, vm0, $0xb8;
	[tilespmem:$0x1D000] =	vst v63  }
0x26e: {  	_ =	swait.ge [sflag:s24], $0x4000  }
0x26f: {  	[sflag:s24] =	ssyncset.done $0x0  }
0x270: {  	s15 =	simm.s32 $0x5000;
	s19 =	rddreg [dreg:$0x13];
	[sflag:s24] =	ssyncadd.s32 $0xFFFFC000  }
0x271: {  	[hbm4b:s19+s3] =	stream.linear.scatter [tilespmem:s15], [sflag:$0x9], $0x4000, $0x38;
	[tilespmem:$0x1D000] =	vst v63  }
0x272: {  	_ =	swait.ge [sflag:s25], $0x4000  }
0x273: {  	[sflag:s25] =	ssyncset.done $0x0  }
0x274: {  	[sflag:s25] =	ssyncadd.s32 $0xFFFFC000  }
0x275: {  	v3 =	vld [tilespmem:$0xB00];
	_ =	sdelay $0x4  }
0x276: {  	v54 =	vshll.u32 v3, $0x3  }
0x277: {  	v3 =	vand.u32 $0x7, v3;
	v4 =	vand.u32 $0xFFFFFFC0, v54  }
0x278: {  	v3 =	vor.u32 v3, v4  }
0x279: {  	v4 =	vperm.xlane v3, v0;
	_ =	sdelay $0x1  }
0x27a: {  	v4 =	vadd.s32 v1, v4;
	_ =	sdelay $0x4  }
0x27b: {  	[tilespmem:s15], [sflag:$0x2] =	stream.indirect_vreg.gather [hbm4b:s2+s3], $0x80, v4, vm0, $0xb8;
	[tilespmem:$0x1D000] =	vst v63  }
0x27c: {  	v3 =	vperm.xlane v3, v2;
	s15 =	simm.s32 $0x5800  }
0x27d: {  	[tilespmem:s15], [sflag:$0x2] =	stream.indirect_vreg.gather [hbm4b:s5+s3], $0x80, v4, vm0, $0xb8;
	[tilespmem:$0x1D000] =	vst v63  }
0x27e: {  	s16 =	simm.s32 $0x6000;
	v3 =	vadd.s32 v1, v3  }
0x27f: {  	[tilespmem:s16], [sflag:$0x2] =	stream.indirect_vreg.gather [hbm4b:s6+s3], $0x80, v4, vm0, $0xb8;
	[tilespmem:$0x1D000] =	vst v63  }
0x280: {  	s17 =	simm.s32 $0x6800  }
0x281: {  	[tilespmem:s17], [sflag:$0x2] =	stream.indirect_vreg.gather [hbm4b:s7+s3], $0x80, v4, vm0, $0xb8;
	[tilespmem:$0x1D000] =	vst v63  }
0x282: {  	s19 =	simm.s32 $0x7000  }
0x283: {  	[tilespmem:s19], [sflag:$0x2] =	stream.indirect_vreg.gather [hbm4b:s2+s3], $0x80, v3, vm0, $0xb8;
	[tilespmem:$0x1D000] =	vst v63  }
0x284: {  	s15 =	simm.s32 $0x7800  }
0x285: {  	[tilespmem:s15], [sflag:$0x2] =	stream.indirect_vreg.gather [hbm4b:s5+s3], $0x80, v3, vm0, $0xb8;
	[tilespmem:$0x1D000] =	vst v63  }
0x286: {  	s16 =	simm.s32 $0x8000  }
0x287: {  	[tilespmem:s16], [sflag:$0x2] =	stream.indirect_vreg.gather [hbm4b:s6+s3], $0x80, v3, vm0, $0xb8;
	[tilespmem:$0x1D000] =	vst v63  }
0x288: {  	s17 =	simm.s32 $0x8800  }
0x289: {  	[tilespmem:s17], [sflag:$0x2] =	stream.indirect_vreg.gather [hbm4b:s7+s3], $0x80, v3, vm0, $0xb8;
	[tilespmem:$0x1D000] =	vst v63  }
0x28a: {  	_ =	swait.ge [sflag:s28], $0x4000  }
0x28b: {  	[sflag:s28] =	ssyncset.done $0x0  }
0x28c: {  	s1 =	simm.s32 $0x9000;
	s19 =	rddreg [dreg:$0x14];
	[sflag:s28] =	ssyncadd.s32 $0xFFFFC000  }
0x28d: {  	[hbm4b:s19+s3] =	stream.linear.scatter [tilespmem:s1], [sflag:$0xA], $0x4000, $0x38;
	[tilespmem:$0x1D000] =	vst v63  }
0x28e: {  	_ =	swait.ge [sflag:s29], $0x4000  }
0x28f: {  	[sflag:s29] =	ssyncset.done $0x0  }
0x290: {  	[sflag:s29] =	ssyncadd.s32 $0xFFFFC000  }
0x291: {  	v3 =	vld [tilespmem:$0xB80];
	_ =	sdelay $0x4  }
0x292: {  	v55 =	vshll.u32 v3, $0x3  }
0x293: {  	v3 =	vand.u32 $0x7, v3;
	v4 =	vand.u32 $0xFFFFFFC0, v55  }
0x294: {  	v3 =	vor.u32 v3, v4  }
0x295: {  	v4 =	vperm.xlane v3, v0;
	_ =	sdelay $0x1  }
0x296: {  	v4 =	vadd.s32 v1, v4;
	_ =	sdelay $0x4  }
0x297: {  	[tilespmem:s1], [sflag:$0x3] =	stream.indirect_vreg.gather [hbm4b:s2+s3], $0x80, v4, vm0, $0xb8;
	[tilespmem:$0x1D000] =	vst v63  }
0x298: {  	s14 =	simm.s32 $0x9800;
	v3 =	vperm.xlane v3, v2  }
0x299: {  	[tilespmem:s14], [sflag:$0x3] =	stream.indirect_vreg.gather [hbm4b:s5+s3], $0x80, v4, vm0, $0xb8;
	[tilespmem:$0x1D000] =	vst v63  }
0x29a: {  	v3 =	vadd.s32 v1, v3  }
0x29b: {  	[tilespmem:s26], [sflag:$0x3] =	stream.indirect_vreg.gather [hbm4b:s6+s3], $0x80, v4, vm0, $0xb8;
	[tilespmem:$0x1D000] =	vst v63  }
0x29c: {  	s15 =	simm.s32 $0xA800  }
0x29d: {  	[tilespmem:s15], [sflag:$0x3] =	stream.indirect_vreg.gather [hbm4b:s7+s3], $0x80, v4, vm0, $0xb8;
	[tilespmem:$0x1D000] =	vst v63  }
0x29e: {  	s16 =	simm.s32 $0xB000  }
0x29f: {  	[tilespmem:s16], [sflag:$0x3] =	stream.indirect_vreg.gather [hbm4b:s2+s3], $0x80, v3, vm0, $0xb8;
	[tilespmem:$0x1D000] =	vst v63  }
0x2a0: {  	s19 =	simm.s32 $0xB800  }
0x2a1: {  	[tilespmem:s19], [sflag:$0x3] =	stream.indirect_vreg.gather [hbm4b:s5+s3], $0x80, v3, vm0, $0xb8;
	[tilespmem:$0x1D000] =	vst v63  }
0x2a2: {  	s14 =	simm.s32 $0xC000  }
0x2a3: {  	[tilespmem:s14], [sflag:$0x3] =	stream.indirect_vreg.gather [hbm4b:s6+s3], $0x80, v3, vm0, $0xb8;
	[tilespmem:$0x1D000] =	vst v63  }
0x2a4: {  	s15 =	simm.s32 $0xC800  }
0x2a5: {  	[tilespmem:s15], [sflag:$0x3] =	stream.indirect_vreg.gather [hbm4b:s7+s3], $0x80, v3, vm0, $0xb8;
	[tilespmem:$0x1D000] =	vst v63  }
0x2a6: {  	_ =	swait.ge [sflag:s30], $0x4000  }
0x2a7: {  	[sflag:s30] =	ssyncset.done $0x0  }
0x2a8: {  	s10 =	simm.s32 $0xD000;
	s16 =	rddreg [dreg:$0x15];
	[sflag:s30] =	ssyncadd.s32 $0xFFFFC000  }
0x2a9: {  	[hbm4b:s16+s3] =	stream.linear.scatter [tilespmem:s10], [sflag:$0xB], $0x4000, $0x38;
	[tilespmem:$0x1D000] =	vst v63  }
0x2aa: {  	_ =	swait.ge [sflag:s31], $0x4000  }
0x2ab: {  	[sflag:s31] =	ssyncset.done $0x0  }
0x2ac: {  	[sflag:s31] =	ssyncadd.s32 $0xFFFFC000  }
0x2ad: {  	v3 =	vld [tilespmem:$0xC00];
	_ =	sdelay $0x4  }
0x2ae: {  	v56 =	vshll.u32 v3, $0x3  }
0x2af: {  	v3 =	vand.u32 $0x7, v3;
	v4 =	vand.u32 $0xFFFFFFC0, v56  }
0x2b0: {  	v3 =	vor.u32 v3, v4  }
0x2b1: {  	v4 =	vperm.xlane v3, v0;
	_ =	sdelay $0x1  }
0x2b2: {  	v4 =	vadd.s32 v1, v4;
	_ =	sdelay $0x4  }
0x2b3: {  	[tilespmem:s10], [sflag:$0x4] =	stream.indirect_vreg.gather [hbm4b:s2+s3], $0x80, v4, vm0, $0xb8;
	[tilespmem:$0x1D000] =	vst v63  }
0x2b4: {  	s19 =	simm.s32 $0xD800;
	v3 =	vperm.xlane v3, v2  }
0x2b5: {  	[tilespmem:s19], [sflag:$0x4] =	stream.indirect_vreg.gather [hbm4b:s5+s3], $0x80, v4, vm0, $0xb8;
	[tilespmem:$0x1D000] =	vst v63  }
0x2b6: {  	v3 =	vadd.s32 v1, v3;
	s10 =	simm.s32 $0xE000  }
0x2b7: {  	[tilespmem:s10], [sflag:$0x4] =	stream.indirect_vreg.gather [hbm4b:s6+s3], $0x80, v4, vm0, $0xb8;
	[tilespmem:$0x1D000] =	vst v63  }
0x2b8: {  	s14 =	simm.s32 $0xE800  }
0x2b9: {  	[tilespmem:s14], [sflag:$0x4] =	stream.indirect_vreg.gather [hbm4b:s7+s3], $0x80, v4, vm0, $0xb8;
	[tilespmem:$0x1D000] =	vst v63  }
0x2ba: {  	s15 =	simm.s32 $0xF000  }
0x2bb: {  	[tilespmem:s15], [sflag:$0x4] =	stream.indirect_vreg.gather [hbm4b:s2+s3], $0x80, v3, vm0, $0xb8;
	[tilespmem:$0x1D000] =	vst v63  }
0x2bc: {  	s16 =	simm.s32 $0xF800  }
0x2bd: {  	[tilespmem:s16], [sflag:$0x4] =	stream.indirect_vreg.gather [hbm4b:s5+s3], $0x80, v3, vm0, $0xb8;
	[tilespmem:$0x1D000] =	vst v63  }
0x2be: {  	s19 =	simm.s32 $0x10000  }
0x2bf: {  	[tilespmem:s19], [sflag:$0x4] =	stream.indirect_vreg.gather [hbm4b:s6+s3], $0x80, v3, vm0, $0xb8;
	[tilespmem:$0x1D000] =	vst v63  }
0x2c0: {  	_ = 	snop  }
0x2c1: {  	[tilespmem:s21], [sflag:$0x4] =	stream.indirect_vreg.gather [hbm4b:s7+s3], $0x80, v3, vm0, $0xb8;
	[tilespmem:$0x1D000] =	vst v63  }
0x2c2: {  	_ =	swait.ge [sflag:s0], $0x4000  }
0x2c3: {  	[sflag:s0] =	ssyncset.done $0x0  }
0x2c4: {  	s1 =	simm.s32 $0x11000;
	s21 =	rddreg [dreg:$0x16];
	[sflag:s0] =	ssyncadd.s32 $0xFFFFC000  }
0x2c5: {  	[hbm4b:s21+s3] =	stream.linear.scatter [tilespmem:s1], [sflag:$0xC], $0x4000, $0x38;
	[tilespmem:$0x1D000] =	vst v63  }
0x2c6: {  	_ =	swait.ge [sflag:s9], $0x4000  }
0x2c7: {  	[sflag:s9] =	ssyncset.done $0x0  }
0x2c8: {  	[sflag:s9] =	ssyncadd.s32 $0xFFFFC000  }
0x2c9: {  	v3 =	vld [tilespmem:$0xC80];
	_ =	sdelay $0x4  }
0x2ca: {  	v57 =	vshll.u32 v3, $0x3  }
0x2cb: {  	v3 =	vand.u32 $0x7, v3;
	v4 =	vand.u32 $0xFFFFFFC0, v57  }
0x2cc: {  	v3 =	vor.u32 v3, v4  }
0x2cd: {  	v4 =	vperm.xlane v3, v0;
	_ =	sdelay $0x1  }
0x2ce: {  	v4 =	vadd.s32 v1, v4;
	_ =	sdelay $0x4  }
0x2cf: {  	[tilespmem:s1], [sflag:$0x5] =	stream.indirect_vreg.gather [hbm4b:s2+s3], $0x80, v4, vm0, $0xb8;
	[tilespmem:$0x1D000] =	vst v63  }
0x2d0: {  	s15 =	simm.s32 $0x11800;
	v3 =	vperm.xlane v3, v2  }
0x2d1: {  	[tilespmem:s15], [sflag:$0x5] =	stream.indirect_vreg.gather [hbm4b:s5+s3], $0x80, v4, vm0, $0xb8;
	[tilespmem:$0x1D000] =	vst v63  }
0x2d2: {  	s21 =	simm.s32 $0x12000;
	v3 =	vadd.s32 v1, v3  }
0x2d3: {  	[tilespmem:s21], [sflag:$0x5] =	stream.indirect_vreg.gather [hbm4b:s6+s3], $0x80, v4, vm0, $0xb8;
	[tilespmem:$0x1D000] =	vst v63  }
0x2d4: {  	s10 =	simm.s32 $0x12800  }
0x2d5: {  	[tilespmem:s10], [sflag:$0x5] =	stream.indirect_vreg.gather [hbm4b:s7+s3], $0x80, v4, vm0, $0xb8;
	[tilespmem:$0x1D000] =	vst v63  }
0x2d6: {  	s14 =	simm.s32 $0x13000  }
0x2d7: {  	[tilespmem:s14], [sflag:$0x5] =	stream.indirect_vreg.gather [hbm4b:s2+s3], $0x80, v3, vm0, $0xb8;
	[tilespmem:$0x1D000] =	vst v63  }
0x2d8: {  	s15 =	simm.s32 $0x13800  }
0x2d9: {  	[tilespmem:s15], [sflag:$0x5] =	stream.indirect_vreg.gather [hbm4b:s5+s3], $0x80, v3, vm0, $0xb8;
	[tilespmem:$0x1D000] =	vst v63  }
0x2da: {  	s21 =	simm.s32 $0x14000  }
0x2db: {  	[tilespmem:s21], [sflag:$0x5] =	stream.indirect_vreg.gather [hbm4b:s6+s3], $0x80, v3, vm0, $0xb8;
	[tilespmem:$0x1D000] =	vst v63  }
0x2dc: {  	s20 =	simm.s32 $0x14800  }
0x2dd: {  	[tilespmem:s20], [sflag:$0x5] =	stream.indirect_vreg.gather [hbm4b:s7+s3], $0x80, v3, vm0, $0xb8;
	[tilespmem:$0x1D000] =	vst v63  }
0x2de: {  	_ =	swait.ge [sflag:s11], $0x4000  }
0x2df: {  	[sflag:s11] =	ssyncset.done $0x0  }
0x2e0: {  	s10 =	simm.s32 $0x15000;
	s1 =	rddreg [dreg:$0x17];
	[sflag:s11] =	ssyncadd.s32 $0xFFFFC000  }
0x2e1: {  	[hbm4b:s1+s3] =	stream.linear.scatter [tilespmem:s10], [sflag:$0xD], $0x4000, $0x38;
	[tilespmem:$0x1D000] =	vst v63  }
0x2e2: {  	_ =	swait.ge [sflag:s12], $0x4000  }
0x2e3: {  	[sflag:s12] =	ssyncset.done $0x0  }
0x2e4: {  	[sflag:s12] =	ssyncadd.s32 $0xFFFFC000  }
0x2e5: {  	v3 =	vld [tilespmem:$0xD00];
	_ =	sdelay $0x4  }
0x2e6: {  	v58 =	vshll.u32 v3, $0x3  }
0x2e7: {  	v3 =	vand.u32 $0x7, v3;
	v4 =	vand.u32 $0xFFFFFFC0, v58  }
0x2e8: {  	v3 =	vor.u32 v3, v4  }
0x2e9: {  	v4 =	vperm.xlane v3, v0;
	_ =	sdelay $0x1  }
0x2ea: {  	v4 =	vadd.s32 v1, v4;
	_ =	sdelay $0x4  }
0x2eb: {  	[tilespmem:s10], [sflag:$0x6] =	stream.indirect_vreg.gather [hbm4b:s2+s3], $0x80, v4, vm0, $0xb8;
	[tilespmem:$0x1D000] =	vst v63  }
0x2ec: {  	s15 =	simm.s32 $0x15800;
	v3 =	vperm.xlane v3, v2  }
0x2ed: {  	[tilespmem:s15], [sflag:$0x6] =	stream.indirect_vreg.gather [hbm4b:s5+s3], $0x80, v4, vm0, $0xb8;
	[tilespmem:$0x1D000] =	vst v63  }
0x2ee: {  	s21 =	simm.s32 $0x16000;
	v3 =	vadd.s32 v1, v3  }
0x2ef: {  	[tilespmem:s21], [sflag:$0x6] =	stream.indirect_vreg.gather [hbm4b:s6+s3], $0x80, v4, vm0, $0xb8;
	[tilespmem:$0x1D000] =	vst v63  }
0x2f0: {  	s10 =	simm.s32 $0x16800  }
0x2f1: {  	[tilespmem:s10], [sflag:$0x6] =	stream.indirect_vreg.gather [hbm4b:s7+s3], $0x80, v4, vm0, $0xb8;
	[tilespmem:$0x1D000] =	vst v63  }
0x2f2: {  	s14 =	simm.s32 $0x17000  }
0x2f3: {  	[tilespmem:s14], [sflag:$0x6] =	stream.indirect_vreg.gather [hbm4b:s2+s3], $0x80, v3, vm0, $0xb8;
	[tilespmem:$0x1D000] =	vst v63  }
0x2f4: {  	s15 =	simm.s32 $0x17800  }
0x2f5: {  	[tilespmem:s15], [sflag:$0x6] =	stream.indirect_vreg.gather [hbm4b:s5+s3], $0x80, v3, vm0, $0xb8;
	[tilespmem:$0x1D000] =	vst v63  }
0x2f6: {  	s18 =	simm.s32 $0x18000  }
0x2f7: {  	[tilespmem:s18], [sflag:$0x6] =	stream.indirect_vreg.gather [hbm4b:s6+s3], $0x80, v3, vm0, $0xb8;
	[tilespmem:$0x1D000] =	vst v63  }
0x2f8: {  	s18 =	simm.s32 $0x18800  }
0x2f9: {  	[tilespmem:s18], [sflag:$0x6] =	stream.indirect_vreg.gather [hbm4b:s7+s3], $0x80, v3, vm0, $0xb8;
	[tilespmem:$0x1D000] =	vst v63  }
0x2fa: {  	_ =	swait.ge [sflag:s13], $0x4000  }
0x2fb: {  	[sflag:s13] =	ssyncset.done $0x0  }
0x2fc: {  	s1 =	simm.s32 $0x19000;
	s21 =	rddreg [dreg:$0x18];
	[sflag:s13] =	ssyncadd.s32 $0xFFFFC000  }
0x2fd: {  	[hbm4b:s21+s3] =	stream.linear.scatter [tilespmem:s1], [sflag:$0xE], $0x4000, $0x38;
	[tilespmem:$0x1D000] =	vst v63  }
0x2fe: {  	_ =	swait.ge [sflag:s8], $0x4000  }
0x2ff: {  	[sflag:s8] =	ssyncset.done $0x0  }
0x300: {  	[sflag:s8] =	ssyncadd.s32 $0xFFFFC000  }
0x301: {  	v3 =	vld [tilespmem:$0xD80];
	_ =	sdelay $0x4  }
0x302: {  	v59 =	vshll.u32 v3, $0x3  }
0x303: {  	v3 =	vand.u32 $0x7, v3;
	v4 =	vand.u32 $0xFFFFFFC0, v59  }
0x304: {  	v3 =	vor.u32 v3, v4  }
0x305: {  	v4 =	vperm.xlane v3, v0;
	_ =	sdelay $0x1  }
0x306: {  	v4 =	vadd.s32 v1, v4;
	_ =	sdelay $0x4  }
0x307: {  	[tilespmem:s1], [sflag:$0x7] =	stream.indirect_vreg.gather [hbm4b:s2+s3], $0x80, v4, vm0, $0xb8;
	[tilespmem:$0x1D000] =	vst v63  }
0x308: {  	s14 =	simm.s32 $0x19800;
	v3 =	vperm.xlane v3, v2  }
0x309: {  	[tilespmem:s14], [sflag:$0x7] =	stream.indirect_vreg.gather [hbm4b:s5+s3], $0x80, v4, vm0, $0xb8;
	[tilespmem:$0x1D000] =	vst v63  }
0x30a: {  	s15 =	simm.s32 $0x1A000;
	v3 =	vadd.s32 v1, v3  }
0x30b: {  	[tilespmem:s15], [sflag:$0x7] =	stream.indirect_vreg.gather [hbm4b:s6+s3], $0x80, v4, vm0, $0xb8;
	[tilespmem:$0x1D000] =	vst v63  }
0x30c: {  	s18 =	simm.s32 $0x1A800  }
0x30d: {  	[tilespmem:s18], [sflag:$0x7] =	stream.indirect_vreg.gather [hbm4b:s7+s3], $0x80, v4, vm0, $0xb8;
	[tilespmem:$0x1D000] =	vst v63  }
0x30e: {  	s21 =	simm.s32 $0x1B000  }
0x30f: {  	[tilespmem:s21], [sflag:$0x7] =	stream.indirect_vreg.gather [hbm4b:s2+s3], $0x80, v3, vm0, $0xb8;
	[tilespmem:$0x1D000] =	vst v63  }
0x310: {  	s14 =	simm.s32 $0x1B800  }
0x311: {  	[tilespmem:s14], [sflag:$0x7] =	stream.indirect_vreg.gather [hbm4b:s5+s3], $0x80, v3, vm0, $0xb8;
	[tilespmem:$0x1D000] =	vst v63  }
0x312: {  	s15 =	simm.s32 $0x1C000  }
0x313: {  	[tilespmem:s15], [sflag:$0x7] =	stream.indirect_vreg.gather [hbm4b:s6+s3], $0x80, v3, vm0, $0xb8;
	[tilespmem:$0x1D000] =	vst v63  }
0x314: {  	s18 =	simm.s32 $0x1C800  }
0x315: {  	[tilespmem:s18], [sflag:$0x7] =	stream.indirect_vreg.gather [hbm4b:s7+s3], $0x80, v3, vm0, $0xb8;
	[tilespmem:$0x1D000] =	vst v63  }
0x316: {  	_ =	swait.ge [sflag:s22], $0x4000  }
0x317: {  	[sflag:s22] =	ssyncset.done $0x0  }
0x318: {  	s1 =	simm.s32 $0x1000;
	s21 =	rddreg [dreg:$0x19];
	[sflag:s22] =	ssyncadd.s32 $0xFFFFC000  }
0x319: {  	[hbm4b:s21+s3] =	stream.linear.scatter [tilespmem:s1], [sflag:$0x8], $0x4000, $0x38;
	[tilespmem:$0x1D000] =	vst v63  }
0x31a: {  	_ =	swait.ge [sflag:s23], $0x4000  }
0x31b: {  	[sflag:s23] =	ssyncset.done $0x0  }
0x31c: {  	[sflag:s23] =	ssyncadd.s32 $0xFFFFC000  }
0x31d: {  	v3 =	vld [tilespmem:$0xE00];
	_ =	sdelay $0x4  }
0x31e: {  	v60 =	vshll.u32 v3, $0x3  }
0x31f: {  	v3 =	vand.u32 $0x7, v3;
	v4 =	vand.u32 $0xFFFFFFC0, v60  }
0x320: {  	v3 =	vor.u32 v3, v4  }
0x321: {  	v4 =	vperm.xlane v3, v0;
	_ =	sdelay $0x1  }
0x322: {  	v4 =	vadd.s32 v1, v4;
	_ =	sdelay $0x4  }
0x323: {  	[tilespmem:s1], [sflag:$0x1] =	stream.indirect_vreg.gather [hbm4b:s2+s3], $0x80, v4, vm0, $0xb8;
	[tilespmem:$0x1D000] =	vst v63  }
0x324: {  	s18 =	simm.s32 $0x1800;
	v3 =	vperm.xlane v3, v2  }
0x325: {  	[tilespmem:s18], [sflag:$0x1] =	stream.indirect_vreg.gather [hbm4b:s5+s3], $0x80, v4, vm0, $0xb8;
	[tilespmem:$0x1D000] =	vst v63  }
0x326: {  	s21 =	simm.s32 $0x2000;
	v3 =	vadd.s32 v1, v3  }
0x327: {  	[tilespmem:s21], [sflag:$0x1] =	stream.indirect_vreg.gather [hbm4b:s6+s3], $0x80, v4, vm0, $0xb8;
	[tilespmem:$0x1D000] =	vst v63  }
0x328: {  	s14 =	simm.s32 $0x2800  }
0x329: {  	[tilespmem:s14], [sflag:$0x1] =	stream.indirect_vreg.gather [hbm4b:s7+s3], $0x80, v4, vm0, $0xb8;
	[tilespmem:$0x1D000] =	vst v63  }
0x32a: {  	s18 =	simm.s32 $0x3000  }
0x32b: {  	[tilespmem:s18], [sflag:$0x1] =	stream.indirect_vreg.gather [hbm4b:s2+s3], $0x80, v3, vm0, $0xb8;
	[tilespmem:$0x1D000] =	vst v63  }
0x32c: {  	s21 =	simm.s32 $0x3800  }
0x32d: {  	[tilespmem:s21], [sflag:$0x1] =	stream.indirect_vreg.gather [hbm4b:s5+s3], $0x80, v3, vm0, $0xb8;
	[tilespmem:$0x1D000] =	vst v63  }
0x32e: {  	s14 =	simm.s32 $0x4000  }
0x32f: {  	[tilespmem:s14], [sflag:$0x1] =	stream.indirect_vreg.gather [hbm4b:s6+s3], $0x80, v3, vm0, $0xb8;
	[tilespmem:$0x1D000] =	vst v63  }
0x330: {  	s18 =	simm.s32 $0x4800  }
0x331: {  	[tilespmem:s18], [sflag:$0x1] =	stream.indirect_vreg.gather [hbm4b:s7+s3], $0x80, v3, vm0, $0xb8;
	[tilespmem:$0x1D000] =	vst v63  }
0x332: {  	_ =	swait.ge [sflag:s24], $0x4000  }
0x333: {  	[sflag:s24] =	ssyncset.done $0x0  }
0x334: {  	s1 =	simm.s32 $0x5000;
	s21 =	rddreg [dreg:$0x1a];
	[sflag:s24] =	ssyncadd.s32 $0xFFFFC000  }
0x335: {  	[hbm4b:s21+s3] =	stream.linear.scatter [tilespmem:s1], [sflag:$0x9], $0x4000, $0x38;
	[tilespmem:$0x1D000] =	vst v63  }
0x336: {  	_ =	swait.ge [sflag:s25], $0x4000  }
0x337: {  	[sflag:s25] =	ssyncset.done $0x0  }
0x338: {  	[sflag:s25] =	ssyncadd.s32 $0xFFFFC000  }
0x339: {  	v3 =	vld [tilespmem:$0xE80];
	_ =	sdelay $0x4  }
0x33a: {  	v61 =	vshll.u32 v3, $0x3  }
0x33b: {  	v3 =	vand.u32 $0x7, v3;
	v4 =	vand.u32 $0xFFFFFFC0, v61  }
0x33c: {  	v3 =	vor.u32 v3, v4  }
0x33d: {  	v4 =	vperm.xlane v3, v0;
	_ =	sdelay $0x1  }
0x33e: {  	v4 =	vadd.s32 v1, v4;
	_ =	sdelay $0x4  }
0x33f: {  	[tilespmem:s1], [sflag:$0x2] =	stream.indirect_vreg.gather [hbm4b:s2+s3], $0x80, v4, vm0, $0xb8;
	[tilespmem:$0x1D000] =	vst v63  }
0x340: {  	s21 =	simm.s32 $0x5800;
	v3 =	vperm.xlane v3, v2  }
0x341: {  	[tilespmem:s21], [sflag:$0x2] =	stream.indirect_vreg.gather [hbm4b:s5+s3], $0x80, v4, vm0, $0xb8;
	[tilespmem:$0x1D000] =	vst v63  }
0x342: {  	s14 =	simm.s32 $0x6000;
	v3 =	vadd.s32 v1, v3  }
0x343: {  	[tilespmem:s14], [sflag:$0x2] =	stream.indirect_vreg.gather [hbm4b:s6+s3], $0x80, v4, vm0, $0xb8;
	[tilespmem:$0x1D000] =	vst v63  }
0x344: {  	s21 =	simm.s32 $0x6800  }
0x345: {  	[tilespmem:s21], [sflag:$0x2] =	stream.indirect_vreg.gather [hbm4b:s7+s3], $0x80, v4, vm0, $0xb8;
	[tilespmem:$0x1D000] =	vst v63  }
0x346: {  	s14 =	simm.s32 $0x7000  }
0x347: {  	[tilespmem:s14], [sflag:$0x2] =	stream.indirect_vreg.gather [hbm4b:s2+s3], $0x80, v3, vm0, $0xb8;
	[tilespmem:$0x1D000] =	vst v63  }
0x348: {  	s21 =	simm.s32 $0x7800  }
0x349: {  	[tilespmem:s21], [sflag:$0x2] =	stream.indirect_vreg.gather [hbm4b:s5+s3], $0x80, v3, vm0, $0xb8;
	[tilespmem:$0x1D000] =	vst v63  }
0x34a: {  	s14 =	simm.s32 $0x8000  }
0x34b: {  	[tilespmem:s14], [sflag:$0x2] =	stream.indirect_vreg.gather [hbm4b:s6+s3], $0x80, v3, vm0, $0xb8;
	[tilespmem:$0x1D000] =	vst v63  }
0x34c: {  	s21 =	simm.s32 $0x8800  }
0x34d: {  	[tilespmem:s21], [sflag:$0x2] =	stream.indirect_vreg.gather [hbm4b:s7+s3], $0x80, v3, vm0, $0xb8;
	[tilespmem:$0x1D000] =	vst v63  }
0x34e: {  	_ =	swait.ge [sflag:s28], $0x4000  }
0x34f: {  	[sflag:s28] =	ssyncset.done $0x0  }
0x350: {  	s21 =	simm.s32 $0x9000;
	s1 =	rddreg [dreg:$0x1b];
	[sflag:s28] =	ssyncadd.s32 $0xFFFFC000  }
0x351: {  	[hbm4b:s1+s3] =	stream.linear.scatter [tilespmem:s21], [sflag:$0xA], $0x4000, $0x38;
	[tilespmem:$0x1D000] =	vst v63  }
0x352: {  	_ =	swait.ge [sflag:s29], $0x4000  }
0x353: {  	[sflag:s29] =	ssyncset.done $0x0  }
0x354: {  	[sflag:s29] =	ssyncadd.s32 $0xFFFFC000  }
0x355: {  	v3 =	vld [tilespmem:$0xF00];
	_ =	sdelay $0x4  }
0x356: {  	v62 =	vshll.u32 v3, $0x3  }
0x357: {  	v3 =	vand.u32 $0x7, v3;
	v4 =	vand.u32 $0xFFFFFFC0, v62  }
0x358: {  	v3 =	vor.u32 v3, v4  }
0x359: {  	v4 =	vperm.xlane v3, v0;
	_ =	sdelay $0x1  }
0x35a: {  	v4 =	vadd.s32 v1, v4;
	_ =	sdelay $0x4  }
0x35b: {  	[tilespmem:s21], [sflag:$0x3] =	stream.indirect_vreg.gather [hbm4b:s2+s3], $0x80, v4, vm0, $0xb8;
	[tilespmem:$0x1D000] =	vst v63  }
0x35c: {  	v3 =	vperm.xlane v3, v2;
	s21 =	simm.s32 $0x9800  }
0x35d: {  	[tilespmem:s21], [sflag:$0x3] =	stream.indirect_vreg.gather [hbm4b:s5+s3], $0x80, v4, vm0, $0xb8;
	[tilespmem:$0x1D000] =	vst v63  }
0x35e: {  	s26 =	simm.s32 $0xA000;
	v3 =	vadd.s32 v1, v3  }
0x35f: {  	[tilespmem:s26], [sflag:$0x3] =	stream.indirect_vreg.gather [hbm4b:s6+s3], $0x80, v4, vm0, $0xb8;
	[tilespmem:$0x1D000] =	vst v63  }
0x360: {  	s17 =	simm.s32 $0xA800  }
0x361: {  	[tilespmem:s17], [sflag:$0x3] =	stream.indirect_vreg.gather [hbm4b:s7+s3], $0x80, v4, vm0, $0xb8;
	[tilespmem:$0x1D000] =	vst v63  }
0x362: {  	s21 =	simm.s32 $0xB000  }
0x363: {  	[tilespmem:s21], [sflag:$0x3] =	stream.indirect_vreg.gather [hbm4b:s2+s3], $0x80, v3, vm0, $0xb8;
	[tilespmem:$0x1D000] =	vst v63  }
0x364: {  	s26 =	simm.s32 $0xB800  }
0x365: {  	[tilespmem:s26], [sflag:$0x3] =	stream.indirect_vreg.gather [hbm4b:s5+s3], $0x80, v3, vm0, $0xb8;
	[tilespmem:$0x1D000] =	vst v63  }
0x366: {  	s17 =	simm.s32 $0xC000  }
0x367: {  	[tilespmem:s17], [sflag:$0x3] =	stream.indirect_vreg.gather [hbm4b:s6+s3], $0x80, v3, vm0, $0xb8;
	[tilespmem:$0x1D000] =	vst v63  }
0x368: {  	s21 =	simm.s32 $0xC800  }
0x369: {  	[tilespmem:s21], [sflag:$0x3] =	stream.indirect_vreg.gather [hbm4b:s7+s3], $0x80, v3, vm0, $0xb8;
	[tilespmem:$0x1D000] =	vst v63  }
0x36a: {  	_ =	swait.ge [sflag:s30], $0x4000  }
0x36b: {  	[sflag:s30] =	ssyncset.done $0x0  }
0x36c: {  	s17 =	simm.s32 $0xD000;
	s26 =	rddreg [dreg:$0x1c];
	[sflag:s30] =	ssyncadd.s32 $0xFFFFC000  }
0x36d: {  	[hbm4b:s26+s3] =	stream.linear.scatter [tilespmem:s17], [sflag:$0xB], $0x4000, $0x38;
	[tilespmem:$0x1D000] =	vst v63  }
0x36e: {  	_ =	swait.ge [sflag:s31], $0x4000  }
0x36f: {  	[sflag:s31] =	ssyncset.done $0x0  }
0x370: {  	[sflag:s31] =	ssyncadd.s32 $0xFFFFC000  }
0x371: {  	v3 =	vld [tilespmem:$0xF80];
	_ =	sdelay $0x4  }
0x372: {  	v63 =	vshll.u32 v3, $0x3  }
0x373: {  	v3 =	vand.u32 $0x7, v3;
	v4 =	vand.u32 $0xFFFFFFC0, v63  }
0x374: {  	v3 =	vor.u32 v3, v4  }
0x375: {  	v4 =	vperm.xlane v3, v0;
	_ =	sdelay $0x1  }
0x376: {  	v4 =	vadd.s32 v1, v4;
	_ =	sdelay $0x4  }
0x377: {  	[tilespmem:s17], [sflag:$0x4] =	stream.indirect_vreg.gather [hbm4b:s2+s3], $0x80, v4, vm0, $0xb8;
	[tilespmem:$0x1D000] =	vst v63  }
0x378: {  	s21 =	simm.s32 $0xD800;
	v3 =	vperm.xlane v3, v2  }
0x379: {  	[tilespmem:s21], [sflag:$0x4] =	stream.indirect_vreg.gather [hbm4b:s5+s3], $0x80, v4, vm0, $0xb8;
	[tilespmem:$0x1D000] =	vst v63  }
0x37a: {  	v3 =	vadd.s32 v1, v3;
	s17 =	simm.s32 $0xE000  }
0x37b: {  	[tilespmem:s17], [sflag:$0x4] =	stream.indirect_vreg.gather [hbm4b:s6+s3], $0x80, v4, vm0, $0xb8;
	[tilespmem:$0x1D000] =	vst v63  }
0x37c: {  	s21 =	simm.s32 $0xE800  }
0x37d: {  	[tilespmem:s21], [sflag:$0x4] =	stream.indirect_vreg.gather [hbm4b:s7+s3], $0x80, v4, vm0, $0xb8;
	[tilespmem:$0x1D000] =	vst v63  }
0x37e: {  	s17 =	simm.s32 $0xF000  }
0x37f: {  	[tilespmem:s17], [sflag:$0x4] =	stream.indirect_vreg.gather [hbm4b:s2+s3], $0x80, v3, vm0, $0xb8;
	[tilespmem:$0x1D000] =	vst v63  }
0x380: {  	s21 =	simm.s32 $0xF800  }
0x381: {  	[tilespmem:s21], [sflag:$0x4] =	stream.indirect_vreg.gather [hbm4b:s5+s3], $0x80, v3, vm0, $0xb8;
	[tilespmem:$0x1D000] =	vst v63  }
0x382: {  	s17 =	simm.s32 $0x10000  }
0x383: {  	[tilespmem:s17], [sflag:$0x4] =	stream.indirect_vreg.gather [hbm4b:s6+s3], $0x80, v3, vm0, $0xb8;
	[tilespmem:$0x1D000] =	vst v63  }
0x384: {  	s19 =	simm.s32 $0x10800  }
0x385: {  	[tilespmem:s19], [sflag:$0x4] =	stream.indirect_vreg.gather [hbm4b:s7+s3], $0x80, v3, vm0, $0xb8;
	[tilespmem:$0x1D000] =	vst v63  }
0x386: {  	_ =	swait.ge [sflag:s0], $0x4000  }
0x387: {  	[sflag:s0] =	ssyncset.done $0x0  }
0x388: {  	s16 =	simm.s32 $0x11000;
	s21 =	rddreg [dreg:$0x1d];
	[sflag:s0] =	ssyncadd.s32 $0xFFFFC000  }
0x389: {  	[hbm4b:s21+s3] =	stream.linear.scatter [tilespmem:s16], [sflag:$0xC], $0x4000, $0x38;
	[tilespmem:$0x1D000] =	vst v63  }
0x38a: {  	_ =	swait.ge [sflag:s11], $0x4000  }
0x38b: {  	[sflag:s11] =	ssyncset.done $0x0  }
0x38c: {  	s20 =	simm.s32 $0x15000;
	s0 =	rddreg [dreg:$0x1e];
	[sflag:s11] =	ssyncadd.s32 $0xFFFFC000  }
0x38d: {  	[hbm4b:s0+s3] =	stream.linear.scatter [tilespmem:s20], [sflag:$0xD], $0x4000, $0x38;
	[tilespmem:$0x1D000] =	vst v63  }
0x38e: {  	_ =	swait.ge [sflag:s13], $0x4000  }
0x38f: {  	[sflag:s13] =	ssyncset.done $0x0  }
0x390: {  	s10 =	simm.s32 $0x19000;
	s16 =	rddreg [dreg:$0x1f];
	[sflag:s13] =	ssyncadd.s32 $0xFFFFC000  }
0x391: {  	[hbm4b:s16+s3] =	stream.linear.scatter [tilespmem:s10], [sflag:$0xE], $0x4000, $0x38;
	[tilespmem:$0x1D000] =	vst v63  }
0x392: {  	_ =	swait.ge [sflag:s22], $0x4000  }
0x393: {  	s17 =	sld [smem:$0x7F9]  }
0x394: {  	[sflag:s22] =	ssyncset.done $0x0  }
0x395: {  	s15 =	simm.s32 $0x1000;
	[sflag:s22] =	ssyncadd.s32 $0xFFFFC000  }
0x396: {  	[hbm4b:s17+s3] =	stream.linear.scatter [tilespmem:s15], [sflag:$0x8], $0x4000, $0x38;
	[tilespmem:$0x1D000] =	vst v63  }
0x397: {  	_ =	swait.ge [sflag:s24], $0x4000  }
0x398: {  	s19 =	sld [smem:$0x7FA]  }
0x399: {  	[sflag:s24] =	ssyncset.done $0x0  }
0x39a: {  	s18 =	simm.s32 $0x5000;
	[sflag:s24] =	ssyncadd.s32 $0xFFFFC000  }
0x39b: {  	[hbm4b:s19+s3] =	stream.linear.scatter [tilespmem:s18], [sflag:$0x9], $0x4000, $0x38;
	[tilespmem:$0x1D000] =	vst v63  }
0x39c: {  	_ =	swait.ge [sflag:s28], $0x4000  }
0x39d: {  	s20 =	sld [smem:$0x7FB]  }
0x39e: {  	[sflag:s28] =	ssyncset.done $0x0  }
0x39f: {  	s1 =	simm.s32 $0x9000;
	[sflag:s28] =	ssyncadd.s32 $0xFFFFC000  }
0x3a0: {  	[hbm4b:s20+s3] =	stream.linear.scatter [tilespmem:s1], [sflag:$0xA], $0x4000, $0x38;
	[tilespmem:$0x1D000] =	vst v63  }
0x3a1: {  	_ =	swait.ge [sflag:s30], $0x4000  }
0x3a2: {  	s21 =	sld [smem:$0x7FD]  }
0x3a3: {  	[sflag:s30] =	ssyncset.done $0x0  }
0x3a4: {  	s26 =	simm.s32 $0xD000;
	[sflag:s30] =	ssyncadd.s32 $0xFFFFC000  }
0x3a5: {  	[hbm4b:s21+s3] =	stream.linear.scatter [tilespmem:s26], [sflag:$0xB], $0x4000, $0x38;
	[tilespmem:$0x1D000] =	vst v63  }
0x3a6: {  	_ =	swait.ge [sflag:s9], $0x4000  }
0x3a7: {  	[sflag:s9] =	ssyncset.done $0x0  }
0x3a8: {  	[sflag:s9] =	ssyncadd.s32 $0xFFFFC000  }
0x3a9: {  	_ =	swait.ge [sflag:s12], $0x4000  }
0x3aa: {  	[sflag:s12] =	ssyncset.done $0x0  }
0x3ab: {  	[sflag:s12] =	ssyncadd.s32 $0xFFFFC000  }
0x3ac: {  	_ =	swait.ge [sflag:s8], $0x4000  }
0x3ad: {  	[sflag:s8] =	ssyncset.done $0x0  }
0x3ae: {  	[sflag:s8] =	ssyncadd.s32 $0xFFFFC000  }
0x3af: {  	_ =	swait.ge [sflag:s23], $0x4000  }
0x3b0: {  	[sflag:s23] =	ssyncset.done $0x0  }
0x3b1: {  	[sflag:s23] =	ssyncadd.s32 $0xFFFFC000  }
0x3b2: {  	_ =	swait.ge [sflag:s25], $0x4000  }
0x3b3: {  	[sflag:s25] =	ssyncset.done $0x0  }
0x3b4: {  	[sflag:s25] =	ssyncadd.s32 $0xFFFFC000  }
0x3b5: {  	p0 =	sne.s32 s4, $0x1;
	_ =	swait.ge [sflag:s29], $0x4000  }
.Ltmp0:
0x3b6: {  	[sflag:s29] =	ssyncset.done $0x0;
	(pc) =	sbr.rel @p0 .LBB2_1-.Ltmp0, $4  }
0x3b7: {  	[sflag:s29] =	ssyncadd.s32 $0xFFFFC000  }
0x3b8: {  	_ =	swait.ge [sflag:s31], $0x4000  }
0x3b9: {  	[sflag:s31] =	ssyncset.done $0x0  }
0x3ba: {  	s4 =	sadd.s32 $0xFFFFFFFF, s4;
	[sflag:s31] =	ssyncadd.s32 $0xFFFFC000  }
0x3bb: {  	_ =	sfence.sel $0x180000  }
0x3bc: {  	[bflag:$0x0] =	sbarrier.arrive $0xFFFF  }
0x3bd: {  	_ =	strace $0x90000047  }
0x3be: {  	s0 =	stileid.u32;
	[bflag:$0x2] =	sbarrier.arrive $0xFFFF  }
0x3bf: {  	p0 =	sne.s32 s0, $0x0;
	s0 =	rddreg [dreg:$0x3]  }
0x3c0: {  	s0 =	sadd.s32 @!p0 $0x100000, s0  }
0x3c1: {  	[sflag:s0] =	ssyncadd.tile.s32 @!p0 $0x1;
	_ =	shalt  }
.Lfunc_end2:
_tile_overlayer_lowered:
.L_overlay_start_2:
0x3c2: {  	(tag) =	ssettag $0x2  }
0x3c3: {  	s0 =	rddreg [dreg:$0x0];
	s2 =	stileid.u32  }
0x3c4: {  	s1 =	rddreg [dreg:$0x1];
	p0 =	sne.s32 s2, $0x0  }
0x3c5: {  	s3 =	rddreg [dreg:$0x2];
	[bflag:$0x3] =	sbarrier.arrive $0xFFFF;
	s2 =	simm.s32 @!p0 $0x1C0F  }
0x3c6: {  	[timem:s3], [sflag:s2] =	dma.local @!p0 [hbm:s0], s1  }
0x3c7: {  	s0 =	simm.s32 @!p0 $0xF  }
0x3c8: {  	_ =	swait.ge @!p0 [sflag:s0], s1  }
0x3c9: {  	s1 =	ssub.s32 @!p0 $0x0, s1;
	[sflag:s0] =	ssyncset.done @!p0 $0x0  }
0x3ca: {  	[sflag:s0] =	ssyncadd.s32 @!p0 s1  }
0x3cb: {  	[bflag:$0x3] =	sbarrier.arrive $0xFFFF  }
0x3cc: {  	_ =	shalt  }

</sc_bundles>
